<compile_context>
chip_gen: v7x
topology: tpu7x:2x2x1
jax: 0.10.2.dev20260603
libtpu: 0.0.44.dev20260713+nightly
codegen_flags: <defaults>
</compile_context>

<pallas_src>
import functools

import jax
import jax.numpy as jnp
from jax import lax
from jax.experimental import pallas as pl
from jax.experimental.pallas import tpu as pltpu
from jax.experimental.pallas import tpu_sc as plsc

_F = 8
_IW = 128
_STREAMS = (128, 128, 128, 128, 128)


@functools.lru_cache(maxsize=None)
def _build(n_rows: int, vocab: int, d: int):
    info = plsc.get_sparse_core_info()
    num_workers = info.num_cores * info.num_subcores
    chunk_rows = sum(_STREAMS)
    assert n_rows % (num_workers * chunk_rows) == 0
    rows_per_worker = n_rows // num_workers
    n_chunks = rows_per_worker // chunk_rows
    assert n_chunks % 2 == 0

    mesh = plsc.VectorSubcoreMesh(core_axis_name="c", subcore_axis_name="s")

    @functools.partial(
        pl.kernel,
        mesh=mesh,
        compiler_params=pltpu.CompilerParams(use_tc_tiling_on_sc=False),
        out_type=jax.ShapeDtypeStruct((n_rows, d), jnp.float32),
        scratch_types=[
            pltpu.VMEM((2, chunk_rows // _IW, _IW), jnp.int32),
            pltpu.VMEM((2, chunk_rows, d), jnp.float32),
            pltpu.SemaphoreType.DMA,
            pltpu.SemaphoreType.DMA,
            pltpu.SemaphoreType.DMA,
            pltpu.SemaphoreType.DMA,
        ],
    )
    def gather_kernel(x_hbm, tab_hbm, out_hbm, idx_v, rows_v, g0, g1, o0, o1):
        sem_g = [g0, g1]
        sem_o = [o0, o1]
        wid = lax.axis_index("s") * info.num_cores + lax.axis_index("c")
        base = wid * rows_per_worker
        off_vec = (jnp.arange(16, dtype=jnp.int32) & (_F - 1)) * vocab

        def row0_of(c):
            return pl.multiple_of(base + c * chunk_rows, chunk_rows)

        def prep(c, b):
            row0 = row0_of(c)
            ib = idx_v.at[b]
            irow0 = pl.multiple_of(row0 // _IW, chunk_rows // _IW)
            pltpu.sync_copy(x_hbm.at[pl.ds(irow0, chunk_rows // _IW)], ib)
            for j in range(chunk_rows // _IW):
                for t in range(_IW // 16):
                    sl = pl.ds(t * 16, 16)
                    idx_v[b, j, sl] = idx_v[b, j, sl] + off_vec
            for j, sz in enumerate(_STREAMS):
                pltpu.async_copy(
                    tab_hbm.at[ib.at[j]],
                    rows_v.at[b, pl.ds(j * _IW, sz)],
                    sem_g[b],
                )

        def wait_gathers(b):
            pltpu.make_async_copy(
                tab_hbm.at[pl.ds(0, chunk_rows)], rows_v.at[b], sem_g[b]
            ).wait()

        def fire_out(c, b):
            pltpu.async_copy(rows_v.at[b], out_hbm.at[pl.ds(row0_of(c), chunk_rows)], sem_o[b])

        def wait_out(b):
            pltpu.make_async_copy(
                rows_v.at[b], out_hbm.at[pl.ds(0, chunk_rows)], sem_o[b]
            ).wait()

        def pair_body(i, carry):
            c0 = 2 * i

            @pl.when(i > 0)
            def _():
                wait_out(1)
            prep(c0 + 1, 1)
            wait_gathers(0)
            fire_out(c0, 0)

            @pl.when(i < n_chunks // 2 - 1)
            def _():
                wait_out(0)
                prep(c0 + 2, 0)
            wait_gathers(1)
            fire_out(c0 + 1, 1)
            return carry

        prep(0, 0)
        lax.fori_loop(0, n_chunks // 2, pair_body, 0)
        wait_out(0)
        wait_out(1)

    return gather_kernel


def kernel(x, tables):
    b, l, f = x.shape
    n_tab, vocab, d = tables.shape
    n_rows = b * l * f
    x_flat = x.reshape(n_rows // 128, 128)
    tab_flat = tables.reshape(n_tab * vocab, d)
    out = _build(n_rows, vocab, d)(x_flat, tab_flat)
    return out.reshape(b, l, f * d)

# --- scband reference (transcript-rebuilt; emitter-appended) ---
"""Pipeline reference for scband-concat-token-embedding-17910013624714 (READ-ONLY COPY).

The authoritative reference and input builder live on the scoring server;
editing this copy changes nothing except your own understanding.
"""

import jax, jax.numpy as jnp
import numpy as np

VOCAB = 100000
N_EMBED = 512
SUB_DIM = N_EMBED // 8
B = 1024
L = 200

def setup_inputs(seed: int = 0) -> dict:
    key = jax.random.key(seed)
    kx, kw = jax.random.split(key)
    x = jax.random.randint(kx, (B, L, 8), 0, VOCAB, dtype=jnp.int32)
    # 8 embedding tables, each [VOCAB, SUB_DIM], stacked as [8, VOCAB, SUB_DIM]
    tables = jax.random.normal(kw, (8, VOCAB, SUB_DIM), dtype=jnp.float32) * 0.02
    return {"x": x, "tables": tables}

def reference(x, tables):
    # Faithful translation: per-field embedding lookup then concat on last dim
    outs = [jnp.take(tables[i], x[:, :, i], axis=0) for i in range(8)]
    return jnp.concatenate(outs, axis=-1)

if __name__ == "__main__":
    import jax
    _d = setup_inputs()
    print(jax.jit(kernel)(*tuple(_d.values())))

</pallas_src>

<mosaic_0001>
#map = affine_map<(d0, d1) -> (0, 0)>
module attributes {stable_mosaic.version = 14 : i64} {
  func.func @gather_kernel(%arg0: i32, %arg1: i32, %arg2: memref<12800x128xi32, #tpu.memory_space<hbm>>, %arg3: memref<800000x64xf32, #tpu.memory_space<hbm>>, %arg4: memref<1638400x64xf32, #tpu.memory_space<hbm>>, %arg5: memref<2x5x128xi32, #tpu.memory_space<vmem>>, %arg6: memref<2x640x64xf32, #tpu.memory_space<vmem>>, %arg7: memref<!tpu.dma_semaphore, #tpu.memory_space<semaphore_mem>>, %arg8: memref<!tpu.dma_semaphore, #tpu.memory_space<semaphore_mem>>, %arg9: memref<!tpu.dma_semaphore, #tpu.memory_space<semaphore_mem>>, %arg10: memref<!tpu.dma_semaphore, #tpu.memory_space<semaphore_mem>>) attributes {dimension_semantics = [#tpu.dimension_semantics<core_parallel>, #tpu.dimension_semantics<subcore_parallel>], iteration_bounds = array<i64: 2, 16>, scalar_prefetch = 0 : i64, scratch_operands = 6 : i64, tpu.core_type = #tpu.core_type<sc_vector_subcore>, window_params = [{transform_indices = #map}, {transform_indices = #map}, {transform_indices = #map}]} {
    %mul3A = arith.constant 2 : i32
    %mul3A_0 = arith.muli %arg1, %mul3A : i32
    %add3A = arith.addi %mul3A_0, %arg0 : i32
    %mul3A_1 = arith.constant 51200 : i32
    %mul3A_2 = arith.muli %add3A, %mul3A_1 : i32
    %iota3A = tpu.iota {dimensions = array<i32: 0>} : vector<16xi32>
    %and3A = arith.constant 7 : i32
    %and3A_3 = vector.broadcast %and3A : i32 to vector<16xi32>
    %and3A_4 = arith.andi %iota3A, %and3A_3 : vector<16xi32>
    %mul3A_5 = arith.constant 100000 : i32
    %mul3A_6 = vector.broadcast %mul3A_5 : i32 to vector<16xi32>
    %mul3A_7 = arith.muli %and3A_4, %mul3A_6 : vector<16xi32>
    %add3A_8 = arith.constant 0 : i32
    %add3A_9 = arith.addi %mul3A_2, %add3A_8 : i32
    %multiple_of3A = tpu.assume_multiple %add3A_9, 640 : i32
    %jit3A = arith.constant 128 : i32
    %div3A = arith.divsi %multiple_of3A, %jit3A : i32
    %sign3A = arith.constant 0 : i32
    %sign3A_10 = arith.cmpi sgt, %multiple_of3A, %sign3A : i32
    %sign3A_11 = arith.extui %sign3A_10 : i1 to i32
    %sign3A_12 = arith.constant 0 : i32
    %sign3A_13 = arith.cmpi slt, %multiple_of3A, %sign3A_12 : i32
    %sign3A_14 = arith.extui %sign3A_13 : i1 to i32
    %sign3A_15 = arith.subi %sign3A_11, %sign3A_14 : i32
    %sign3A_16 = arith.constant 0 : i32
    %sign3A_17 = arith.cmpi sgt, %jit3A, %sign3A_16 : i32
    %sign3A_18 = arith.extui %sign3A_17 : i1 to i32
    %sign3A_19 = arith.constant 0 : i32
    %sign3A_20 = arith.cmpi slt, %jit3A, %sign3A_19 : i32
    %sign3A_21 = arith.extui %sign3A_20 : i1 to i32
    %sign3A_22 = arith.subi %sign3A_18, %sign3A_21 : i32
    %ne3A = arith.cmpi ne, %sign3A_15, %sign3A_22 : i32
    %rem3A = arith.remsi %multiple_of3A, %jit3A : i32
    %ne3A_23 = arith.constant 0 : i32
    %ne3A_24 = arith.cmpi ne, %rem3A, %ne3A_23 : i32
    %and3A_25 = arith.andi %ne3A, %ne3A_24 : i1
    %sub3A = arith.constant 1 : i32
    %sub3A_26 = arith.subi %div3A, %sub3A : i32
    %select_n3A = arith.select %and3A_25, %sub3A_26, %div3A : i32
    %multiple_of3A_27 = tpu.assume_multiple %select_n3A, 5 : i32
    %run_scoped3A = arith.constant 0 : i32
    "tpu.region"() ({
      %run_scoped3A_784 = tpu.sem_alloc : memref<!tpu.dma_semaphore, #tpu.memory_space<semaphore_mem>>
      %dma_start3A_785 = arith.constant 0 : i32
      %dma_start3A_786 = arith.constant 0 : i32
      %dma_start3A_787 = tpu.memref_slice %arg5[%run_scoped3A, %dma_start3A_785, %dma_start3A_786] : memref<2x5x128xi32, #tpu.memory_space<vmem>> -> memref<1x5x128xi32, #tpu.memory_space<vmem>>
      %dma_start3A_788 = tpu.memref_squeeze %dma_start3A_787 : memref<1x5x128xi32, #tpu.memory_space<vmem>> -> memref<5x128xi32, #tpu.memory_space<vmem>>
      %dma_start3A_789 = arith.constant 0 : i32
      %dma_start3A_790 = tpu.memref_slice %arg2[%multiple_of3A_27, %dma_start3A_789] : memref<12800x128xi32, #tpu.memory_space<hbm>> -> memref<5x128xi32, #tpu.memory_space<hbm>>
      %dma_start3A_791 = arith.constant 0 : i32
      %dma_start3A_792 = arith.constant 0 : i32
      %dma_start3A_793 = tpu.memref_slice %arg5[%run_scoped3A, %dma_start3A_791, %dma_start3A_792] : memref<2x5x128xi32, #tpu.memory_space<vmem>> -> memref<1x5x128xi32, #tpu.memory_space<vmem>>
      %dma_start3A_794 = tpu.memref_squeeze %dma_start3A_793 : memref<1x5x128xi32, #tpu.memory_space<vmem>> -> memref<5x128xi32, #tpu.memory_space<vmem>>
      %dma_start3A_795 = arith.constant 0 : i32
      %dma_start3A_796 = tpu.memref_slice %arg2[%multiple_of3A_27, %dma_start3A_795] : memref<12800x128xi32, #tpu.memory_space<hbm>> -> memref<5x128xi32, #tpu.memory_space<hbm>>
      tpu.enqueue_dma source(%dma_start3A_796 : memref<5x128xi32, #tpu.memory_space<hbm>>) target(%dma_start3A_794 : memref<5x128xi32, #tpu.memory_space<vmem>>) target_semaphore(%run_scoped3A_784 : memref<!tpu.dma_semaphore, #tpu.memory_space<semaphore_mem>>)
      %dma_wait3A_797 = arith.constant 0 : i32
      %dma_wait3A_798 = arith.constant 0 : i32
      %dma_wait3A_799 = tpu.memref_slice %arg5[%run_scoped3A, %dma_wait3A_797, %dma_wait3A_798] : memref<2x5x128xi32, #tpu.memory_space<vmem>> -> memref<1x5x128xi32, #tpu.memory_space<vmem>>
      %dma_wait3A_800 = tpu.memref_squeeze %dma_wait3A_799 : memref<1x5x128xi32, #tpu.memory_space<vmem>> -> memref<5x128xi32, #tpu.memory_space<vmem>>
      %dma_wait3A_801 = arith.constant 0 : i32
      %dma_wait3A_802 = tpu.memref_slice %arg2[%multiple_of3A_27, %dma_wait3A_801] : memref<12800x128xi32, #tpu.memory_space<hbm>> -> memref<5x128xi32, #tpu.memory_space<hbm>>
      %dma_wait3A_803 = arith.constant 0 : i32
      %dma_wait3A_804 = arith.constant 0 : i32
      %dma_wait3A_805 = tpu.memref_slice %arg5[%run_scoped3A, %dma_wait3A_803, %dma_wait3A_804] : memref<2x5x128xi32, #tpu.memory_space<vmem>> -> memref<1x5x128xi32, #tpu.memory_space<vmem>>
      %dma_wait3A_806 = tpu.memref_squeeze %dma_wait3A_805 : memref<1x5x128xi32, #tpu.memory_space<vmem>> -> memref<5x128xi32, #tpu.memory_space<vmem>>
      %dma_wait3A_807 = arith.constant 0 : i32
      %dma_wait3A_808 = tpu.memref_slice %arg2[%multiple_of3A_27, %dma_wait3A_807] : memref<12800x128xi32, #tpu.memory_space<hbm>> -> memref<5x128xi32, #tpu.memory_space<hbm>>
      tpu.wait_dma2 semaphore(%run_scoped3A_784 : memref<!tpu.dma_semaphore, #tpu.memory_space<semaphore_mem>>) src(%dma_wait3A_808 : memref<5x128xi32, #tpu.memory_space<hbm>>) dst(%dma_wait3A_806 : memref<5x128xi32, #tpu.memory_space<vmem>>)
      tpu.yield
    }) : () -> ()
    %get3A = arith.constant 0 : i32
    %get3A_28 = arith.constant 0 : i32
    %get3A_29 = arith.index_cast %get3A : i32 to index
    %get3A_30 = arith.index_cast %get3A_28 : i32 to index
    %get3A_31 = arith.constant 0 : index
    %get3A_32 = tpu.vector_load %arg5[%get3A_29, %get3A_30, %get3A_31] {strides = array<i32>} : memref<2x5x128xi32, #tpu.memory_space<vmem>>, vector<1x1x16xi32>,
    %get3A_33 = vector.shape_cast %get3A_32 : vector<1x1x16xi32> to vector<16xi32>
    %add3A_34 = arith.addi %get3A_33, %mul3A_7 : vector<16xi32>
    %swap3A = arith.constant 0 : i32
    %swap3A_35 = arith.constant 0 : i32
    %swap3A_36 = arith.index_cast %swap3A : i32 to index
    %swap3A_37 = arith.index_cast %swap3A_35 : i32 to index
    %swap3A_38 = arith.constant 0 : index
    %swap3A_39 = tpu.vector_load %arg5[%swap3A_36, %swap3A_37, %swap3A_38] {strides = array<i32>} : memref<2x5x128xi32, #tpu.memory_space<vmem>>, vector<1x1x16xi32>,
    %swap3A_40 = vector.shape_cast %swap3A_39 : vector<1x1x16xi32> to vector<16xi32>
    %swap3A_41 = vector.shape_cast %add3A_34 : vector<16xi32> to vector<1x1x16xi32>
    tpu.vector_store %arg5[%swap3A_36, %swap3A_37, %swap3A_38], %swap3A_41 {strides = array<i32>} : memref<2x5x128xi32, #tpu.memory_space<vmem>>, vector<1x1x16xi32>,
    %get3A_42 = arith.constant 0 : i32
    %get3A_43 = arith.constant 0 : i32
    %get3A_44 = arith.index_cast %get3A_42 : i32 to index
    %get3A_45 = arith.index_cast %get3A_43 : i32 to index
    %get3A_46 = arith.constant 16 : index
    %get3A_47 = tpu.vector_load %arg5[%get3A_44, %get3A_45, %get3A_46] {strides = array<i32>} : memref<2x5x128xi32, #tpu.memory_space<vmem>>, vector<1x1x16xi32>,
    %get3A_48 = vector.shape_cast %get3A_47 : vector<1x1x16xi32> to vector<16xi32>
    %add3A_49 = arith.addi %get3A_48, %mul3A_7 : vector<16xi32>
    %swap3A_50 = arith.constant 0 : i32
    %swap3A_51 = arith.constant 0 : i32
    %swap3A_52 = arith.index_cast %swap3A_50 : i32 to index
    %swap3A_53 = arith.index_cast %swap3A_51 : i32 to index
    %swap3A_54 = arith.constant 16 : index
    %swap3A_55 = tpu.vector_load %arg5[%swap3A_52, %swap3A_53, %swap3A_54] {strides = array<i32>} : memref<2x5x128xi32, #tpu.memory_space<vmem>>, vector<1x1x16xi32>,
    %swap3A_56 = vector.shape_cast %swap3A_55 : vector<1x1x16xi32> to vector<16xi32>
    %swap3A_57 = vector.shape_cast %add3A_49 : vector<16xi32> to vector<1x1x16xi32>
    tpu.vector_store %arg5[%swap3A_52, %swap3A_53, %swap3A_54], %swap3A_57 {strides = array<i32>} : memref<2x5x128xi32, #tpu.memory_space<vmem>>, vector<1x1x16xi32>,
    %get3A_58 = arith.constant 0 : i32
    %get3A_59 = arith.constant 0 : i32
    %get3A_60 = arith.index_cast %get3A_58 : i32 to index
    %get3A_61 = arith.index_cast %get3A_59 : i32 to index
    %get3A_62 = arith.constant 32 : index
    %get3A_63 = tpu.vector_load %arg5[%get3A_60, %get3A_61, %get3A_62] {strides = array<i32>} : memref<2x5x128xi32, #tpu.memory_space<vmem>>, vector<1x1x16xi32>,
    %get3A_64 = vector.shape_cast %get3A_63 : vector<1x1x16xi32> to vector<16xi32>
    %add3A_65 = arith.addi %get3A_64, %mul3A_7 : vector<16xi32>
    %swap3A_66 = arith.constant 0 : i32
    %swap3A_67 = arith.constant 0 : i32
    %swap3A_68 = arith.index_cast %swap3A_66 : i32 to index
    %swap3A_69 = arith.index_cast %swap3A_67 : i32 to index
    %swap3A_70 = arith.constant 32 : index
    %swap3A_71 = tpu.vector_load %arg5[%swap3A_68, %swap3A_69, %swap3A_70] {strides = array<i32>} : memref<2x5x128xi32, #tpu.memory_space<vmem>>, vector<1x1x16xi32>,
    %swap3A_72 = vector.shape_cast %swap3A_71 : vector<1x1x16xi32> to vector<16xi32>
    %swap3A_73 = vector.shape_cast %add3A_65 : vector<16xi32> to vector<1x1x16xi32>
    tpu.vector_store %arg5[%swap3A_68, %swap3A_69, %swap3A_70], %swap3A_73 {strides = array<i32>} : memref<2x5x128xi32, #tpu.memory_space<vmem>>, vector<1x1x16xi32>,
    %get3A_74 = arith.constant 0 : i32
    %get3A_75 = arith.constant 0 : i32
    %get3A_76 = arith.index_cast %get3A_74 : i32 to index
    %get3A_77 = arith.index_cast %get3A_75 : i32 to index
    %get3A_78 = arith.constant 48 : index
    %get3A_79 = tpu.vector_load %arg5[%get3A_76, %get3A_77, %get3A_78] {strides = array<i32>} : memref<2x5x128xi32, #tpu.memory_space<vmem>>, vector<1x1x16xi32>,
    %get3A_80 = vector.shape_cast %get3A_79 : vector<1x1x16xi32> to vector<16xi32>
    %add3A_81 = arith.addi %get3A_80, %mul3A_7 : vector<16xi32>
    %swap3A_82 = arith.constant 0 : i32
    %swap3A_83 = arith.constant 0 : i32
    %swap3A_84 = arith.index_cast %swap3A_82 : i32 to index
    %swap3A_85 = arith.index_cast %swap3A_83 : i32 to index
    %swap3A_86 = arith.constant 48 : index
    %swap3A_87 = tpu.vector_load %arg5[%swap3A_84, %swap3A_85, %swap3A_86] {strides = array<i32>} : memref<2x5x128xi32, #tpu.memory_space<vmem>>, vector<1x1x16xi32>,
    %swap3A_88 = vector.shape_cast %swap3A_87 : vector<1x1x16xi32> to vector<16xi32>
    %swap3A_89 = vector.shape_cast %add3A_81 : vector<16xi32> to vector<1x1x16xi32>
    tpu.vector_store %arg5[%swap3A_84, %swap3A_85, %swap3A_86], %swap3A_89 {strides = array<i32>} : memref<2x5x128xi32, #tpu.memory_space<vmem>>, vector<1x1x16xi32>,
    %get3A_90 = arith.constant 0 : i32
    %get3A_91 = arith.constant 0 : i32
    %get3A_92 = arith.index_cast %get3A_90 : i32 to index
    %get3A_93 = arith.index_cast %get3A_91 : i32 to index
    %get3A_94 = arith.constant 64 : index
    %get3A_95 = tpu.vector_load %arg5[%get3A_92, %get3A_93, %get3A_94] {strides = array<i32>} : memref<2x5x128xi32, #tpu.memory_space<vmem>>, vector<1x1x16xi32>,
    %get3A_96 = vector.shape_cast %get3A_95 : vector<1x1x16xi32> to vector<16xi32>
    %add3A_97 = arith.addi %get3A_96, %mul3A_7 : vector<16xi32>
    %swap3A_98 = arith.constant 0 : i32
    %swap3A_99 = arith.constant 0 : i32
    %swap3A_100 = arith.index_cast %swap3A_98 : i32 to index
    %swap3A_101 = arith.index_cast %swap3A_99 : i32 to index
    %swap3A_102 = arith.constant 64 : index
    %swap3A_103 = tpu.vector_load %arg5[%swap3A_100, %swap3A_101, %swap3A_102] {strides = array<i32>} : memref<2x5x128xi32, #tpu.memory_space<vmem>>, vector<1x1x16xi32>,
    %swap3A_104 = vector.shape_cast %swap3A_103 : vector<1x1x16xi32> to vector<16xi32>
    %swap3A_105 = vector.shape_cast %add3A_97 : vector<16xi32> to vector<1x1x16xi32>
    tpu.vector_store %arg5[%swap3A_100, %swap3A_101, %swap3A_102], %swap3A_105 {strides = array<i32>} : memref<2x5x128xi32, #tpu.memory_space<vmem>>, vector<1x1x16xi32>,
    %get3A_106 = arith.constant 0 : i32
    %get3A_107 = arith.constant 0 : i32
    %get3A_108 = arith.index_cast %get3A_106 : i32 to index
    %get3A_109 = arith.index_cast %get3A_107 : i32 to index
    %get3A_110 = arith.constant 80 : index
    %get3A_111 = tpu.vector_load %arg5[%get3A_108, %get3A_109, %get3A_110] {strides = array<i32>} : memref<2x5x128xi32, #tpu.memory_space<vmem>>, vector<1x1x16xi32>,
    %get3A_112 = vector.shape_cast %get3A_111 : vector<1x1x16xi32> to vector<16xi32>
    %add3A_113 = arith.addi %get3A_112, %mul3A_7 : vector<16xi32>
    %swap3A_114 = arith.constant 0 : i32
    %swap3A_115 = arith.constant 0 : i32
    %swap3A_116 = arith.index_cast %swap3A_114 : i32 to index
    %swap3A_117 = arith.index_cast %swap3A_115 : i32 to index
    %swap3A_118 = arith.constant 80 : index
    %swap3A_119 = tpu.vector_load %arg5[%swap3A_116, %swap3A_117, %swap3A_118] {strides = array<i32>} : memref<2x5x128xi32, #tpu.memory_space<vmem>>, vector<1x1x16xi32>,
    %swap3A_120 = vector.shape_cast %swap3A_119 : vector<1x1x16xi32> to vector<16xi32>
    %swap3A_121 = vector.shape_cast %add3A_113 : vector<16xi32> to vector<1x1x16xi32>
    tpu.vector_store %arg5[%swap3A_116, %swap3A_117, %swap3A_118], %swap3A_121 {strides = array<i32>} : memref<2x5x128xi32, #tpu.memory_space<vmem>>, vector<1x1x16xi32>,
    %get3A_122 = arith.constant 0 : i32
    %get3A_123 = arith.constant 0 : i32
    %get3A_124 = arith.index_cast %get3A_122 : i32 to index
    %get3A_125 = arith.index_cast %get3A_123 : i32 to index
    %get3A_126 = arith.constant 96 : index
    %get3A_127 = tpu.vector_load %arg5[%get3A_124, %get3A_125, %get3A_126] {strides = array<i32>} : memref<2x5x128xi32, #tpu.memory_space<vmem>>, vector<1x1x16xi32>,
    %get3A_128 = vector.shape_cast %get3A_127 : vector<1x1x16xi32> to vector<16xi32>
    %add3A_129 = arith.addi %get3A_128, %mul3A_7 : vector<16xi32>
    %swap3A_130 = arith.constant 0 : i32
    %swap3A_131 = arith.constant 0 : i32
    %swap3A_132 = arith.index_cast %swap3A_130 : i32 to index
    %swap3A_133 = arith.index_cast %swap3A_131 : i32 to index
    %swap3A_134 = arith.constant 96 : index
    %swap3A_135 = tpu.vector_load %arg5[%swap3A_132, %swap3A_133, %swap3A_134] {strides = array<i32>} : memref<2x5x128xi32, #tpu.memory_space<vmem>>, vector<1x1x16xi32>,
    %swap3A_136 = vector.shape_cast %swap3A_135 : vector<1x1x16xi32> to vector<16xi32>
    %swap3A_137 = vector.shape_cast %add3A_129 : vector<16xi32> to vector<1x1x16xi32>
    tpu.vector_store %arg5[%swap3A_132, %swap3A_133, %swap3A_134], %swap3A_137 {strides = array<i32>} : memref<2x5x128xi32, #tpu.memory_space<vmem>>, vector<1x1x16xi32>,
    %get3A_138 = arith.constant 0 : i32
    %get3A_139 = arith.constant 0 : i32
    %get3A_140 = arith.index_cast %get3A_138 : i32 to index
    %get3A_141 = arith.index_cast %get3A_139 : i32 to index
    %get3A_142 = arith.constant 112 : index
    %get3A_143 = tpu.vector_load %arg5[%get3A_140, %get3A_141, %get3A_142] {strides = array<i32>} : memref<2x5x128xi32, #tpu.memory_space<vmem>>, vector<1x1x16xi32>,
    %get3A_144 = vector.shape_cast %get3A_143 : vector<1x1x16xi32> to vector<16xi32>
    %add3A_145 = arith.addi %get3A_144, %mul3A_7 : vector<16xi32>
    %swap3A_146 = arith.constant 0 : i32
    %swap3A_147 = arith.constant 0 : i32
    %swap3A_148 = arith.index_cast %swap3A_146 : i32 to index
    %swap3A_149 = arith.index_cast %swap3A_147 : i32 to index
    %swap3A_150 = arith.constant 112 : index
    %swap3A_151 = tpu.vector_load %arg5[%swap3A_148, %swap3A_149, %swap3A_150] {strides = array<i32>} : memref<2x5x128xi32, #tpu.memory_space<vmem>>, vector<1x1x16xi32>,
    %swap3A_152 = vector.shape_cast %swap3A_151 : vector<1x1x16xi32> to vector<16xi32>
    %swap3A_153 = vector.shape_cast %add3A_145 : vector<16xi32> to vector<1x1x16xi32>
    tpu.vector_store %arg5[%swap3A_148, %swap3A_149, %swap3A_150], %swap3A_153 {strides = array<i32>} : memref<2x5x128xi32, #tpu.memory_space<vmem>>, vector<1x1x16xi32>,
    %get3A_154 = arith.constant 0 : i32
    %get3A_155 = arith.constant 1 : i32
    %get3A_156 = arith.index_cast %get3A_154 : i32 to index
    %get3A_157 = arith.index_cast %get3A_155 : i32 to index
    %get3A_158 = arith.constant 0 : index
    %get3A_159 = tpu.vector_load %arg5[%get3A_156, %get3A_157, %get3A_158] {strides = array<i32>} : memref<2x5x128xi32, #tpu.memory_space<vmem>>, vector<1x1x16xi32>,
    %get3A_160 = vector.shape_cast %get3A_159 : vector<1x1x16xi32> to vector<16xi32>
    %add3A_161 = arith.addi %get3A_160, %mul3A_7 : vector<16xi32>
    %swap3A_162 = arith.constant 0 : i32
    %swap3A_163 = arith.constant 1 : i32
    %swap3A_164 = arith.index_cast %swap3A_162 : i32 to index
    %swap3A_165 = arith.index_cast %swap3A_163 : i32 to index
    %swap3A_166 = arith.constant 0 : index
    %swap3A_167 = tpu.vector_load %arg5[%swap3A_164, %swap3A_165, %swap3A_166] {strides = array<i32>} : memref<2x5x128xi32, #tpu.memory_space<vmem>>, vector<1x1x16xi32>,
    %swap3A_168 = vector.shape_cast %swap3A_167 : vector<1x1x16xi32> to vector<16xi32>
    %swap3A_169 = vector.shape_cast %add3A_161 : vector<16xi32> to vector<1x1x16xi32>
    tpu.vector_store %arg5[%swap3A_164, %swap3A_165, %swap3A_166], %swap3A_169 {strides = array<i32>} : memref<2x5x128xi32, #tpu.memory_space<vmem>>, vector<1x1x16xi32>,
    %get3A_170 = arith.constant 0 : i32
    %get3A_171 = arith.constant 1 : i32
    %get3A_172 = arith.index_cast %get3A_170 : i32 to index
    %get3A_173 = arith.index_cast %get3A_171 : i32 to index
    %get3A_174 = arith.constant 16 : index
    %get3A_175 = tpu.vector_load %arg5[%get3A_172, %get3A_173, %get3A_174] {strides = array<i32>} : memref<2x5x128xi32, #tpu.memory_space<vmem>>, vector<1x1x16xi32>,
    %get3A_176 = vector.shape_cast %get3A_175 : vector<1x1x16xi32> to vector<16xi32>
    %add3A_177 = arith.addi %get3A_176, %mul3A_7 : vector<16xi32>
    %swap3A_178 = arith.constant 0 : i32
    %swap3A_179 = arith.constant 1 : i32
    %swap3A_180 = arith.index_cast %swap3A_178 : i32 to index
    %swap3A_181 = arith.index_cast %swap3A_179 : i32 to index
    %swap3A_182 = arith.constant 16 : index
    %swap3A_183 = tpu.vector_load %arg5[%swap3A_180, %swap3A_181, %swap3A_182] {strides = array<i32>} : memref<2x5x128xi32, #tpu.memory_space<vmem>>, vector<1x1x16xi32>,
    %swap3A_184 = vector.shape_cast %swap3A_183 : vector<1x1x16xi32> to vector<16xi32>
    %swap3A_185 = vector.shape_cast %add3A_177 : vector<16xi32> to vector<1x1x16xi32>
    tpu.vector_store %arg5[%swap3A_180, %swap3A_181, %swap3A_182], %swap3A_185 {strides = array<i32>} : memref<2x5x128xi32, #tpu.memory_space<vmem>>, vector<1x1x16xi32>,
    %get3A_186 = arith.constant 0 : i32
    %get3A_187 = arith.constant 1 : i32
    %get3A_188 = arith.index_cast %get3A_186 : i32 to index
    %get3A_189 = arith.index_cast %get3A_187 : i32 to index
    %get3A_190 = arith.constant 32 : index
    %get3A_191 = tpu.vector_load %arg5[%get3A_188, %get3A_189, %get3A_190] {strides = array<i32>} : memref<2x5x128xi32, #tpu.memory_space<vmem>>, vector<1x1x16xi32>,
    %get3A_192 = vector.shape_cast %get3A_191 : vector<1x1x16xi32> to vector<16xi32>
    %add3A_193 = arith.addi %get3A_192, %mul3A_7 : vector<16xi32>
    %swap3A_194 = arith.constant 0 : i32
    %swap3A_195 = arith.constant 1 : i32
    %swap3A_196 = arith.index_cast %swap3A_194 : i32 to index
    %swap3A_197 = arith.index_cast %swap3A_195 : i32 to index
    %swap3A_198 = arith.constant 32 : index
    %swap3A_199 = tpu.vector_load %arg5[%swap3A_196, %swap3A_197, %swap3A_198] {strides = array<i32>} : memref<2x5x128xi32, #tpu.memory_space<vmem>>, vector<1x1x16xi32>,
    %swap3A_200 = vector.shape_cast %swap3A_199 : vector<1x1x16xi32> to vector<16xi32>
    %swap3A_201 = vector.shape_cast %add3A_193 : vector<16xi32> to vector<1x1x16xi32>
    tpu.vector_store %arg5[%swap3A_196, %swap3A_197, %swap3A_198], %swap3A_201 {strides = array<i32>} : memref<2x5x128xi32, #tpu.memory_space<vmem>>, vector<1x1x16xi32>,
    %get3A_202 = arith.constant 0 : i32
    %get3A_203 = arith.constant 1 : i32
    %get3A_204 = arith.index_cast %get3A_202 : i32 to index
    %get3A_205 = arith.index_cast %get3A_203 : i32 to index
    %get3A_206 = arith.constant 48 : index
    %get3A_207 = tpu.vector_load %arg5[%get3A_204, %get3A_205, %get3A_206] {strides = array<i32>} : memref<2x5x128xi32, #tpu.memory_space<vmem>>, vector<1x1x16xi32>,
    %get3A_208 = vector.shape_cast %get3A_207 : vector<1x1x16xi32> to vector<16xi32>
    %add3A_209 = arith.addi %get3A_208, %mul3A_7 : vector<16xi32>
    %swap3A_210 = arith.constant 0 : i32
    %swap3A_211 = arith.constant 1 : i32
    %swap3A_212 = arith.index_cast %swap3A_210 : i32 to index
    %swap3A_213 = arith.index_cast %swap3A_211 : i32 to index
    %swap3A_214 = arith.constant 48 : index
    %swap3A_215 = tpu.vector_load %arg5[%swap3A_212, %swap3A_213, %swap3A_214] {strides = array<i32>} : memref<2x5x128xi32, #tpu.memory_space<vmem>>, vector<1x1x16xi32>,
    %swap3A_216 = vector.shape_cast %swap3A_215 : vector<1x1x16xi32> to vector<16xi32>
    %swap3A_217 = vector.shape_cast %add3A_209 : vector<16xi32> to vector<1x1x16xi32>
    tpu.vector_store %arg5[%swap3A_212, %swap3A_213, %swap3A_214], %swap3A_217 {strides = array<i32>} : memref<2x5x128xi32, #tpu.memory_space<vmem>>, vector<1x1x16xi32>,
    %get3A_218 = arith.constant 0 : i32
    %get3A_219 = arith.constant 1 : i32
    %get3A_220 = arith.index_cast %get3A_218 : i32 to index
    %get3A_221 = arith.index_cast %get3A_219 : i32 to index
    %get3A_222 = arith.constant 64 : index
    %get3A_223 = tpu.vector_load %arg5[%get3A_220, %get3A_221, %get3A_222] {strides = array<i32>} : memref<2x5x128xi32, #tpu.memory_space<vmem>>, vector<1x1x16xi32>,
    %get3A_224 = vector.shape_cast %get3A_223 : vector<1x1x16xi32> to vector<16xi32>
    %add3A_225 = arith.addi %get3A_224, %mul3A_7 : vector<16xi32>
    %swap3A_226 = arith.constant 0 : i32
    %swap3A_227 = arith.constant 1 : i32
    %swap3A_228 = arith.index_cast %swap3A_226 : i32 to index
    %swap3A_229 = arith.index_cast %swap3A_227 : i32 to index
    %swap3A_230 = arith.constant 64 : index
    %swap3A_231 = tpu.vector_load %arg5[%swap3A_228, %swap3A_229, %swap3A_230] {strides = array<i32>} : memref<2x5x128xi32, #tpu.memory_space<vmem>>, vector<1x1x16xi32>,
    %swap3A_232 = vector.shape_cast %swap3A_231 : vector<1x1x16xi32> to vector<16xi32>
    %swap3A_233 = vector.shape_cast %add3A_225 : vector<16xi32> to vector<1x1x16xi32>
    tpu.vector_store %arg5[%swap3A_228, %swap3A_229, %swap3A_230], %swap3A_233 {strides = array<i32>} : memref<2x5x128xi32, #tpu.memory_space<vmem>>, vector<1x1x16xi32>,
    %get3A_234 = arith.constant 0 : i32
    %get3A_235 = arith.constant 1 : i32
    %get3A_236 = arith.index_cast %get3A_234 : i32 to index
    %get3A_237 = arith.index_cast %get3A_235 : i32 to index
    %get3A_238 = arith.constant 80 : index
    %get3A_239 = tpu.vector_load %arg5[%get3A_236, %get3A_237, %get3A_238] {strides = array<i32>} : memref<2x5x128xi32, #tpu.memory_space<vmem>>, vector<1x1x16xi32>,
    %get3A_240 = vector.shape_cast %get3A_239 : vector<1x1x16xi32> to vector<16xi32>
    %add3A_241 = arith.addi %get3A_240, %mul3A_7 : vector<16xi32>
    %swap3A_242 = arith.constant 0 : i32
    %swap3A_243 = arith.constant 1 : i32
    %swap3A_244 = arith.index_cast %swap3A_242 : i32 to index
    %swap3A_245 = arith.index_cast %swap3A_243 : i32 to index
    %swap3A_246 = arith.constant 80 : index
    %swap3A_247 = tpu.vector_load %arg5[%swap3A_244, %swap3A_245, %swap3A_246] {strides = array<i32>} : memref<2x5x128xi32, #tpu.memory_space<vmem>>, vector<1x1x16xi32>,
    %swap3A_248 = vector.shape_cast %swap3A_247 : vector<1x1x16xi32> to vector<16xi32>
    %swap3A_249 = vector.shape_cast %add3A_241 : vector<16xi32> to vector<1x1x16xi32>
    tpu.vector_store %arg5[%swap3A_244, %swap3A_245, %swap3A_246], %swap3A_249 {strides = array<i32>} : memref<2x5x128xi32, #tpu.memory_space<vmem>>, vector<1x1x16xi32>,
    %get3A_250 = arith.constant 0 : i32
    %get3A_251 = arith.constant 1 : i32
    %get3A_252 = arith.index_cast %get3A_250 : i32 to index
    %get3A_253 = arith.index_cast %get3A_251 : i32 to index
    %get3A_254 = arith.constant 96 : index
    %get3A_255 = tpu.vector_load %arg5[%get3A_252, %get3A_253, %get3A_254] {strides = array<i32>} : memref<2x5x128xi32, #tpu.memory_space<vmem>>, vector<1x1x16xi32>,
    %get3A_256 = vector.shape_cast %get3A_255 : vector<1x1x16xi32> to vector<16xi32>
    %add3A_257 = arith.addi %get3A_256, %mul3A_7 : vector<16xi32>
    %swap3A_258 = arith.constant 0 : i32
    %swap3A_259 = arith.constant 1 : i32
    %swap3A_260 = arith.index_cast %swap3A_258 : i32 to index
    %swap3A_261 = arith.index_cast %swap3A_259 : i32 to index
    %swap3A_262 = arith.constant 96 : index
    %swap3A_263 = tpu.vector_load %arg5[%swap3A_260, %swap3A_261, %swap3A_262] {strides = array<i32>} : memref<2x5x128xi32, #tpu.memory_space<vmem>>, vector<1x1x16xi32>,
    %swap3A_264 = vector.shape_cast %swap3A_263 : vector<1x1x16xi32> to vector<16xi32>
    %swap3A_265 = vector.shape_cast %add3A_257 : vector<16xi32> to vector<1x1x16xi32>
    tpu.vector_store %arg5[%swap3A_260, %swap3A_261, %swap3A_262], %swap3A_265 {strides = array<i32>} : memref<2x5x128xi32, #tpu.memory_space<vmem>>, vector<1x1x16xi32>,
    %get3A_266 = arith.constant 0 : i32
    %get3A_267 = arith.constant 1 : i32
    %get3A_268 = arith.index_cast %get3A_266 : i32 to index
    %get3A_269 = arith.index_cast %get3A_267 : i32 to index
    %get3A_270 = arith.constant 112 : index
    %get3A_271 = tpu.vector_load %arg5[%get3A_268, %get3A_269, %get3A_270] {strides = array<i32>} : memref<2x5x128xi32, #tpu.memory_space<vmem>>, vector<1x1x16xi32>,
    %get3A_272 = vector.shape_cast %get3A_271 : vector<1x1x16xi32> to vector<16xi32>
    %add3A_273 = arith.addi %get3A_272, %mul3A_7 : vector<16xi32>
    %swap3A_274 = arith.constant 0 : i32
    %swap3A_275 = arith.constant 1 : i32
    %swap3A_276 = arith.index_cast %swap3A_274 : i32 to index
    %swap3A_277 = arith.index_cast %swap3A_275 : i32 to index
    %swap3A_278 = arith.constant 112 : index
    %swap3A_279 = tpu.vector_load %arg5[%swap3A_276, %swap3A_277, %swap3A_278] {strides = array<i32>} : memref<2x5x128xi32, #tpu.memory_space<vmem>>, vector<1x1x16xi32>,
    %swap3A_280 = vector.shape_cast %swap3A_279 : vector<1x1x16xi32> to vector<16xi32>
    %swap3A_281 = vector.shape_cast %add3A_273 : vector<16xi32> to vector<1x1x16xi32>
    tpu.vector_store %arg5[%swap3A_276, %swap3A_277, %swap3A_278], %swap3A_281 {strides = array<i32>} : memref<2x5x128xi32, #tpu.memory_space<vmem>>, vector<1x1x16xi32>,
    %get3A_282 = arith.constant 0 : i32
    %get3A_283 = arith.constant 2 : i32
    %get3A_284 = arith.index_cast %get3A_282 : i32 to index
    %get3A_285 = arith.index_cast %get3A_283 : i32 to index
    %get3A_286 = arith.constant 0 : index
    %get3A_287 = tpu.vector_load %arg5[%get3A_284, %get3A_285, %get3A_286] {strides = array<i32>} : memref<2x5x128xi32, #tpu.memory_space<vmem>>, vector<1x1x16xi32>,
    %get3A_288 = vector.shape_cast %get3A_287 : vector<1x1x16xi32> to vector<16xi32>
    %add3A_289 = arith.addi %get3A_288, %mul3A_7 : vector<16xi32>
    %swap3A_290 = arith.constant 0 : i32
    %swap3A_291 = arith.constant 2 : i32
    %swap3A_292 = arith.index_cast %swap3A_290 : i32 to index
    %swap3A_293 = arith.index_cast %swap3A_291 : i32 to index
    %swap3A_294 = arith.constant 0 : index
    %swap3A_295 = tpu.vector_load %arg5[%swap3A_292, %swap3A_293, %swap3A_294] {strides = array<i32>} : memref<2x5x128xi32, #tpu.memory_space<vmem>>, vector<1x1x16xi32>,
    %swap3A_296 = vector.shape_cast %swap3A_295 : vector<1x1x16xi32> to vector<16xi32>
    %swap3A_297 = vector.shape_cast %add3A_289 : vector<16xi32> to vector<1x1x16xi32>
    tpu.vector_store %arg5[%swap3A_292, %swap3A_293, %swap3A_294], %swap3A_297 {strides = array<i32>} : memref<2x5x128xi32, #tpu.memory_space<vmem>>, vector<1x1x16xi32>,
    %get3A_298 = arith.constant 0 : i32
    %get3A_299 = arith.constant 2 : i32
    %get3A_300 = arith.index_cast %get3A_298 : i32 to index
    %get3A_301 = arith.index_cast %get3A_299 : i32 to index
    %get3A_302 = arith.constant 16 : index
    %get3A_303 = tpu.vector_load %arg5[%get3A_300, %get3A_301, %get3A_302] {strides = array<i32>} : memref<2x5x128xi32, #tpu.memory_space<vmem>>, vector<1x1x16xi32>,
    %get3A_304 = vector.shape_cast %get3A_303 : vector<1x1x16xi32> to vector<16xi32>
    %add3A_305 = arith.addi %get3A_304, %mul3A_7 : vector<16xi32>
    %swap3A_306 = arith.constant 0 : i32
    %swap3A_307 = arith.constant 2 : i32
    %swap3A_308 = arith.index_cast %swap3A_306 : i32 to index
    %swap3A_309 = arith.index_cast %swap3A_307 : i32 to index
    %swap3A_310 = arith.constant 16 : index
    %swap3A_311 = tpu.vector_load %arg5[%swap3A_308, %swap3A_309, %swap3A_310] {strides = array<i32>} : memref<2x5x128xi32, #tpu.memory_space<vmem>>, vector<1x1x16xi32>,
    %swap3A_312 = vector.shape_cast %swap3A_311 : vector<1x1x16xi32> to vector<16xi32>
    %swap3A_313 = vector.shape_cast %add3A_305 : vector<16xi32> to vector<1x1x16xi32>
    tpu.vector_store %arg5[%swap3A_308, %swap3A_309, %swap3A_310], %swap3A_313 {strides = array<i32>} : memref<2x5x128xi32, #tpu.memory_space<vmem>>, vector<1x1x16xi32>,
    %get3A_314 = arith.constant 0 : i32
    %get3A_315 = arith.constant 2 : i32
    %get3A_316 = arith.index_cast %get3A_314 : i32 to index
    %get3A_317 = arith.index_cast %get3A_315 : i32 to index
    %get3A_318 = arith.constant 32 : index
    %get3A_319 = tpu.vector_load %arg5[%get3A_316, %get3A_317, %get3A_318] {strides = array<i32>} : memref<2x5x128xi32, #tpu.memory_space<vmem>>, vector<1x1x16xi32>,
    %get3A_320 = vector.shape_cast %get3A_319 : vector<1x1x16xi32> to vector<16xi32>
    %add3A_321 = arith.addi %get3A_320, %mul3A_7 : vector<16xi32>
    %swap3A_322 = arith.constant 0 : i32
    %swap3A_323 = arith.constant 2 : i32
    %swap3A_324 = arith.index_cast %swap3A_322 : i32 to index
    %swap3A_325 = arith.index_cast %swap3A_323 : i32 to index
    %swap3A_326 = arith.constant 32 : index
    %swap3A_327 = tpu.vector_load %arg5[%swap3A_324, %swap3A_325, %swap3A_326] {strides = array<i32>} : memref<2x5x128xi32, #tpu.memory_space<vmem>>, vector<1x1x16xi32>,
    %swap3A_328 = vector.shape_cast %swap3A_327 : vector<1x1x16xi32> to vector<16xi32>
    %swap3A_329 = vector.shape_cast %add3A_321 : vector<16xi32> to vector<1x1x16xi32>
    tpu.vector_store %arg5[%swap3A_324, %swap3A_325, %swap3A_326], %swap3A_329 {strides = array<i32>} : memref<2x5x128xi32, #tpu.memory_space<vmem>>, vector<1x1x16xi32>,
    %get3A_330 = arith.constant 0 : i32
    %get3A_331 = arith.constant 2 : i32
    %get3A_332 = arith.index_cast %get3A_330 : i32 to index
    %get3A_333 = arith.index_cast %get3A_331 : i32 to index
    %get3A_334 = arith.constant 48 : index
    %get3A_335 = tpu.vector_load %arg5[%get3A_332, %get3A_333, %get3A_334] {strides = array<i32>} : memref<2x5x128xi32, #tpu.memory_space<vmem>>, vector<1x1x16xi32>,
    %get3A_336 = vector.shape_cast %get3A_335 : vector<1x1x16xi32> to vector<16xi32>
    %add3A_337 = arith.addi %get3A_336, %mul3A_7 : vector<16xi32>
    %swap3A_338 = arith.constant 0 : i32
    %swap3A_339 = arith.constant 2 : i32
    %swap3A_340 = arith.index_cast %swap3A_338 : i32 to index
    %swap3A_341 = arith.index_cast %swap3A_339 : i32 to index
    %swap3A_342 = arith.constant 48 : index
    %swap3A_343 = tpu.vector_load %arg5[%swap3A_340, %swap3A_341, %swap3A_342] {strides = array<i32>} : memref<2x5x128xi32, #tpu.memory_space<vmem>>, vector<1x1x16xi32>,
    %swap3A_344 = vector.shape_cast %swap3A_343 : vector<1x1x16xi32> to vector<16xi32>
    %swap3A_345 = vector.shape_cast %add3A_337 : vector<16xi32> to vector<1x1x16xi32>
    tpu.vector_store %arg5[%swap3A_340, %swap3A_341, %swap3A_342], %swap3A_345 {strides = array<i32>} : memref<2x5x128xi32, #tpu.memory_space<vmem>>, vector<1x1x16xi32>,
    %get3A_346 = arith.constant 0 : i32
    %get3A_347 = arith.constant 2 : i32
    %get3A_348 = arith.index_cast %get3A_346 : i32 to index
    %get3A_349 = arith.index_cast %get3A_347 : i32 to index
    %get3A_350 = arith.constant 64 : index
    %get3A_351 = tpu.vector_load %arg5[%get3A_348, %get3A_349, %get3A_350] {strides = array<i32>} : memref<2x5x128xi32, #tpu.memory_space<vmem>>, vector<1x1x16xi32>,
    %get3A_352 = vector.shape_cast %get3A_351 : vector<1x1x16xi32> to vector<16xi32>
    %add3A_353 = arith.addi %get3A_352, %mul3A_7 : vector<16xi32>
    %swap3A_354 = arith.constant 0 : i32
    %swap3A_355 = arith.constant 2 : i32
    %swap3A_356 = arith.index_cast %swap3A_354 : i32 to index
    %swap3A_357 = arith.index_cast %swap3A_355 : i32 to index
    %swap3A_358 = arith.constant 64 : index
    %swap3A_359 = tpu.vector_load %arg5[%swap3A_356, %swap3A_357, %swap3A_358] {strides = array<i32>} : memref<2x5x128xi32, #tpu.memory_space<vmem>>, vector<1x1x16xi32>,
    %swap3A_360 = vector.shape_cast %swap3A_359 : vector<1x1x16xi32> to vector<16xi32>
    %swap3A_361 = vector.shape_cast %add3A_353 : vector<16xi32> to vector<1x1x16xi32>
    tpu.vector_store %arg5[%swap3A_356, %swap3A_357, %swap3A_358], %swap3A_361 {strides = array<i32>} : memref<2x5x128xi32, #tpu.memory_space<vmem>>, vector<1x1x16xi32>,
    %get3A_362 = arith.constant 0 : i32
    %get3A_363 = arith.constant 2 : i32
    %get3A_364 = arith.index_cast %get3A_362 : i32 to index
    %get3A_365 = arith.index_cast %get3A_363 : i32 to index
    %get3A_366 = arith.constant 80 : index
    %get3A_367 = tpu.vector_load %arg5[%get3A_364, %get3A_365, %get3A_366] {strides = array<i32>} : memref<2x5x128xi32, #tpu.memory_space<vmem>>, vector<1x1x16xi32>,
    %get3A_368 = vector.shape_cast %get3A_367 : vector<1x1x16xi32> to vector<16xi32>
    %add3A_369 = arith.addi %get3A_368, %mul3A_7 : vector<16xi32>
    %swap3A_370 = arith.constant 0 : i32
    %swap3A_371 = arith.constant 2 : i32
    %swap3A_372 = arith.index_cast %swap3A_370 : i32 to index
    %swap3A_373 = arith.index_cast %swap3A_371 : i32 to index
    %swap3A_374 = arith.constant 80 : index
    %swap3A_375 = tpu.vector_load %arg5[%swap3A_372, %swap3A_373, %swap3A_374] {strides = array<i32>} : memref<2x5x128xi32, #tpu.memory_space<vmem>>, vector<1x1x16xi32>,
    %swap3A_376 = vector.shape_cast %swap3A_375 : vector<1x1x16xi32> to vector<16xi32>
    %swap3A_377 = vector.shape_cast %add3A_369 : vector<16xi32> to vector<1x1x16xi32>
    tpu.vector_store %arg5[%swap3A_372, %swap3A_373, %swap3A_374], %swap3A_377 {strides = array<i32>} : memref<2x5x128xi32, #tpu.memory_space<vmem>>, vector<1x1x16xi32>,
    %get3A_378 = arith.constant 0 : i32
    %get3A_379 = arith.constant 2 : i32
    %get3A_380 = arith.index_cast %get3A_378 : i32 to index
    %get3A_381 = arith.index_cast %get3A_379 : i32 to index
    %get3A_382 = arith.constant 96 : index
    %get3A_383 = tpu.vector_load %arg5[%get3A_380, %get3A_381, %get3A_382] {strides = array<i32>} : memref<2x5x128xi32, #tpu.memory_space<vmem>>, vector<1x1x16xi32>,
    %get3A_384 = vector.shape_cast %get3A_383 : vector<1x1x16xi32> to vector<16xi32>
    %add3A_385 = arith.addi %get3A_384, %mul3A_7 : vector<16xi32>
    %swap3A_386 = arith.constant 0 : i32
    %swap3A_387 = arith.constant 2 : i32
    %swap3A_388 = arith.index_cast %swap3A_386 : i32 to index
    %swap3A_389 = arith.index_cast %swap3A_387 : i32 to index
    %swap3A_390 = arith.constant 96 : index
    %swap3A_391 = tpu.vector_load %arg5[%swap3A_388, %swap3A_389, %swap3A_390] {strides = array<i32>} : memref<2x5x128xi32, #tpu.memory_space<vmem>>, vector<1x1x16xi32>,
    %swap3A_392 = vector.shape_cast %swap3A_391 : vector<1x1x16xi32> to vector<16xi32>
    %swap3A_393 = vector.shape_cast %add3A_385 : vector<16xi32> to vector<1x1x16xi32>
    tpu.vector_store %arg5[%swap3A_388, %swap3A_389, %swap3A_390], %swap3A_393 {strides = array<i32>} : memref<2x5x128xi32, #tpu.memory_space<vmem>>, vector<1x1x16xi32>,
    %get3A_394 = arith.constant 0 : i32
    %get3A_395 = arith.constant 2 : i32
    %get3A_396 = arith.index_cast %get3A_394 : i32 to index
    %get3A_397 = arith.index_cast %get3A_395 : i32 to index
    %get3A_398 = arith.constant 112 : index
    %get3A_399 = tpu.vector_load %arg5[%get3A_396, %get3A_397, %get3A_398] {strides = array<i32>} : memref<2x5x128xi32, #tpu.memory_space<vmem>>, vector<1x1x16xi32>,
    %get3A_400 = vector.shape_cast %get3A_399 : vector<1x1x16xi32> to vector<16xi32>
    %add3A_401 = arith.addi %get3A_400, %mul3A_7 : vector<16xi32>
    %swap3A_402 = arith.constant 0 : i32
    %swap3A_403 = arith.constant 2 : i32
    %swap3A_404 = arith.index_cast %swap3A_402 : i32 to index
    %swap3A_405 = arith.index_cast %swap3A_403 : i32 to index
    %swap3A_406 = arith.constant 112 : index
    %swap3A_407 = tpu.vector_load %arg5[%swap3A_404, %swap3A_405, %swap3A_406] {strides = array<i32>} : memref<2x5x128xi32, #tpu.memory_space<vmem>>, vector<1x1x16xi32>,
    %swap3A_408 = vector.shape_cast %swap3A_407 : vector<1x1x16xi32> to vector<16xi32>
    %swap3A_409 = vector.shape_cast %add3A_401 : vector<16xi32> to vector<1x1x16xi32>
    tpu.vector_store %arg5[%swap3A_404, %swap3A_405, %swap3A_406], %swap3A_409 {strides = array<i32>} : memref<2x5x128xi32, #tpu.memory_space<vmem>>, vector<1x1x16xi32>,
    %get3A_410 = arith.constant 0 : i32
    %get3A_411 = arith.constant 3 : i32
    %get3A_412 = arith.index_cast %get3A_410 : i32 to index
    %get3A_413 = arith.index_cast %get3A_411 : i32 to index
    %get3A_414 = arith.constant 0 : index
    %get3A_415 = tpu.vector_load %arg5[%get3A_412, %get3A_413, %get3A_414] {strides = array<i32>} : memref<2x5x128xi32, #tpu.memory_space<vmem>>, vector<1x1x16xi32>,
    %get3A_416 = vector.shape_cast %get3A_415 : vector<1x1x16xi32> to vector<16xi32>
    %add3A_417 = arith.addi %get3A_416, %mul3A_7 : vector<16xi32>
    %swap3A_418 = arith.constant 0 : i32
    %swap3A_419 = arith.constant 3 : i32
    %swap3A_420 = arith.index_cast %swap3A_418 : i32 to index
    %swap3A_421 = arith.index_cast %swap3A_419 : i32 to index
    %swap3A_422 = arith.constant 0 : index
    %swap3A_423 = tpu.vector_load %arg5[%swap3A_420, %swap3A_421, %swap3A_422] {strides = array<i32>} : memref<2x5x128xi32, #tpu.memory_space<vmem>>, vector<1x1x16xi32>,
    %swap3A_424 = vector.shape_cast %swap3A_423 : vector<1x1x16xi32> to vector<16xi32>
    %swap3A_425 = vector.shape_cast %add3A_417 : vector<16xi32> to vector<1x1x16xi32>
    tpu.vector_store %arg5[%swap3A_420, %swap3A_421, %swap3A_422], %swap3A_425 {strides = array<i32>} : memref<2x5x128xi32, #tpu.memory_space<vmem>>, vector<1x1x16xi32>,
    %get3A_426 = arith.constant 0 : i32
    %get3A_427 = arith.constant 3 : i32
    %get3A_428 = arith.index_cast %get3A_426 : i32 to index
    %get3A_429 = arith.index_cast %get3A_427 : i32 to index
    %get3A_430 = arith.constant 16 : index
    %get3A_431 = tpu.vector_load %arg5[%get3A_428, %get3A_429, %get3A_430] {strides = array<i32>} : memref<2x5x128xi32, #tpu.memory_space<vmem>>, vector<1x1x16xi32>,
    %get3A_432 = vector.shape_cast %get3A_431 : vector<1x1x16xi32> to vector<16xi32>
    %add3A_433 = arith.addi %get3A_432, %mul3A_7 : vector<16xi32>
    %swap3A_434 = arith.constant 0 : i32
    %swap3A_435 = arith.constant 3 : i32
    %swap3A_436 = arith.index_cast %swap3A_434 : i32 to index
    %swap3A_437 = arith.index_cast %swap3A_435 : i32 to index
    %swap3A_438 = arith.constant 16 : index
    %swap3A_439 = tpu.vector_load %arg5[%swap3A_436, %swap3A_437, %swap3A_438] {strides = array<i32>} : memref<2x5x128xi32, #tpu.memory_space<vmem>>, vector<1x1x16xi32>,
    %swap3A_440 = vector.shape_cast %swap3A_439 : vector<1x1x16xi32> to vector<16xi32>
    %swap3A_441 = vector.shape_cast %add3A_433 : vector<16xi32> to vector<1x1x16xi32>
    tpu.vector_store %arg5[%swap3A_436, %swap3A_437, %swap3A_438], %swap3A_441 {strides = array<i32>} : memref<2x5x128xi32, #tpu.memory_space<vmem>>, vector<1x1x16xi32>,
    %get3A_442 = arith.constant 0 : i32
    %get3A_443 = arith.constant 3 : i32
    %get3A_444 = arith.index_cast %get3A_442 : i32 to index
    %get3A_445 = arith.index_cast %get3A_443 : i32 to index
    %get3A_446 = arith.constant 32 : index
    %get3A_447 = tpu.vector_load %arg5[%get3A_444, %get3A_445, %get3A_446] {strides = array<i32>} : memref<2x5x128xi32, #tpu.memory_space<vmem>>, vector<1x1x16xi32>,
    %get3A_448 = vector.shape_cast %get3A_447 : vector<1x1x16xi32> to vector<16xi32>
    %add3A_449 = arith.addi %get3A_448, %mul3A_7 : vector<16xi32>
    %swap3A_450 = arith.constant 0 : i32
    %swap3A_451 = arith.constant 3 : i32
    %swap3A_452 = arith.index_cast %swap3A_450 : i32 to index
    %swap3A_453 = arith.index_cast %swap3A_451 : i32 to index
    %swap3A_454 = arith.constant 32 : index
    %swap3A_455 = tpu.vector_load %arg5[%swap3A_452, %swap3A_453, %swap3A_454] {strides = array<i32>} : memref<2x5x128xi32, #tpu.memory_space<vmem>>, vector<1x1x16xi32>,
    %swap3A_456 = vector.shape_cast %swap3A_455 : vector<1x1x16xi32> to vector<16xi32>
    %swap3A_457 = vector.shape_cast %add3A_449 : vector<16xi32> to vector<1x1x16xi32>
    tpu.vector_store %arg5[%swap3A_452, %swap3A_453, %swap3A_454], %swap3A_457 {strides = array<i32>} : memref<2x5x128xi32, #tpu.memory_space<vmem>>, vector<1x1x16xi32>,
    %get3A_458 = arith.constant 0 : i32
    %get3A_459 = arith.constant 3 : i32
    %get3A_460 = arith.index_cast %get3A_458 : i32 to index
    %get3A_461 = arith.index_cast %get3A_459 : i32 to index
    %get3A_462 = arith.constant 48 : index
    %get3A_463 = tpu.vector_load %arg5[%get3A_460, %get3A_461, %get3A_462] {strides = array<i32>} : memref<2x5x128xi32, #tpu.memory_space<vmem>>, vector<1x1x16xi32>,
    %get3A_464 = vector.shape_cast %get3A_463 : vector<1x1x16xi32> to vector<16xi32>
    %add3A_465 = arith.addi %get3A_464, %mul3A_7 : vector<16xi32>
    %swap3A_466 = arith.constant 0 : i32
    %swap3A_467 = arith.constant 3 : i32
    %swap3A_468 = arith.index_cast %swap3A_466 : i32 to index
    %swap3A_469 = arith.index_cast %swap3A_467 : i32 to index
    %swap3A_470 = arith.constant 48 : index
    %swap3A_471 = tpu.vector_load %arg5[%swap3A_468, %swap3A_469, %swap3A_470] {strides = array<i32>} : memref<2x5x128xi32, #tpu.memory_space<vmem>>, vector<1x1x16xi32>,
    %swap3A_472 = vector.shape_cast %swap3A_471 : vector<1x1x16xi32> to vector<16xi32>
    %swap3A_473 = vector.shape_cast %add3A_465 : vector<16xi32> to vector<1x1x16xi32>
    tpu.vector_store %arg5[%swap3A_468, %swap3A_469, %swap3A_470], %swap3A_473 {strides = array<i32>} : memref<2x5x128xi32, #tpu.memory_space<vmem>>, vector<1x1x16xi32>,
    %get3A_474 = arith.constant 0 : i32
    %get3A_475 = arith.constant 3 : i32
    %get3A_476 = arith.index_cast %get3A_474 : i32 to index
    %get3A_477 = arith.index_cast %get3A_475 : i32 to index
    %get3A_478 = arith.constant 64 : index
    %get3A_479 = tpu.vector_load %arg5[%get3A_476, %get3A_477, %get3A_478] {strides = array<i32>} : memref<2x5x128xi32, #tpu.memory_space<vmem>>, vector<1x1x16xi32>,
    %get3A_480 = vector.shape_cast %get3A_479 : vector<1x1x16xi32> to vector<16xi32>
    %add3A_481 = arith.addi %get3A_480, %mul3A_7 : vector<16xi32>
    %swap3A_482 = arith.constant 0 : i32
    %swap3A_483 = arith.constant 3 : i32
    %swap3A_484 = arith.index_cast %swap3A_482 : i32 to index
    %swap3A_485 = arith.index_cast %swap3A_483 : i32 to index
    %swap3A_486 = arith.constant 64 : index
    %swap3A_487 = tpu.vector_load %arg5[%swap3A_484, %swap3A_485, %swap3A_486] {strides = array<i32>} : memref<2x5x128xi32, #tpu.memory_space<vmem>>, vector<1x1x16xi32>,
    %swap3A_488 = vector.shape_cast %swap3A_487 : vector<1x1x16xi32> to vector<16xi32>
    %swap3A_489 = vector.shape_cast %add3A_481 : vector<16xi32> to vector<1x1x16xi32>
    tpu.vector_store %arg5[%swap3A_484, %swap3A_485, %swap3A_486], %swap3A_489 {strides = array<i32>} : memref<2x5x128xi32, #tpu.memory_space<vmem>>, vector<1x1x16xi32>,
    %get3A_490 = arith.constant 0 : i32
    %get3A_491 = arith.constant 3 : i32
    %get3A_492 = arith.index_cast %get3A_490 : i32 to index
    %get3A_493 = arith.index_cast %get3A_491 : i32 to index
    %get3A_494 = arith.constant 80 : index
    %get3A_495 = tpu.vector_load %arg5[%get3A_492, %get3A_493, %get3A_494] {strides = array<i32>} : memref<2x5x128xi32, #tpu.memory_space<vmem>>, vector<1x1x16xi32>,
    %get3A_496 = vector.shape_cast %get3A_495 : vector<1x1x16xi32> to vector<16xi32>
    %add3A_497 = arith.addi %get3A_496, %mul3A_7 : vector<16xi32>
    %swap3A_498 = arith.constant 0 : i32
    %swap3A_499 = arith.constant 3 : i32
    %swap3A_500 = arith.index_cast %swap3A_498 : i32 to index
    %swap3A_501 = arith.index_cast %swap3A_499 : i32 to index
    %swap3A_502 = arith.constant 80 : index
    %swap3A_503 = tpu.vector_load %arg5[%swap3A_500, %swap3A_501, %swap3A_502] {strides = array<i32>} : memref<2x5x128xi32, #tpu.memory_space<vmem>>, vector<1x1x16xi32>,
    %swap3A_504 = vector.shape_cast %swap3A_503 : vector<1x1x16xi32> to vector<16xi32>
    %swap3A_505 = vector.shape_cast %add3A_497 : vector<16xi32> to vector<1x1x16xi32>
    tpu.vector_store %arg5[%swap3A_500, %swap3A_501, %swap3A_502], %swap3A_505 {strides = array<i32>} : memref<2x5x128xi32, #tpu.memory_space<vmem>>, vector<1x1x16xi32>,
    %get3A_506 = arith.constant 0 : i32
    %get3A_507 = arith.constant 3 : i32
    %get3A_508 = arith.index_cast %get3A_506 : i32 to index
    %get3A_509 = arith.index_cast %get3A_507 : i32 to index
    %get3A_510 = arith.constant 96 : index
    %get3A_511 = tpu.vector_load %arg5[%get3A_508, %get3A_509, %get3A_510] {strides = array<i32>} : memref<2x5x128xi32, #tpu.memory_space<vmem>>, vector<1x1x16xi32>,
    %get3A_512 = vector.shape_cast %get3A_511 : vector<1x1x16xi32> to vector<16xi32>
    %add3A_513 = arith.addi %get3A_512, %mul3A_7 : vector<16xi32>
    %swap3A_514 = arith.constant 0 : i32
    %swap3A_515 = arith.constant 3 : i32
    %swap3A_516 = arith.index_cast %swap3A_514 : i32 to index
    %swap3A_517 = arith.index_cast %swap3A_515 : i32 to index
    %swap3A_518 = arith.constant 96 : index
    %swap3A_519 = tpu.vector_load %arg5[%swap3A_516, %swap3A_517, %swap3A_518] {strides = array<i32>} : memref<2x5x128xi32, #tpu.memory_space<vmem>>, vector<1x1x16xi32>,
    %swap3A_520 = vector.shape_cast %swap3A_519 : vector<1x1x16xi32> to vector<16xi32>
    %swap3A_521 = vector.shape_cast %add3A_513 : vector<16xi32> to vector<1x1x16xi32>
    tpu.vector_store %arg5[%swap3A_516, %swap3A_517, %swap3A_518], %swap3A_521 {strides = array<i32>} : memref<2x5x128xi32, #tpu.memory_space<vmem>>, vector<1x1x16xi32>,
    %get3A_522 = arith.constant 0 : i32
    %get3A_523 = arith.constant 3 : i32
    %get3A_524 = arith.index_cast %get3A_522 : i32 to index
    %get3A_525 = arith.index_cast %get3A_523 : i32 to index
    %get3A_526 = arith.constant 112 : index
    %get3A_527 = tpu.vector_load %arg5[%get3A_524, %get3A_525, %get3A_526] {strides = array<i32>} : memref<2x5x128xi32, #tpu.memory_space<vmem>>, vector<1x1x16xi32>,
    %get3A_528 = vector.shape_cast %get3A_527 : vector<1x1x16xi32> to vector<16xi32>
    %add3A_529 = arith.addi %get3A_528, %mul3A_7 : vector<16xi32>
    %swap3A_530 = arith.constant 0 : i32
    %swap3A_531 = arith.constant 3 : i32
    %swap3A_532 = arith.index_cast %swap3A_530 : i32 to index
    %swap3A_533 = arith.index_cast %swap3A_531 : i32 to index
    %swap3A_534 = arith.constant 112 : index
    %swap3A_535 = tpu.vector_load %arg5[%swap3A_532, %swap3A_533, %swap3A_534] {strides = array<i32>} : memref<2x5x128xi32, #tpu.memory_space<vmem>>, vector<1x1x16xi32>,
    %swap3A_536 = vector.shape_cast %swap3A_535 : vector<1x1x16xi32> to vector<16xi32>
    %swap3A_537 = vector.shape_cast %add3A_529 : vector<16xi32> to vector<1x1x16xi32>
    tpu.vector_store %arg5[%swap3A_532, %swap3A_533, %swap3A_534], %swap3A_537 {strides = array<i32>} : memref<2x5x128xi32, #tpu.memory_space<vmem>>, vector<1x1x16xi32>,
    %get3A_538 = arith.constant 0 : i32
    %get3A_539 = arith.constant 4 : i32
    %get3A_540 = arith.index_cast %get3A_538 : i32 to index
    %get3A_541 = arith.index_cast %get3A_539 : i32 to index
    %get3A_542 = arith.constant 0 : index
    %get3A_543 = tpu.vector_load %arg5[%get3A_540, %get3A_541, %get3A_542] {strides = array<i32>} : memref<2x5x128xi32, #tpu.memory_space<vmem>>, vector<1x1x16xi32>,
    %get3A_544 = vector.shape_cast %get3A_543 : vector<1x1x16xi32> to vector<16xi32>
    %add3A_545 = arith.addi %get3A_544, %mul3A_7 : vector<16xi32>
    %swap3A_546 = arith.constant 0 : i32
    %swap3A_547 = arith.constant 4 : i32
    %swap3A_548 = arith.index_cast %swap3A_546 : i32 to index
    %swap3A_549 = arith.index_cast %swap3A_547 : i32 to index
    %swap3A_550 = arith.constant 0 : index
    %swap3A_551 = tpu.vector_load %arg5[%swap3A_548, %swap3A_549, %swap3A_550] {strides = array<i32>} : memref<2x5x128xi32, #tpu.memory_space<vmem>>, vector<1x1x16xi32>,
    %swap3A_552 = vector.shape_cast %swap3A_551 : vector<1x1x16xi32> to vector<16xi32>
    %swap3A_553 = vector.shape_cast %add3A_545 : vector<16xi32> to vector<1x1x16xi32>
    tpu.vector_store %arg5[%swap3A_548, %swap3A_549, %swap3A_550], %swap3A_553 {strides = array<i32>} : memref<2x5x128xi32, #tpu.memory_space<vmem>>, vector<1x1x16xi32>,
    %get3A_554 = arith.constant 0 : i32
    %get3A_555 = arith.constant 4 : i32
    %get3A_556 = arith.index_cast %get3A_554 : i32 to index
    %get3A_557 = arith.index_cast %get3A_555 : i32 to index
    %get3A_558 = arith.constant 16 : index
    %get3A_559 = tpu.vector_load %arg5[%get3A_556, %get3A_557, %get3A_558] {strides = array<i32>} : memref<2x5x128xi32, #tpu.memory_space<vmem>>, vector<1x1x16xi32>,
    %get3A_560 = vector.shape_cast %get3A_559 : vector<1x1x16xi32> to vector<16xi32>
    %add3A_561 = arith.addi %get3A_560, %mul3A_7 : vector<16xi32>
    %swap3A_562 = arith.constant 0 : i32
    %swap3A_563 = arith.constant 4 : i32
    %swap3A_564 = arith.index_cast %swap3A_562 : i32 to index
    %swap3A_565 = arith.index_cast %swap3A_563 : i32 to index
    %swap3A_566 = arith.constant 16 : index
    %swap3A_567 = tpu.vector_load %arg5[%swap3A_564, %swap3A_565, %swap3A_566] {strides = array<i32>} : memref<2x5x128xi32, #tpu.memory_space<vmem>>, vector<1x1x16xi32>,
    %swap3A_568 = vector.shape_cast %swap3A_567 : vector<1x1x16xi32> to vector<16xi32>
    %swap3A_569 = vector.shape_cast %add3A_561 : vector<16xi32> to vector<1x1x16xi32>
    tpu.vector_store %arg5[%swap3A_564, %swap3A_565, %swap3A_566], %swap3A_569 {strides = array<i32>} : memref<2x5x128xi32, #tpu.memory_space<vmem>>, vector<1x1x16xi32>,
    %get3A_570 = arith.constant 0 : i32
    %get3A_571 = arith.constant 4 : i32
    %get3A_572 = arith.index_cast %get3A_570 : i32 to index
    %get3A_573 = arith.index_cast %get3A_571 : i32 to index
    %get3A_574 = arith.constant 32 : index
    %get3A_575 = tpu.vector_load %arg5[%get3A_572, %get3A_573, %get3A_574] {strides = array<i32>} : memref<2x5x128xi32, #tpu.memory_space<vmem>>, vector<1x1x16xi32>,
    %get3A_576 = vector.shape_cast %get3A_575 : vector<1x1x16xi32> to vector<16xi32>
    %add3A_577 = arith.addi %get3A_576, %mul3A_7 : vector<16xi32>
    %swap3A_578 = arith.constant 0 : i32
    %swap3A_579 = arith.constant 4 : i32
    %swap3A_580 = arith.index_cast %swap3A_578 : i32 to index
    %swap3A_581 = arith.index_cast %swap3A_579 : i32 to index
    %swap3A_582 = arith.constant 32 : index
    %swap3A_583 = tpu.vector_load %arg5[%swap3A_580, %swap3A_581, %swap3A_582] {strides = array<i32>} : memref<2x5x128xi32, #tpu.memory_space<vmem>>, vector<1x1x16xi32>,
    %swap3A_584 = vector.shape_cast %swap3A_583 : vector<1x1x16xi32> to vector<16xi32>
    %swap3A_585 = vector.shape_cast %add3A_577 : vector<16xi32> to vector<1x1x16xi32>
    tpu.vector_store %arg5[%swap3A_580, %swap3A_581, %swap3A_582], %swap3A_585 {strides = array<i32>} : memref<2x5x128xi32, #tpu.memory_space<vmem>>, vector<1x1x16xi32>,
    %get3A_586 = arith.constant 0 : i32
    %get3A_587 = arith.constant 4 : i32
    %get3A_588 = arith.index_cast %get3A_586 : i32 to index
    %get3A_589 = arith.index_cast %get3A_587 : i32 to index
    %get3A_590 = arith.constant 48 : index
    %get3A_591 = tpu.vector_load %arg5[%get3A_588, %get3A_589, %get3A_590] {strides = array<i32>} : memref<2x5x128xi32, #tpu.memory_space<vmem>>, vector<1x1x16xi32>,
    %get3A_592 = vector.shape_cast %get3A_591 : vector<1x1x16xi32> to vector<16xi32>
    %add3A_593 = arith.addi %get3A_592, %mul3A_7 : vector<16xi32>
    %swap3A_594 = arith.constant 0 : i32
    %swap3A_595 = arith.constant 4 : i32
    %swap3A_596 = arith.index_cast %swap3A_594 : i32 to index
    %swap3A_597 = arith.index_cast %swap3A_595 : i32 to index
    %swap3A_598 = arith.constant 48 : index
    %swap3A_599 = tpu.vector_load %arg5[%swap3A_596, %swap3A_597, %swap3A_598] {strides = array<i32>} : memref<2x5x128xi32, #tpu.memory_space<vmem>>, vector<1x1x16xi32>,
    %swap3A_600 = vector.shape_cast %swap3A_599 : vector<1x1x16xi32> to vector<16xi32>
    %swap3A_601 = vector.shape_cast %add3A_593 : vector<16xi32> to vector<1x1x16xi32>
    tpu.vector_store %arg5[%swap3A_596, %swap3A_597, %swap3A_598], %swap3A_601 {strides = array<i32>} : memref<2x5x128xi32, #tpu.memory_space<vmem>>, vector<1x1x16xi32>,
    %get3A_602 = arith.constant 0 : i32
    %get3A_603 = arith.constant 4 : i32
    %get3A_604 = arith.index_cast %get3A_602 : i32 to index
    %get3A_605 = arith.index_cast %get3A_603 : i32 to index
    %get3A_606 = arith.constant 64 : index
    %get3A_607 = tpu.vector_load %arg5[%get3A_604, %get3A_605, %get3A_606] {strides = array<i32>} : memref<2x5x128xi32, #tpu.memory_space<vmem>>, vector<1x1x16xi32>,
    %get3A_608 = vector.shape_cast %get3A_607 : vector<1x1x16xi32> to vector<16xi32>
    %add3A_609 = arith.addi %get3A_608, %mul3A_7 : vector<16xi32>
    %swap3A_610 = arith.constant 0 : i32
    %swap3A_611 = arith.constant 4 : i32
    %swap3A_612 = arith.index_cast %swap3A_610 : i32 to index
    %swap3A_613 = arith.index_cast %swap3A_611 : i32 to index
    %swap3A_614 = arith.constant 64 : index
    %swap3A_615 = tpu.vector_load %arg5[%swap3A_612, %swap3A_613, %swap3A_614] {strides = array<i32>} : memref<2x5x128xi32, #tpu.memory_space<vmem>>, vector<1x1x16xi32>,
    %swap3A_616 = vector.shape_cast %swap3A_615 : vector<1x1x16xi32> to vector<16xi32>
    %swap3A_617 = vector.shape_cast %add3A_609 : vector<16xi32> to vector<1x1x16xi32>
    tpu.vector_store %arg5[%swap3A_612, %swap3A_613, %swap3A_614], %swap3A_617 {strides = array<i32>} : memref<2x5x128xi32, #tpu.memory_space<vmem>>, vector<1x1x16xi32>,
    %get3A_618 = arith.constant 0 : i32
    %get3A_619 = arith.constant 4 : i32
    %get3A_620 = arith.index_cast %get3A_618 : i32 to index
    %get3A_621 = arith.index_cast %get3A_619 : i32 to index
    %get3A_622 = arith.constant 80 : index
    %get3A_623 = tpu.vector_load %arg5[%get3A_620, %get3A_621, %get3A_622] {strides = array<i32>} : memref<2x5x128xi32, #tpu.memory_space<vmem>>, vector<1x1x16xi32>,
    %get3A_624 = vector.shape_cast %get3A_623 : vector<1x1x16xi32> to vector<16xi32>
    %add3A_625 = arith.addi %get3A_624, %mul3A_7 : vector<16xi32>
    %swap3A_626 = arith.constant 0 : i32
    %swap3A_627 = arith.constant 4 : i32
    %swap3A_628 = arith.index_cast %swap3A_626 : i32 to index
    %swap3A_629 = arith.index_cast %swap3A_627 : i32 to index
    %swap3A_630 = arith.constant 80 : index
    %swap3A_631 = tpu.vector_load %arg5[%swap3A_628, %swap3A_629, %swap3A_630] {strides = array<i32>} : memref<2x5x128xi32, #tpu.memory_space<vmem>>, vector<1x1x16xi32>,
    %swap3A_632 = vector.shape_cast %swap3A_631 : vector<1x1x16xi32> to vector<16xi32>
    %swap3A_633 = vector.shape_cast %add3A_625 : vector<16xi32> to vector<1x1x16xi32>
    tpu.vector_store %arg5[%swap3A_628, %swap3A_629, %swap3A_630], %swap3A_633 {strides = array<i32>} : memref<2x5x128xi32, #tpu.memory_space<vmem>>, vector<1x1x16xi32>,
    %get3A_634 = arith.constant 0 : i32
    %get3A_635 = arith.constant 4 : i32
    %get3A_636 = arith.index_cast %get3A_634 : i32 to index
    %get3A_637 = arith.index_cast %get3A_635 : i32 to index
    %get3A_638 = arith.constant 96 : index
    %get3A_639 = tpu.vector_load %arg5[%get3A_636, %get3A_637, %get3A_638] {strides = array<i32>} : memref<2x5x128xi32, #tpu.memory_space<vmem>>, vector<1x1x16xi32>,
    %get3A_640 = vector.shape_cast %get3A_639 : vector<1x1x16xi32> to vector<16xi32>
    %add3A_641 = arith.addi %get3A_640, %mul3A_7 : vector<16xi32>
    %swap3A_642 = arith.constant 0 : i32
    %swap3A_643 = arith.constant 4 : i32
    %swap3A_644 = arith.index_cast %swap3A_642 : i32 to index
    %swap3A_645 = arith.index_cast %swap3A_643 : i32 to index
    %swap3A_646 = arith.constant 96 : index
    %swap3A_647 = tpu.vector_load %arg5[%swap3A_644, %swap3A_645, %swap3A_646] {strides = array<i32>} : memref<2x5x128xi32, #tpu.memory_space<vmem>>, vector<1x1x16xi32>,
    %swap3A_648 = vector.shape_cast %swap3A_647 : vector<1x1x16xi32> to vector<16xi32>
    %swap3A_649 = vector.shape_cast %add3A_641 : vector<16xi32> to vector<1x1x16xi32>
    tpu.vector_store %arg5[%swap3A_644, %swap3A_645, %swap3A_646], %swap3A_649 {strides = array<i32>} : memref<2x5x128xi32, #tpu.memory_space<vmem>>, vector<1x1x16xi32>,
    %get3A_650 = arith.constant 0 : i32
    %get3A_651 = arith.constant 4 : i32
    %get3A_652 = arith.index_cast %get3A_650 : i32 to index
    %get3A_653 = arith.index_cast %get3A_651 : i32 to index
    %get3A_654 = arith.constant 112 : index
    %get3A_655 = tpu.vector_load %arg5[%get3A_652, %get3A_653, %get3A_654] {strides = array<i32>} : memref<2x5x128xi32, #tpu.memory_space<vmem>>, vector<1x1x16xi32>,
    %get3A_656 = vector.shape_cast %get3A_655 : vector<1x1x16xi32> to vector<16xi32>
    %add3A_657 = arith.addi %get3A_656, %mul3A_7 : vector<16xi32>
    %swap3A_658 = arith.constant 0 : i32
    %swap3A_659 = arith.constant 4 : i32
    %swap3A_660 = arith.index_cast %swap3A_658 : i32 to index
    %swap3A_661 = arith.index_cast %swap3A_659 : i32 to index
    %swap3A_662 = arith.constant 112 : index
    %swap3A_663 = tpu.vector_load %arg5[%swap3A_660, %swap3A_661, %swap3A_662] {strides = array<i32>} : memref<2x5x128xi32, #tpu.memory_space<vmem>>, vector<1x1x16xi32>,
    %swap3A_664 = vector.shape_cast %swap3A_663 : vector<1x1x16xi32> to vector<16xi32>
    %swap3A_665 = vector.shape_cast %add3A_657 : vector<16xi32> to vector<1x1x16xi32>
    tpu.vector_store %arg5[%swap3A_660, %swap3A_661, %swap3A_662], %swap3A_665 {strides = array<i32>} : memref<2x5x128xi32, #tpu.memory_space<vmem>>, vector<1x1x16xi32>,
    %dma_start3A = arith.constant 0 : i32
    %dma_start3A_666 = arith.constant 0 : i32
    %dma_start3A_667 = arith.constant 0 : i32
    %dma_start3A_668 = arith.constant 0 : i32
    %dma_start3A_669 = arith.constant 0 : i32
    %dma_start3A_670 = tpu.memref_slice %arg6[%dma_start3A_667, %dma_start3A_668, %dma_start3A_669] : memref<2x640x64xf32, #tpu.memory_space<vmem>> -> memref<1x128x64xf32, #tpu.memory_space<vmem>>
    %dma_start3A_671 = tpu.memref_squeeze %dma_start3A_670 : memref<1x128x64xf32, #tpu.memory_space<vmem>> -> memref<128x64xf32, #tpu.memory_space<vmem>>
    %dma_start3A_672 = arith.constant 0 : i32
    %dma_start3A_673 = arith.constant 0 : i32
    %dma_start3A_674 = tpu.memref_slice %arg5[%dma_start3A, %dma_start3A_672, %dma_start3A_673] : memref<2x5x128xi32, #tpu.memory_space<vmem>> -> memref<1x5x128xi32, #tpu.memory_space<vmem>>
    %dma_start3A_675 = tpu.memref_squeeze %dma_start3A_674 : memref<1x5x128xi32, #tpu.memory_space<vmem>> -> memref<5x128xi32, #tpu.memory_space<vmem>>
    %dma_start3A_676 = arith.constant 0 : i32
    %dma_start3A_677 = tpu.memref_slice %dma_start3A_675[%dma_start3A_666, %dma_start3A_676] : memref<5x128xi32, #tpu.memory_space<vmem>> -> memref<1x128xi32, #tpu.memory_space<vmem>>
    %dma_start3A_678 = tpu.memref_squeeze %dma_start3A_677 : memref<1x128xi32, #tpu.memory_space<vmem>> -> memref<128xi32, #tpu.memory_space<vmem>>
    %dma_start3A_679 = arith.constant 0 : i32
    %dma_start3A_680 = arith.constant 0 : i32
    %dma_start3A_681 = tpu.memref_slice %arg3[%dma_start3A_679, %dma_start3A_680] : memref<800000x64xf32, #tpu.memory_space<hbm>> -> memref<800000x64xf32, #tpu.memory_space<hbm>>
    tpu.enqueue_indirect_dma source(%dma_start3A_681 : memref<800000x64xf32, #tpu.memory_space<hbm>>) target(%dma_start3A_671 : memref<128x64xf32, #tpu.memory_space<vmem>>) offsets(%dma_start3A_678 : memref<128xi32, #tpu.memory_space<vmem>>) semaphore(%arg7 : memref<!tpu.dma_semaphore, #tpu.memory_space<semaphore_mem>>)
    %dma_start3A_682 = arith.constant 0 : i32
    %dma_start3A_683 = arith.constant 1 : i32
    %dma_start3A_684 = arith.constant 0 : i32
    %dma_start3A_685 = arith.constant 128 : i32
    %dma_start3A_686 = arith.constant 0 : i32
    %dma_start3A_687 = tpu.memref_slice %arg6[%dma_start3A_684, %dma_start3A_685, %dma_start3A_686] : memref<2x640x64xf32, #tpu.memory_space<vmem>> -> memref<1x128x64xf32, #tpu.memory_space<vmem>>
    %dma_start3A_688 = tpu.memref_squeeze %dma_start3A_687 : memref<1x128x64xf32, #tpu.memory_space<vmem>> -> memref<128x64xf32, #tpu.memory_space<vmem>>
    %dma_start3A_689 = arith.constant 0 : i32
    %dma_start3A_690 = arith.constant 0 : i32
    %dma_start3A_691 = tpu.memref_slice %arg5[%dma_start3A_682, %dma_start3A_689, %dma_start3A_690] : memref<2x5x128xi32, #tpu.memory_space<vmem>> -> memref<1x5x128xi32, #tpu.memory_space<vmem>>
    %dma_start3A_692 = tpu.memref_squeeze %dma_start3A_691 : memref<1x5x128xi32, #tpu.memory_space<vmem>> -> memref<5x128xi32, #tpu.memory_space<vmem>>
    %dma_start3A_693 = arith.constant 0 : i32
    %dma_start3A_694 = tpu.memref_slice %dma_start3A_692[%dma_start3A_683, %dma_start3A_693] : memref<5x128xi32, #tpu.memory_space<vmem>> -> memref<1x128xi32, #tpu.memory_space<vmem>>
    %dma_start3A_695 = tpu.memref_squeeze %dma_start3A_694 : memref<1x128xi32, #tpu.memory_space<vmem>> -> memref<128xi32, #tpu.memory_space<vmem>>
    %dma_start3A_696 = arith.constant 0 : i32
    %dma_start3A_697 = arith.constant 0 : i32
    %dma_start3A_698 = tpu.memref_slice %arg3[%dma_start3A_696, %dma_start3A_697] : memref<800000x64xf32, #tpu.memory_space<hbm>> -> memref<800000x64xf32, #tpu.memory_space<hbm>>
    tpu.enqueue_indirect_dma source(%dma_start3A_698 : memref<800000x64xf32, #tpu.memory_space<hbm>>) target(%dma_start3A_688 : memref<128x64xf32, #tpu.memory_space<vmem>>) offsets(%dma_start3A_695 : memref<128xi32, #tpu.memory_space<vmem>>) semaphore(%arg7 : memref<!tpu.dma_semaphore, #tpu.memory_space<semaphore_mem>>)
    %dma_start3A_699 = arith.constant 0 : i32
    %dma_start3A_700 = arith.constant 2 : i32
    %dma_start3A_701 = arith.constant 0 : i32
    %dma_start3A_702 = arith.constant 256 : i32
    %dma_start3A_703 = arith.constant 0 : i32
    %dma_start3A_704 = tpu.memref_slice %arg6[%dma_start3A_701, %dma_start3A_702, %dma_start3A_703] : memref<2x640x64xf32, #tpu.memory_space<vmem>> -> memref<1x128x64xf32, #tpu.memory_space<vmem>>
    %dma_start3A_705 = tpu.memref_squeeze %dma_start3A_704 : memref<1x128x64xf32, #tpu.memory_space<vmem>> -> memref<128x64xf32, #tpu.memory_space<vmem>>
    %dma_start3A_706 = arith.constant 0 : i32
    %dma_start3A_707 = arith.constant 0 : i32
    %dma_start3A_708 = tpu.memref_slice %arg5[%dma_start3A_699, %dma_start3A_706, %dma_start3A_707] : memref<2x5x128xi32, #tpu.memory_space<vmem>> -> memref<1x5x128xi32, #tpu.memory_space<vmem>>
    %dma_start3A_709 = tpu.memref_squeeze %dma_start3A_708 : memref<1x5x128xi32, #tpu.memory_space<vmem>> -> memref<5x128xi32, #tpu.memory_space<vmem>>
    %dma_start3A_710 = arith.constant 0 : i32
    %dma_start3A_711 = tpu.memref_slice %dma_start3A_709[%dma_start3A_700, %dma_start3A_710] : memref<5x128xi32, #tpu.memory_space<vmem>> -> memref<1x128xi32, #tpu.memory_space<vmem>>
    %dma_start3A_712 = tpu.memref_squeeze %dma_start3A_711 : memref<1x128xi32, #tpu.memory_space<vmem>> -> memref<128xi32, #tpu.memory_space<vmem>>
    %dma_start3A_713 = arith.constant 0 : i32
    %dma_start3A_714 = arith.constant 0 : i32
    %dma_start3A_715 = tpu.memref_slice %arg3[%dma_start3A_713, %dma_start3A_714] : memref<800000x64xf32, #tpu.memory_space<hbm>> -> memref<800000x64xf32, #tpu.memory_space<hbm>>
    tpu.enqueue_indirect_dma source(%dma_start3A_715 : memref<800000x64xf32, #tpu.memory_space<hbm>>) target(%dma_start3A_705 : memref<128x64xf32, #tpu.memory_space<vmem>>) offsets(%dma_start3A_712 : memref<128xi32, #tpu.memory_space<vmem>>) semaphore(%arg7 : memref<!tpu.dma_semaphore, #tpu.memory_space<semaphore_mem>>)
    %dma_start3A_716 = arith.constant 0 : i32
    %dma_start3A_717 = arith.constant 3 : i32
    %dma_start3A_718 = arith.constant 0 : i32
    %dma_start3A_719 = arith.constant 384 : i32
    %dma_start3A_720 = arith.constant 0 : i32
    %dma_start3A_721 = tpu.memref_slice %arg6[%dma_start3A_718, %dma_start3A_719, %dma_start3A_720] : memref<2x640x64xf32, #tpu.memory_space<vmem>> -> memref<1x128x64xf32, #tpu.memory_space<vmem>>
    %dma_start3A_722 = tpu.memref_squeeze %dma_start3A_721 : memref<1x128x64xf32, #tpu.memory_space<vmem>> -> memref<128x64xf32, #tpu.memory_space<vmem>>
    %dma_start3A_723 = arith.constant 0 : i32
    %dma_start3A_724 = arith.constant 0 : i32
    %dma_start3A_725 = tpu.memref_slice %arg5[%dma_start3A_716, %dma_start3A_723, %dma_start3A_724] : memref<2x5x128xi32, #tpu.memory_space<vmem>> -> memref<1x5x128xi32, #tpu.memory_space<vmem>>
    %dma_start3A_726 = tpu.memref_squeeze %dma_start3A_725 : memref<1x5x128xi32, #tpu.memory_space<vmem>> -> memref<5x128xi32, #tpu.memory_space<vmem>>
    %dma_start3A_727 = arith.constant 0 : i32
    %dma_start3A_728 = tpu.memref_slice %dma_start3A_726[%dma_start3A_717, %dma_start3A_727] : memref<5x128xi32, #tpu.memory_space<vmem>> -> memref<1x128xi32, #tpu.memory_space<vmem>>
    %dma_start3A_729 = tpu.memref_squeeze %dma_start3A_728 : memref<1x128xi32, #tpu.memory_space<vmem>> -> memref<128xi32, #tpu.memory_space<vmem>>
    %dma_start3A_730 = arith.constant 0 : i32
    %dma_start3A_731 = arith.constant 0 : i32
    %dma_start3A_732 = tpu.memref_slice %arg3[%dma_start3A_730, %dma_start3A_731] : memref<800000x64xf32, #tpu.memory_space<hbm>> -> memref<800000x64xf32, #tpu.memory_space<hbm>>
    tpu.enqueue_indirect_dma source(%dma_start3A_732 : memref<800000x64xf32, #tpu.memory_space<hbm>>) target(%dma_start3A_722 : memref<128x64xf32, #tpu.memory_space<vmem>>) offsets(%dma_start3A_729 : memref<128xi32, #tpu.memory_space<vmem>>) semaphore(%arg7 : memref<!tpu.dma_semaphore, #tpu.memory_space<semaphore_mem>>)
    %dma_start3A_733 = arith.constant 0 : i32
    %dma_start3A_734 = arith.constant 4 : i32
    %dma_start3A_735 = arith.constant 0 : i32
    %dma_start3A_736 = arith.constant 512 : i32
    %dma_start3A_737 = arith.constant 0 : i32
    %dma_start3A_738 = tpu.memref_slice %arg6[%dma_start3A_735, %dma_start3A_736, %dma_start3A_737] : memref<2x640x64xf32, #tpu.memory_space<vmem>> -> memref<1x128x64xf32, #tpu.memory_space<vmem>>
    %dma_start3A_739 = tpu.memref_squeeze %dma_start3A_738 : memref<1x128x64xf32, #tpu.memory_space<vmem>> -> memref<128x64xf32, #tpu.memory_space<vmem>>
    %dma_start3A_740 = arith.constant 0 : i32
    %dma_start3A_741 = arith.constant 0 : i32
    %dma_start3A_742 = tpu.memref_slice %arg5[%dma_start3A_733, %dma_start3A_740, %dma_start3A_741] : memref<2x5x128xi32, #tpu.memory_space<vmem>> -> memref<1x5x128xi32, #tpu.memory_space<vmem>>
    %dma_start3A_743 = tpu.memref_squeeze %dma_start3A_742 : memref<1x5x128xi32, #tpu.memory_space<vmem>> -> memref<5x128xi32, #tpu.memory_space<vmem>>
    %dma_start3A_744 = arith.constant 0 : i32
    %dma_start3A_745 = tpu.memref_slice %dma_start3A_743[%dma_start3A_734, %dma_start3A_744] : memref<5x128xi32, #tpu.memory_space<vmem>> -> memref<1x128xi32, #tpu.memory_space<vmem>>
    %dma_start3A_746 = tpu.memref_squeeze %dma_start3A_745 : memref<1x128xi32, #tpu.memory_space<vmem>> -> memref<128xi32, #tpu.memory_space<vmem>>
    %dma_start3A_747 = arith.constant 0 : i32
    %dma_start3A_748 = arith.constant 0 : i32
    %dma_start3A_749 = tpu.memref_slice %arg3[%dma_start3A_747, %dma_start3A_748] : memref<800000x64xf32, #tpu.memory_space<hbm>> -> memref<800000x64xf32, #tpu.memory_space<hbm>>
    tpu.enqueue_indirect_dma source(%dma_start3A_749 : memref<800000x64xf32, #tpu.memory_space<hbm>>) target(%dma_start3A_739 : memref<128x64xf32, #tpu.memory_space<vmem>>) offsets(%dma_start3A_746 : memref<128xi32, #tpu.memory_space<vmem>>) semaphore(%arg7 : memref<!tpu.dma_semaphore, #tpu.memory_space<semaphore_mem>>)
    %scan3A = arith.constant 0 : i32
    %scan3A_750 = arith.constant 0 : i32
    %scan3A_751 = arith.constant 40 : i32
    %scan3A_752 = arith.addi %scan3A_750, %scan3A_751 : i32
    %scan3A_753 = arith.constant 1 : i32
    scf.for %scan3A_784 = %scan3A_750 to %scan3A_752 step %scan3A_753  : i32 {
      %mul3A_785 = arith.constant 2 : i32
      %mul3A_786 = arith.muli %mul3A_785, %scan3A_784 : i32
      %gt3A = arith.constant 0 : i32
      %gt3A_787 = arith.cmpi sgt, %scan3A_784, %gt3A : i32
      %convert_element_type3A = arith.extui %gt3A_787 : i1 to i32
      %cond3A = arith.constant 0 : i32
      %cond3A_788 = arith.cmpi ne, %convert_element_type3A, %cond3A : i32
      scf.if %cond3A_788 {
        %dma_wait3A_1616 = arith.constant 1 : i32
        %dma_wait3A_1617 = arith.constant 0 : i32
        %dma_wait3A_1618 = arith.constant 0 : i32
        %dma_wait3A_1619 = tpu.memref_slice %arg6[%dma_wait3A_1616, %dma_wait3A_1617, %dma_wait3A_1618] : memref<2x640x64xf32, #tpu.memory_space<vmem>> -> memref<1x640x64xf32, #tpu.memory_space<vmem>>
        %dma_wait3A_1620 = tpu.memref_squeeze %dma_wait3A_1619 : memref<1x640x64xf32, #tpu.memory_space<vmem>> -> memref<640x64xf32, #tpu.memory_space<vmem>>
        %dma_wait3A_1621 = arith.constant 0 : i32
        %dma_wait3A_1622 = arith.constant 0 : i32
        %dma_wait3A_1623 = tpu.memref_slice %arg4[%dma_wait3A_1621, %dma_wait3A_1622] : memref<1638400x64xf32, #tpu.memory_space<hbm>> -> memref<640x64xf32, #tpu.memory_space<hbm>>
        %dma_wait3A_1624 = arith.constant 0 : i32
        %dma_wait3A_1625 = arith.constant 0 : i32
        %dma_wait3A_1626 = tpu.memref_slice %arg4[%dma_wait3A_1624, %dma_wait3A_1625] : memref<1638400x64xf32, #tpu.memory_space<hbm>> -> memref<640x64xf32, #tpu.memory_space<hbm>>
        %dma_wait3A_1627 = arith.constant 0 : i32
        %dma_wait3A_1628 = arith.constant 0 : i32
        %dma_wait3A_1629 = tpu.memref_slice %arg6[%dma_wait3A_1616, %dma_wait3A_1627, %dma_wait3A_1628] : memref<2x640x64xf32, #tpu.memory_space<vmem>> -> memref<1x640x64xf32, #tpu.memory_space<vmem>>
        %dma_wait3A_1630 = tpu.memref_squeeze %dma_wait3A_1629 : memref<1x640x64xf32, #tpu.memory_space<vmem>> -> memref<640x64xf32, #tpu.memory_space<vmem>>
        tpu.wait_dma2 semaphore(%arg10 : memref<!tpu.dma_semaphore, #tpu.memory_space<semaphore_mem>>) src(%dma_wait3A_1630 : memref<640x64xf32, #tpu.memory_space<vmem>>) dst(%dma_wait3A_1626 : memref<640x64xf32, #tpu.memory_space<hbm>>)
      } else {
      }
      %add3A_789 = arith.constant 1 : i32
      %add3A_790 = arith.addi %mul3A_786, %add3A_789 : i32
      %mul3A_791 = arith.constant 640 : i32
      %mul3A_792 = arith.muli %add3A_790, %mul3A_791 : i32
      %add3A_793 = arith.addi %mul3A_2, %mul3A_792 : i32
      %multiple_of3A_794 = tpu.assume_multiple %add3A_793, 640 : i32
      %jit3A_795 = arith.constant 128 : i32
      %div3A_796 = arith.divsi %multiple_of3A_794, %jit3A_795 : i32
      %sign3A_797 = arith.constant 0 : i32
      %sign3A_798 = arith.cmpi sgt, %multiple_of3A_794, %sign3A_797 : i32
      %sign3A_799 = arith.extui %sign3A_798 : i1 to i32
      %sign3A_800 = arith.constant 0 : i32
      %sign3A_801 = arith.cmpi slt, %multiple_of3A_794, %sign3A_800 : i32
      %sign3A_802 = arith.extui %sign3A_801 : i1 to i32
      %sign3A_803 = arith.subi %sign3A_799, %sign3A_802 : i32
      %sign3A_804 = arith.constant 0 : i32
      %sign3A_805 = arith.cmpi sgt, %jit3A_795, %sign3A_804 : i32
      %sign3A_806 = arith.extui %sign3A_805 : i1 to i32
      %sign3A_807 = arith.constant 0 : i32
      %sign3A_808 = arith.cmpi slt, %jit3A_795, %sign3A_807 : i32
      %sign3A_809 = arith.extui %sign3A_808 : i1 to i32
      %sign3A_810 = arith.subi %sign3A_806, %sign3A_809 : i32
      %ne3A_811 = arith.cmpi ne, %sign3A_803, %sign3A_810 : i32
      %rem3A_812 = arith.remsi %multiple_of3A_794, %jit3A_795 : i32
      %ne3A_813 = arith.constant 0 : i32
      %ne3A_814 = arith.cmpi ne, %rem3A_812, %ne3A_813 : i32
      %and3A_815 = arith.andi %ne3A_811, %ne3A_814 : i1
      %sub3A_816 = arith.constant 1 : i32
      %sub3A_817 = arith.subi %div3A_796, %sub3A_816 : i32
      %select_n3A_818 = arith.select %and3A_815, %sub3A_817, %div3A_796 : i32
      %multiple_of3A_819 = tpu.assume_multiple %select_n3A_818, 5 : i32
      %run_scoped3A_820 = arith.constant 1 : i32
      "tpu.region"() ({
        %run_scoped3A_1616 = tpu.sem_alloc : memref<!tpu.dma_semaphore, #tpu.memory_space<semaphore_mem>>
        %dma_start3A_1617 = arith.constant 0 : i32
        %dma_start3A_1618 = arith.constant 0 : i32
        %dma_start3A_1619 = tpu.memref_slice %arg5[%run_scoped3A_820, %dma_start3A_1617, %dma_start3A_1618] : memref<2x5x128xi32, #tpu.memory_space<vmem>> -> memref<1x5x128xi32, #tpu.memory_space<vmem>>
        %dma_start3A_1620 = tpu.memref_squeeze %dma_start3A_1619 : memref<1x5x128xi32, #tpu.memory_space<vmem>> -> memref<5x128xi32, #tpu.memory_space<vmem>>
        %dma_start3A_1621 = arith.constant 0 : i32
        %dma_start3A_1622 = tpu.memref_slice %arg2[%multiple_of3A_819, %dma_start3A_1621] : memref<12800x128xi32, #tpu.memory_space<hbm>> -> memref<5x128xi32, #tpu.memory_space<hbm>>
        %dma_start3A_1623 = arith.constant 0 : i32
        %dma_start3A_1624 = arith.constant 0 : i32
        %dma_start3A_1625 = tpu.memref_slice %arg5[%run_scoped3A_820, %dma_start3A_1623, %dma_start3A_1624] : memref<2x5x128xi32, #tpu.memory_space<vmem>> -> memref<1x5x128xi32, #tpu.memory_space<vmem>>
        %dma_start3A_1626 = tpu.memref_squeeze %dma_start3A_1625 : memref<1x5x128xi32, #tpu.memory_space<vmem>> -> memref<5x128xi32, #tpu.memory_space<vmem>>
        %dma_start3A_1627 = arith.constant 0 : i32
        %dma_start3A_1628 = tpu.memref_slice %arg2[%multiple_of3A_819, %dma_start3A_1627] : memref<12800x128xi32, #tpu.memory_space<hbm>> -> memref<5x128xi32, #tpu.memory_space<hbm>>
        tpu.enqueue_dma source(%dma_start3A_1628 : memref<5x128xi32, #tpu.memory_space<hbm>>) target(%dma_start3A_1626 : memref<5x128xi32, #tpu.memory_space<vmem>>) target_semaphore(%run_scoped3A_1616 : memref<!tpu.dma_semaphore, #tpu.memory_space<semaphore_mem>>)
        %dma_wait3A_1629 = arith.constant 0 : i32
        %dma_wait3A_1630 = arith.constant 0 : i32
        %dma_wait3A_1631 = tpu.memref_slice %arg5[%run_scoped3A_820, %dma_wait3A_1629, %dma_wait3A_1630] : memref<2x5x128xi32, #tpu.memory_space<vmem>> -> memref<1x5x128xi32, #tpu.memory_space<vmem>>
        %dma_wait3A_1632 = tpu.memref_squeeze %dma_wait3A_1631 : memref<1x5x128xi32, #tpu.memory_space<vmem>> -> memref<5x128xi32, #tpu.memory_space<vmem>>
        %dma_wait3A_1633 = arith.constant 0 : i32
        %dma_wait3A_1634 = tpu.memref_slice %arg2[%multiple_of3A_819, %dma_wait3A_1633] : memref<12800x128xi32, #tpu.memory_space<hbm>> -> memref<5x128xi32, #tpu.memory_space<hbm>>
        %dma_wait3A_1635 = arith.constant 0 : i32
        %dma_wait3A_1636 = arith.constant 0 : i32
        %dma_wait3A_1637 = tpu.memref_slice %arg5[%run_scoped3A_820, %dma_wait3A_1635, %dma_wait3A_1636] : memref<2x5x128xi32, #tpu.memory_space<vmem>> -> memref<1x5x128xi32, #tpu.memory_space<vmem>>
        %dma_wait3A_1638 = tpu.memref_squeeze %dma_wait3A_1637 : memref<1x5x128xi32, #tpu.memory_space<vmem>> -> memref<5x128xi32, #tpu.memory_space<vmem>>
        %dma_wait3A_1639 = arith.constant 0 : i32
        %dma_wait3A_1640 = tpu.memref_slice %arg2[%multiple_of3A_819, %dma_wait3A_1639] : memref<12800x128xi32, #tpu.memory_space<hbm>> -> memref<5x128xi32, #tpu.memory_space<hbm>>
        tpu.wait_dma2 semaphore(%run_scoped3A_1616 : memref<!tpu.dma_semaphore, #tpu.memory_space<semaphore_mem>>) src(%dma_wait3A_1640 : memref<5x128xi32, #tpu.memory_space<hbm>>) dst(%dma_wait3A_1638 : memref<5x128xi32, #tpu.memory_space<vmem>>)
        tpu.yield
      }) : () -> ()
      %get3A_821 = arith.constant 1 : i32
      %get3A_822 = arith.constant 0 : i32
      %get3A_823 = arith.index_cast %get3A_821 : i32 to index
      %get3A_824 = arith.index_cast %get3A_822 : i32 to index
      %get3A_825 = arith.constant 0 : index
      %get3A_826 = tpu.vector_load %arg5[%get3A_823, %get3A_824, %get3A_825] {strides = array<i32>} : memref<2x5x128xi32, #tpu.memory_space<vmem>>, vector<1x1x16xi32>,
      %get3A_827 = vector.shape_cast %get3A_826 : vector<1x1x16xi32> to vector<16xi32>
      %add3A_828 = arith.addi %get3A_827, %mul3A_7 : vector<16xi32>
      %swap3A_829 = arith.constant 1 : i32
      %swap3A_830 = arith.constant 0 : i32
      %swap3A_831 = arith.index_cast %swap3A_829 : i32 to index
      %swap3A_832 = arith.index_cast %swap3A_830 : i32 to index
      %swap3A_833 = arith.constant 0 : index
      %swap3A_834 = tpu.vector_load %arg5[%swap3A_831, %swap3A_832, %swap3A_833] {strides = array<i32>} : memref<2x5x128xi32, #tpu.memory_space<vmem>>, vector<1x1x16xi32>,
      %swap3A_835 = vector.shape_cast %swap3A_834 : vector<1x1x16xi32> to vector<16xi32>
      %swap3A_836 = vector.shape_cast %add3A_828 : vector<16xi32> to vector<1x1x16xi32>
      tpu.vector_store %arg5[%swap3A_831, %swap3A_832, %swap3A_833], %swap3A_836 {strides = array<i32>} : memref<2x5x128xi32, #tpu.memory_space<vmem>>, vector<1x1x16xi32>,
      %get3A_837 = arith.constant 1 : i32
      %get3A_838 = arith.constant 0 : i32
      %get3A_839 = arith.index_cast %get3A_837 : i32 to index
      %get3A_840 = arith.index_cast %get3A_838 : i32 to index
      %get3A_841 = arith.constant 16 : index
      %get3A_842 = tpu.vector_load %arg5[%get3A_839, %get3A_840, %get3A_841] {strides = array<i32>} : memref<2x5x128xi32, #tpu.memory_space<vmem>>, vector<1x1x16xi32>,
      %get3A_843 = vector.shape_cast %get3A_842 : vector<1x1x16xi32> to vector<16xi32>
      %add3A_844 = arith.addi %get3A_843, %mul3A_7 : vector<16xi32>
      %swap3A_845 = arith.constant 1 : i32
      %swap3A_846 = arith.constant 0 : i32
      %swap3A_847 = arith.index_cast %swap3A_845 : i32 to index
      %swap3A_848 = arith.index_cast %swap3A_846 : i32 to index
      %swap3A_849 = arith.constant 16 : index
      %swap3A_850 = tpu.vector_load %arg5[%swap3A_847, %swap3A_848, %swap3A_849] {strides = array<i32>} : memref<2x5x128xi32, #tpu.memory_space<vmem>>, vector<1x1x16xi32>,
      %swap3A_851 = vector.shape_cast %swap3A_850 : vector<1x1x16xi32> to vector<16xi32>
      %swap3A_852 = vector.shape_cast %add3A_844 : vector<16xi32> to vector<1x1x16xi32>
      tpu.vector_store %arg5[%swap3A_847, %swap3A_848, %swap3A_849], %swap3A_852 {strides = array<i32>} : memref<2x5x128xi32, #tpu.memory_space<vmem>>, vector<1x1x16xi32>,
      %get3A_853 = arith.constant 1 : i32
      %get3A_854 = arith.constant 0 : i32
      %get3A_855 = arith.index_cast %get3A_853 : i32 to index
      %get3A_856 = arith.index_cast %get3A_854 : i32 to index
      %get3A_857 = arith.constant 32 : index
      %get3A_858 = tpu.vector_load %arg5[%get3A_855, %get3A_856, %get3A_857] {strides = array<i32>} : memref<2x5x128xi32, #tpu.memory_space<vmem>>, vector<1x1x16xi32>,
      %get3A_859 = vector.shape_cast %get3A_858 : vector<1x1x16xi32> to vector<16xi32>
      %add3A_860 = arith.addi %get3A_859, %mul3A_7 : vector<16xi32>
      %swap3A_861 = arith.constant 1 : i32
      %swap3A_862 = arith.constant 0 : i32
      %swap3A_863 = arith.index_cast %swap3A_861 : i32 to index
      %swap3A_864 = arith.index_cast %swap3A_862 : i32 to index
      %swap3A_865 = arith.constant 32 : index
      %swap3A_866 = tpu.vector_load %arg5[%swap3A_863, %swap3A_864, %swap3A_865] {strides = array<i32>} : memref<2x5x128xi32, #tpu.memory_space<vmem>>, vector<1x1x16xi32>,
      %swap3A_867 = vector.shape_cast %swap3A_866 : vector<1x1x16xi32> to vector<16xi32>
      %swap3A_868 = vector.shape_cast %add3A_860 : vector<16xi32> to vector<1x1x16xi32>
      tpu.vector_store %arg5[%swap3A_863, %swap3A_864, %swap3A_865], %swap3A_868 {strides = array<i32>} : memref<2x5x128xi32, #tpu.memory_space<vmem>>, vector<1x1x16xi32>,
      %get3A_869 = arith.constant 1 : i32
      %get3A_870 = arith.constant 0 : i32
      %get3A_871 = arith.index_cast %get3A_869 : i32 to index
      %get3A_872 = arith.index_cast %get3A_870 : i32 to index
      %get3A_873 = arith.constant 48 : index
      %get3A_874 = tpu.vector_load %arg5[%get3A_871, %get3A_872, %get3A_873] {strides = array<i32>} : memref<2x5x128xi32, #tpu.memory_space<vmem>>, vector<1x1x16xi32>,
      %get3A_875 = vector.shape_cast %get3A_874 : vector<1x1x16xi32> to vector<16xi32>
      %add3A_876 = arith.addi %get3A_875, %mul3A_7 : vector<16xi32>
      %swap3A_877 = arith.constant 1 : i32
      %swap3A_878 = arith.constant 0 : i32
      %swap3A_879 = arith.index_cast %swap3A_877 : i32 to index
      %swap3A_880 = arith.index_cast %swap3A_878 : i32 to index
      %swap3A_881 = arith.constant 48 : index
      %swap3A_882 = tpu.vector_load %arg5[%swap3A_879, %swap3A_880, %swap3A_881] {strides = array<i32>} : memref<2x5x128xi32, #tpu.memory_space<vmem>>, vector<1x1x16xi32>,
      %swap3A_883 = vector.shape_cast %swap3A_882 : vector<1x1x16xi32> to vector<16xi32>
      %swap3A_884 = vector.shape_cast %add3A_876 : vector<16xi32> to vector<1x1x16xi32>
      tpu.vector_store %arg5[%swap3A_879, %swap3A_880, %swap3A_881], %swap3A_884 {strides = array<i32>} : memref<2x5x128xi32, #tpu.memory_space<vmem>>, vector<1x1x16xi32>,
      %get3A_885 = arith.constant 1 : i32
      %get3A_886 = arith.constant 0 : i32
      %get3A_887 = arith.index_cast %get3A_885 : i32 to index
      %get3A_888 = arith.index_cast %get3A_886 : i32 to index
      %get3A_889 = arith.constant 64 : index
      %get3A_890 = tpu.vector_load %arg5[%get3A_887, %get3A_888, %get3A_889] {strides = array<i32>} : memref<2x5x128xi32, #tpu.memory_space<vmem>>, vector<1x1x16xi32>,
      %get3A_891 = vector.shape_cast %get3A_890 : vector<1x1x16xi32> to vector<16xi32>
      %add3A_892 = arith.addi %get3A_891, %mul3A_7 : vector<16xi32>
      %swap3A_893 = arith.constant 1 : i32
      %swap3A_894 = arith.constant 0 : i32
      %swap3A_895 = arith.index_cast %swap3A_893 : i32 to index
      %swap3A_896 = arith.index_cast %swap3A_894 : i32 to index
      %swap3A_897 = arith.constant 64 : index
      %swap3A_898 = tpu.vector_load %arg5[%swap3A_895, %swap3A_896, %swap3A_897] {strides = array<i32>} : memref<2x5x128xi32, #tpu.memory_space<vmem>>, vector<1x1x16xi32>,
      %swap3A_899 = vector.shape_cast %swap3A_898 : vector<1x1x16xi32> to vector<16xi32>
      %swap3A_900 = vector.shape_cast %add3A_892 : vector<16xi32> to vector<1x1x16xi32>
      tpu.vector_store %arg5[%swap3A_895, %swap3A_896, %swap3A_897], %swap3A_900 {strides = array<i32>} : memref<2x5x128xi32, #tpu.memory_space<vmem>>, vector<1x1x16xi32>,
      %get3A_901 = arith.constant 1 : i32
      %get3A_902 = arith.constant 0 : i32
      %get3A_903 = arith.index_cast %get3A_901 : i32 to index
      %get3A_904 = arith.index_cast %get3A_902 : i32 to index
      %get3A_905 = arith.constant 80 : index
      %get3A_906 = tpu.vector_load %arg5[%get3A_903, %get3A_904, %get3A_905] {strides = array<i32>} : memref<2x5x128xi32, #tpu.memory_space<vmem>>, vector<1x1x16xi32>,
      %get3A_907 = vector.shape_cast %get3A_906 : vector<1x1x16xi32> to vector<16xi32>
      %add3A_908 = arith.addi %get3A_907, %mul3A_7 : vector<16xi32>
      %swap3A_909 = arith.constant 1 : i32
      %swap3A_910 = arith.constant 0 : i32
      %swap3A_911 = arith.index_cast %swap3A_909 : i32 to index
      %swap3A_912 = arith.index_cast %swap3A_910 : i32 to index
      %swap3A_913 = arith.constant 80 : index
      %swap3A_914 = tpu.vector_load %arg5[%swap3A_911, %swap3A_912, %swap3A_913] {strides = array<i32>} : memref<2x5x128xi32, #tpu.memory_space<vmem>>, vector<1x1x16xi32>,
      %swap3A_915 = vector.shape_cast %swap3A_914 : vector<1x1x16xi32> to vector<16xi32>
      %swap3A_916 = vector.shape_cast %add3A_908 : vector<16xi32> to vector<1x1x16xi32>
      tpu.vector_store %arg5[%swap3A_911, %swap3A_912, %swap3A_913], %swap3A_916 {strides = array<i32>} : memref<2x5x128xi32, #tpu.memory_space<vmem>>, vector<1x1x16xi32>,
      %get3A_917 = arith.constant 1 : i32
      %get3A_918 = arith.constant 0 : i32
      %get3A_919 = arith.index_cast %get3A_917 : i32 to index
      %get3A_920 = arith.index_cast %get3A_918 : i32 to index
      %get3A_921 = arith.constant 96 : index
      %get3A_922 = tpu.vector_load %arg5[%get3A_919, %get3A_920, %get3A_921] {strides = array<i32>} : memref<2x5x128xi32, #tpu.memory_space<vmem>>, vector<1x1x16xi32>,
      %get3A_923 = vector.shape_cast %get3A_922 : vector<1x1x16xi32> to vector<16xi32>
      %add3A_924 = arith.addi %get3A_923, %mul3A_7 : vector<16xi32>
      %swap3A_925 = arith.constant 1 : i32
      %swap3A_926 = arith.constant 0 : i32
      %swap3A_927 = arith.index_cast %swap3A_925 : i32 to index
      %swap3A_928 = arith.index_cast %swap3A_926 : i32 to index
      %swap3A_929 = arith.constant 96 : index
      %swap3A_930 = tpu.vector_load %arg5[%swap3A_927, %swap3A_928, %swap3A_929] {strides = array<i32>} : memref<2x5x128xi32, #tpu.memory_space<vmem>>, vector<1x1x16xi32>,
      %swap3A_931 = vector.shape_cast %swap3A_930 : vector<1x1x16xi32> to vector<16xi32>
      %swap3A_932 = vector.shape_cast %add3A_924 : vector<16xi32> to vector<1x1x16xi32>
      tpu.vector_store %arg5[%swap3A_927, %swap3A_928, %swap3A_929], %swap3A_932 {strides = array<i32>} : memref<2x5x128xi32, #tpu.memory_space<vmem>>, vector<1x1x16xi32>,
      %get3A_933 = arith.constant 1 : i32
      %get3A_934 = arith.constant 0 : i32
      %get3A_935 = arith.index_cast %get3A_933 : i32 to index
      %get3A_936 = arith.index_cast %get3A_934 : i32 to index
      %get3A_937 = arith.constant 112 : index
      %get3A_938 = tpu.vector_load %arg5[%get3A_935, %get3A_936, %get3A_937] {strides = array<i32>} : memref<2x5x128xi32, #tpu.memory_space<vmem>>, vector<1x1x16xi32>,
      %get3A_939 = vector.shape_cast %get3A_938 : vector<1x1x16xi32> to vector<16xi32>
      %add3A_940 = arith.addi %get3A_939, %mul3A_7 : vector<16xi32>
      %swap3A_941 = arith.constant 1 : i32
      %swap3A_942 = arith.constant 0 : i32
      %swap3A_943 = arith.index_cast %swap3A_941 : i32 to index
      %swap3A_944 = arith.index_cast %swap3A_942 : i32 to index
      %swap3A_945 = arith.constant 112 : index
      %swap3A_946 = tpu.vector_load %arg5[%swap3A_943, %swap3A_944, %swap3A_945] {strides = array<i32>} : memref<2x5x128xi32, #tpu.memory_space<vmem>>, vector<1x1x16xi32>,
      %swap3A_947 = vector.shape_cast %swap3A_946 : vector<1x1x16xi32> to vector<16xi32>
      %swap3A_948 = vector.shape_cast %add3A_940 : vector<16xi32> to vector<1x1x16xi32>
      tpu.vector_store %arg5[%swap3A_943, %swap3A_944, %swap3A_945], %swap3A_948 {strides = array<i32>} : memref<2x5x128xi32, #tpu.memory_space<vmem>>, vector<1x1x16xi32>,
      %get3A_949 = arith.constant 1 : i32
      %get3A_950 = arith.constant 1 : i32
      %get3A_951 = arith.index_cast %get3A_949 : i32 to index
      %get3A_952 = arith.index_cast %get3A_950 : i32 to index
      %get3A_953 = arith.constant 0 : index
      %get3A_954 = tpu.vector_load %arg5[%get3A_951, %get3A_952, %get3A_953] {strides = array<i32>} : memref<2x5x128xi32, #tpu.memory_space<vmem>>, vector<1x1x16xi32>,
      %get3A_955 = vector.shape_cast %get3A_954 : vector<1x1x16xi32> to vector<16xi32>
      %add3A_956 = arith.addi %get3A_955, %mul3A_7 : vector<16xi32>
      %swap3A_957 = arith.constant 1 : i32
      %swap3A_958 = arith.constant 1 : i32
      %swap3A_959 = arith.index_cast %swap3A_957 : i32 to index
      %swap3A_960 = arith.index_cast %swap3A_958 : i32 to index
      %swap3A_961 = arith.constant 0 : index
      %swap3A_962 = tpu.vector_load %arg5[%swap3A_959, %swap3A_960, %swap3A_961] {strides = array<i32>} : memref<2x5x128xi32, #tpu.memory_space<vmem>>, vector<1x1x16xi32>,
      %swap3A_963 = vector.shape_cast %swap3A_962 : vector<1x1x16xi32> to vector<16xi32>
      %swap3A_964 = vector.shape_cast %add3A_956 : vector<16xi32> to vector<1x1x16xi32>
      tpu.vector_store %arg5[%swap3A_959, %swap3A_960, %swap3A_961], %swap3A_964 {strides = array<i32>} : memref<2x5x128xi32, #tpu.memory_space<vmem>>, vector<1x1x16xi32>,
      %get3A_965 = arith.constant 1 : i32
      %get3A_966 = arith.constant 1 : i32
      %get3A_967 = arith.index_cast %get3A_965 : i32 to index
      %get3A_968 = arith.index_cast %get3A_966 : i32 to index
      %get3A_969 = arith.constant 16 : index
      %get3A_970 = tpu.vector_load %arg5[%get3A_967, %get3A_968, %get3A_969] {strides = array<i32>} : memref<2x5x128xi32, #tpu.memory_space<vmem>>, vector<1x1x16xi32>,
      %get3A_971 = vector.shape_cast %get3A_970 : vector<1x1x16xi32> to vector<16xi32>
      %add3A_972 = arith.addi %get3A_971, %mul3A_7 : vector<16xi32>
      %swap3A_973 = arith.constant 1 : i32
      %swap3A_974 = arith.constant 1 : i32
      %swap3A_975 = arith.index_cast %swap3A_973 : i32 to index
      %swap3A_976 = arith.index_cast %swap3A_974 : i32 to index
      %swap3A_977 = arith.constant 16 : index
      %swap3A_978 = tpu.vector_load %arg5[%swap3A_975, %swap3A_976, %swap3A_977] {strides = array<i32>} : memref<2x5x128xi32, #tpu.memory_space<vmem>>, vector<1x1x16xi32>,
      %swap3A_979 = vector.shape_cast %swap3A_978 : vector<1x1x16xi32> to vector<16xi32>
      %swap3A_980 = vector.shape_cast %add3A_972 : vector<16xi32> to vector<1x1x16xi32>
      tpu.vector_store %arg5[%swap3A_975, %swap3A_976, %swap3A_977], %swap3A_980 {strides = array<i32>} : memref<2x5x128xi32, #tpu.memory_space<vmem>>, vector<1x1x16xi32>,
      %get3A_981 = arith.constant 1 : i32
      %get3A_982 = arith.constant 1 : i32
      %get3A_983 = arith.index_cast %get3A_981 : i32 to index
      %get3A_984 = arith.index_cast %get3A_982 : i32 to index
      %get3A_985 = arith.constant 32 : index
      %get3A_986 = tpu.vector_load %arg5[%get3A_983, %get3A_984, %get3A_985] {strides = array<i32>} : memref<2x5x128xi32, #tpu.memory_space<vmem>>, vector<1x1x16xi32>,
      %get3A_987 = vector.shape_cast %get3A_986 : vector<1x1x16xi32> to vector<16xi32>
      %add3A_988 = arith.addi %get3A_987, %mul3A_7 : vector<16xi32>
      %swap3A_989 = arith.constant 1 : i32
      %swap3A_990 = arith.constant 1 : i32
      %swap3A_991 = arith.index_cast %swap3A_989 : i32 to index
      %swap3A_992 = arith.index_cast %swap3A_990 : i32 to index
      %swap3A_993 = arith.constant 32 : index
      %swap3A_994 = tpu.vector_load %arg5[%swap3A_991, %swap3A_992, %swap3A_993] {strides = array<i32>} : memref<2x5x128xi32, #tpu.memory_space<vmem>>, vector<1x1x16xi32>,
      %swap3A_995 = vector.shape_cast %swap3A_994 : vector<1x1x16xi32> to vector<16xi32>
      %swap3A_996 = vector.shape_cast %add3A_988 : vector<16xi32> to vector<1x1x16xi32>
      tpu.vector_store %arg5[%swap3A_991, %swap3A_992, %swap3A_993], %swap3A_996 {strides = array<i32>} : memref<2x5x128xi32, #tpu.memory_space<vmem>>, vector<1x1x16xi32>,
      %get3A_997 = arith.constant 1 : i32
      %get3A_998 = arith.constant 1 : i32
      %get3A_999 = arith.index_cast %get3A_997 : i32 to index
      %get3A_1000 = arith.index_cast %get3A_998 : i32 to index
      %get3A_1001 = arith.constant 48 : index
      %get3A_1002 = tpu.vector_load %arg5[%get3A_999, %get3A_1000, %get3A_1001] {strides = array<i32>} : memref<2x5x128xi32, #tpu.memory_space<vmem>>, vector<1x1x16xi32>,
      %get3A_1003 = vector.shape_cast %get3A_1002 : vector<1x1x16xi32> to vector<16xi32>
      %add3A_1004 = arith.addi %get3A_1003, %mul3A_7 : vector<16xi32>
      %swap3A_1005 = arith.constant 1 : i32
      %swap3A_1006 = arith.constant 1 : i32
      %swap3A_1007 = arith.index_cast %swap3A_1005 : i32 to index
      %swap3A_1008 = arith.index_cast %swap3A_1006 : i32 to index
      %swap3A_1009 = arith.constant 48 : index
      %swap3A_1010 = tpu.vector_load %arg5[%swap3A_1007, %swap3A_1008, %swap3A_1009] {strides = array<i32>} : memref<2x5x128xi32, #tpu.memory_space<vmem>>, vector<1x1x16xi32>,
      %swap3A_1011 = vector.shape_cast %swap3A_1010 : vector<1x1x16xi32> to vector<16xi32>
      %swap3A_1012 = vector.shape_cast %add3A_1004 : vector<16xi32> to vector<1x1x16xi32>
      tpu.vector_store %arg5[%swap3A_1007, %swap3A_1008, %swap3A_1009], %swap3A_1012 {strides = array<i32>} : memref<2x5x128xi32, #tpu.memory_space<vmem>>, vector<1x1x16xi32>,
      %get3A_1013 = arith.constant 1 : i32
      %get3A_1014 = arith.constant 1 : i32
      %get3A_1015 = arith.index_cast %get3A_1013 : i32 to index
      %get3A_1016 = arith.index_cast %get3A_1014 : i32 to index
      %get3A_1017 = arith.constant 64 : index
      %get3A_1018 = tpu.vector_load %arg5[%get3A_1015, %get3A_1016, %get3A_1017] {strides = array<i32>} : memref<2x5x128xi32, #tpu.memory_space<vmem>>, vector<1x1x16xi32>,
      %get3A_1019 = vector.shape_cast %get3A_1018 : vector<1x1x16xi32> to vector<16xi32>
      %add3A_1020 = arith.addi %get3A_1019, %mul3A_7 : vector<16xi32>
      %swap3A_1021 = arith.constant 1 : i32
      %swap3A_1022 = arith.constant 1 : i32
      %swap3A_1023 = arith.index_cast %swap3A_1021 : i32 to index
      %swap3A_1024 = arith.index_cast %swap3A_1022 : i32 to index
      %swap3A_1025 = arith.constant 64 : index
      %swap3A_1026 = tpu.vector_load %arg5[%swap3A_1023, %swap3A_1024, %swap3A_1025] {strides = array<i32>} : memref<2x5x128xi32, #tpu.memory_space<vmem>>, vector<1x1x16xi32>,
      %swap3A_1027 = vector.shape_cast %swap3A_1026 : vector<1x1x16xi32> to vector<16xi32>
      %swap3A_1028 = vector.shape_cast %add3A_1020 : vector<16xi32> to vector<1x1x16xi32>
      tpu.vector_store %arg5[%swap3A_1023, %swap3A_1024, %swap3A_1025], %swap3A_1028 {strides = array<i32>} : memref<2x5x128xi32, #tpu.memory_space<vmem>>, vector<1x1x16xi32>,
      %get3A_1029 = arith.constant 1 : i32
      %get3A_1030 = arith.constant 1 : i32
      %get3A_1031 = arith.index_cast %get3A_1029 : i32 to index
      %get3A_1032 = arith.index_cast %get3A_1030 : i32 to index
      %get3A_1033 = arith.constant 80 : index
      %get3A_1034 = tpu.vector_load %arg5[%get3A_1031, %get3A_1032, %get3A_1033] {strides = array<i32>} : memref<2x5x128xi32, #tpu.memory_space<vmem>>, vector<1x1x16xi32>,
      %get3A_1035 = vector.shape_cast %get3A_1034 : vector<1x1x16xi32> to vector<16xi32>
      %add3A_1036 = arith.addi %get3A_1035, %mul3A_7 : vector<16xi32>
      %swap3A_1037 = arith.constant 1 : i32
      %swap3A_1038 = arith.constant 1 : i32
      %swap3A_1039 = arith.index_cast %swap3A_1037 : i32 to index
      %swap3A_1040 = arith.index_cast %swap3A_1038 : i32 to index
      %swap3A_1041 = arith.constant 80 : index
      %swap3A_1042 = tpu.vector_load %arg5[%swap3A_1039, %swap3A_1040, %swap3A_1041] {strides = array<i32>} : memref<2x5x128xi32, #tpu.memory_space<vmem>>, vector<1x1x16xi32>,
      %swap3A_1043 = vector.shape_cast %swap3A_1042 : vector<1x1x16xi32> to vector<16xi32>
      %swap3A_1044 = vector.shape_cast %add3A_1036 : vector<16xi32> to vector<1x1x16xi32>
      tpu.vector_store %arg5[%swap3A_1039, %swap3A_1040, %swap3A_1041], %swap3A_1044 {strides = array<i32>} : memref<2x5x128xi32, #tpu.memory_space<vmem>>, vector<1x1x16xi32>,
      %get3A_1045 = arith.constant 1 : i32
      %get3A_1046 = arith.constant 1 : i32
      %get3A_1047 = arith.index_cast %get3A_1045 : i32 to index
      %get3A_1048 = arith.index_cast %get3A_1046 : i32 to index
      %get3A_1049 = arith.constant 96 : index
      %get3A_1050 = tpu.vector_load %arg5[%get3A_1047, %get3A_1048, %get3A_1049] {strides = array<i32>} : memref<2x5x128xi32, #tpu.memory_space<vmem>>, vector<1x1x16xi32>,
      %get3A_1051 = vector.shape_cast %get3A_1050 : vector<1x1x16xi32> to vector<16xi32>
      %add3A_1052 = arith.addi %get3A_1051, %mul3A_7 : vector<16xi32>
      %swap3A_1053 = arith.constant 1 : i32
      %swap3A_1054 = arith.constant 1 : i32
      %swap3A_1055 = arith.index_cast %swap3A_1053 : i32 to index
      %swap3A_1056 = arith.index_cast %swap3A_1054 : i32 to index
      %swap3A_1057 = arith.constant 96 : index
      %swap3A_1058 = tpu.vector_load %arg5[%swap3A_1055, %swap3A_1056, %swap3A_1057] {strides = array<i32>} : memref<2x5x128xi32, #tpu.memory_space<vmem>>, vector<1x1x16xi32>,
      %swap3A_1059 = vector.shape_cast %swap3A_1058 : vector<1x1x16xi32> to vector<16xi32>
      %swap3A_1060 = vector.shape_cast %add3A_1052 : vector<16xi32> to vector<1x1x16xi32>
      tpu.vector_store %arg5[%swap3A_1055, %swap3A_1056, %swap3A_1057], %swap3A_1060 {strides = array<i32>} : memref<2x5x128xi32, #tpu.memory_space<vmem>>, vector<1x1x16xi32>,
      %get3A_1061 = arith.constant 1 : i32
      %get3A_1062 = arith.constant 1 : i32
      %get3A_1063 = arith.index_cast %get3A_1061 : i32 to index
      %get3A_1064 = arith.index_cast %get3A_1062 : i32 to index
      %get3A_1065 = arith.constant 112 : index
      %get3A_1066 = tpu.vector_load %arg5[%get3A_1063, %get3A_1064, %get3A_1065] {strides = array<i32>} : memref<2x5x128xi32, #tpu.memory_space<vmem>>, vector<1x1x16xi32>,
      %get3A_1067 = vector.shape_cast %get3A_1066 : vector<1x1x16xi32> to vector<16xi32>
      %add3A_1068 = arith.addi %get3A_1067, %mul3A_7 : vector<16xi32>
      %swap3A_1069 = arith.constant 1 : i32
      %swap3A_1070 = arith.constant 1 : i32
      %swap3A_1071 = arith.index_cast %swap3A_1069 : i32 to index
      %swap3A_1072 = arith.index_cast %swap3A_1070 : i32 to index
      %swap3A_1073 = arith.constant 112 : index
      %swap3A_1074 = tpu.vector_load %arg5[%swap3A_1071, %swap3A_1072, %swap3A_1073] {strides = array<i32>} : memref<2x5x128xi32, #tpu.memory_space<vmem>>, vector<1x1x16xi32>,
      %swap3A_1075 = vector.shape_cast %swap3A_1074 : vector<1x1x16xi32> to vector<16xi32>
      %swap3A_1076 = vector.shape_cast %add3A_1068 : vector<16xi32> to vector<1x1x16xi32>
      tpu.vector_store %arg5[%swap3A_1071, %swap3A_1072, %swap3A_1073], %swap3A_1076 {strides = array<i32>} : memref<2x5x128xi32, #tpu.memory_space<vmem>>, vector<1x1x16xi32>,
      %get3A_1077 = arith.constant 1 : i32
      %get3A_1078 = arith.constant 2 : i32
      %get3A_1079 = arith.index_cast %get3A_1077 : i32 to index
      %get3A_1080 = arith.index_cast %get3A_1078 : i32 to index
      %get3A_1081 = arith.constant 0 : index
      %get3A_1082 = tpu.vector_load %arg5[%get3A_1079, %get3A_1080, %get3A_1081] {strides = array<i32>} : memref<2x5x128xi32, #tpu.memory_space<vmem>>, vector<1x1x16xi32>,
      %get3A_1083 = vector.shape_cast %get3A_1082 : vector<1x1x16xi32> to vector<16xi32>
      %add3A_1084 = arith.addi %get3A_1083, %mul3A_7 : vector<16xi32>
      %swap3A_1085 = arith.constant 1 : i32
      %swap3A_1086 = arith.constant 2 : i32
      %swap3A_1087 = arith.index_cast %swap3A_1085 : i32 to index
      %swap3A_1088 = arith.index_cast %swap3A_1086 : i32 to index
      %swap3A_1089 = arith.constant 0 : index
      %swap3A_1090 = tpu.vector_load %arg5[%swap3A_1087, %swap3A_1088, %swap3A_1089] {strides = array<i32>} : memref<2x5x128xi32, #tpu.memory_space<vmem>>, vector<1x1x16xi32>,
      %swap3A_1091 = vector.shape_cast %swap3A_1090 : vector<1x1x16xi32> to vector<16xi32>
      %swap3A_1092 = vector.shape_cast %add3A_1084 : vector<16xi32> to vector<1x1x16xi32>
      tpu.vector_store %arg5[%swap3A_1087, %swap3A_1088, %swap3A_1089], %swap3A_1092 {strides = array<i32>} : memref<2x5x128xi32, #tpu.memory_space<vmem>>, vector<1x1x16xi32>,
      %get3A_1093 = arith.constant 1 : i32
      %get3A_1094 = arith.constant 2 : i32
      %get3A_1095 = arith.index_cast %get3A_1093 : i32 to index
      %get3A_1096 = arith.index_cast %get3A_1094 : i32 to index
      %get3A_1097 = arith.constant 16 : index
      %get3A_1098 = tpu.vector_load %arg5[%get3A_1095, %get3A_1096, %get3A_1097] {strides = array<i32>} : memref<2x5x128xi32, #tpu.memory_space<vmem>>, vector<1x1x16xi32>,
      %get3A_1099 = vector.shape_cast %get3A_1098 : vector<1x1x16xi32> to vector<16xi32>
      %add3A_1100 = arith.addi %get3A_1099, %mul3A_7 : vector<16xi32>
      %swap3A_1101 = arith.constant 1 : i32
      %swap3A_1102 = arith.constant 2 : i32
      %swap3A_1103 = arith.index_cast %swap3A_1101 : i32 to index
      %swap3A_1104 = arith.index_cast %swap3A_1102 : i32 to index
      %swap3A_1105 = arith.constant 16 : index
      %swap3A_1106 = tpu.vector_load %arg5[%swap3A_1103, %swap3A_1104, %swap3A_1105] {strides = array<i32>} : memref<2x5x128xi32, #tpu.memory_space<vmem>>, vector<1x1x16xi32>,
      %swap3A_1107 = vector.shape_cast %swap3A_1106 : vector<1x1x16xi32> to vector<16xi32>
      %swap3A_1108 = vector.shape_cast %add3A_1100 : vector<16xi32> to vector<1x1x16xi32>
      tpu.vector_store %arg5[%swap3A_1103, %swap3A_1104, %swap3A_1105], %swap3A_1108 {strides = array<i32>} : memref<2x5x128xi32, #tpu.memory_space<vmem>>, vector<1x1x16xi32>,
      %get3A_1109 = arith.constant 1 : i32
      %get3A_1110 = arith.constant 2 : i32
      %get3A_1111 = arith.index_cast %get3A_1109 : i32 to index
      %get3A_1112 = arith.index_cast %get3A_1110 : i32 to index
      %get3A_1113 = arith.constant 32 : index
      %get3A_1114 = tpu.vector_load %arg5[%get3A_1111, %get3A_1112, %get3A_1113] {strides = array<i32>} : memref<2x5x128xi32, #tpu.memory_space<vmem>>, vector<1x1x16xi32>,
      %get3A_1115 = vector.shape_cast %get3A_1114 : vector<1x1x16xi32> to vector<16xi32>
      %add3A_1116 = arith.addi %get3A_1115, %mul3A_7 : vector<16xi32>
      %swap3A_1117 = arith.constant 1 : i32
      %swap3A_1118 = arith.constant 2 : i32
      %swap3A_1119 = arith.index_cast %swap3A_1117 : i32 to index
      %swap3A_1120 = arith.index_cast %swap3A_1118 : i32 to index
      %swap3A_1121 = arith.constant 32 : index
      %swap3A_1122 = tpu.vector_load %arg5[%swap3A_1119, %swap3A_1120, %swap3A_1121] {strides = array<i32>} : memref<2x5x128xi32, #tpu.memory_space<vmem>>, vector<1x1x16xi32>,
      %swap3A_1123 = vector.shape_cast %swap3A_1122 : vector<1x1x16xi32> to vector<16xi32>
      %swap3A_1124 = vector.shape_cast %add3A_1116 : vector<16xi32> to vector<1x1x16xi32>
      tpu.vector_store %arg5[%swap3A_1119, %swap3A_1120, %swap3A_1121], %swap3A_1124 {strides = array<i32>} : memref<2x5x128xi32, #tpu.memory_space<vmem>>, vector<1x1x16xi32>,
      %get3A_1125 = arith.constant 1 : i32
      %get3A_1126 = arith.constant 2 : i32
      %get3A_1127 = arith.index_cast %get3A_1125 : i32 to index
      %get3A_1128 = arith.index_cast %get3A_1126 : i32 to index
      %get3A_1129 = arith.constant 48 : index
      %get3A_1130 = tpu.vector_load %arg5[%get3A_1127, %get3A_1128, %get3A_1129] {strides = array<i32>} : memref<2x5x128xi32, #tpu.memory_space<vmem>>, vector<1x1x16xi32>,
      %get3A_1131 = vector.shape_cast %get3A_1130 : vector<1x1x16xi32> to vector<16xi32>
      %add3A_1132 = arith.addi %get3A_1131, %mul3A_7 : vector<16xi32>
      %swap3A_1133 = arith.constant 1 : i32
      %swap3A_1134 = arith.constant 2 : i32
      %swap3A_1135 = arith.index_cast %swap3A_1133 : i32 to index
      %swap3A_1136 = arith.index_cast %swap3A_1134 : i32 to index
      %swap3A_1137 = arith.constant 48 : index
      %swap3A_1138 = tpu.vector_load %arg5[%swap3A_1135, %swap3A_1136, %swap3A_1137] {strides = array<i32>} : memref<2x5x128xi32, #tpu.memory_space<vmem>>, vector<1x1x16xi32>,
      %swap3A_1139 = vector.shape_cast %swap3A_1138 : vector<1x1x16xi32> to vector<16xi32>
      %swap3A_1140 = vector.shape_cast %add3A_1132 : vector<16xi32> to vector<1x1x16xi32>
      tpu.vector_store %arg5[%swap3A_1135, %swap3A_1136, %swap3A_1137], %swap3A_1140 {strides = array<i32>} : memref<2x5x128xi32, #tpu.memory_space<vmem>>, vector<1x1x16xi32>,
      %get3A_1141 = arith.constant 1 : i32
      %get3A_1142 = arith.constant 2 : i32
      %get3A_1143 = arith.index_cast %get3A_1141 : i32 to index
      %get3A_1144 = arith.index_cast %get3A_1142 : i32 to index
      %get3A_1145 = arith.constant 64 : index
      %get3A_1146 = tpu.vector_load %arg5[%get3A_1143, %get3A_1144, %get3A_1145] {strides = array<i32>} : memref<2x5x128xi32, #tpu.memory_space<vmem>>, vector<1x1x16xi32>,
      %get3A_1147 = vector.shape_cast %get3A_1146 : vector<1x1x16xi32> to vector<16xi32>
      %add3A_1148 = arith.addi %get3A_1147, %mul3A_7 : vector<16xi32>
      %swap3A_1149 = arith.constant 1 : i32
      %swap3A_1150 = arith.constant 2 : i32
      %swap3A_1151 = arith.index_cast %swap3A_1149 : i32 to index
      %swap3A_1152 = arith.index_cast %swap3A_1150 : i32 to index
      %swap3A_1153 = arith.constant 64 : index
      %swap3A_1154 = tpu.vector_load %arg5[%swap3A_1151, %swap3A_1152, %swap3A_1153] {strides = array<i32>} : memref<2x5x128xi32, #tpu.memory_space<vmem>>, vector<1x1x16xi32>,
      %swap3A_1155 = vector.shape_cast %swap3A_1154 : vector<1x1x16xi32> to vector<16xi32>
      %swap3A_1156 = vector.shape_cast %add3A_1148 : vector<16xi32> to vector<1x1x16xi32>
      tpu.vector_store %arg5[%swap3A_1151, %swap3A_1152, %swap3A_1153], %swap3A_1156 {strides = array<i32>} : memref<2x5x128xi32, #tpu.memory_space<vmem>>, vector<1x1x16xi32>,
      %get3A_1157 = arith.constant 1 : i32
      %get3A_1158 = arith.constant 2 : i32
      %get3A_1159 = arith.index_cast %get3A_1157 : i32 to index
      %get3A_1160 = arith.index_cast %get3A_1158 : i32 to index
      %get3A_1161 = arith.constant 80 : index
      %get3A_1162 = tpu.vector_load %arg5[%get3A_1159, %get3A_1160, %get3A_1161] {strides = array<i32>} : memref<2x5x128xi32, #tpu.memory_space<vmem>>, vector<1x1x16xi32>,
      %get3A_1163 = vector.shape_cast %get3A_1162 : vector<1x1x16xi32> to vector<16xi32>
      %add3A_1164 = arith.addi %get3A_1163, %mul3A_7 : vector<16xi32>
      %swap3A_1165 = arith.constant 1 : i32
      %swap3A_1166 = arith.constant 2 : i32
      %swap3A_1167 = arith.index_cast %swap3A_1165 : i32 to index
      %swap3A_1168 = arith.index_cast %swap3A_1166 : i32 to index
      %swap3A_1169 = arith.constant 80 : index
      %swap3A_1170 = tpu.vector_load %arg5[%swap3A_1167, %swap3A_1168, %swap3A_1169] {strides = array<i32>} : memref<2x5x128xi32, #tpu.memory_space<vmem>>, vector<1x1x16xi32>,
      %swap3A_1171 = vector.shape_cast %swap3A_1170 : vector<1x1x16xi32> to vector<16xi32>
      %swap3A_1172 = vector.shape_cast %add3A_1164 : vector<16xi32> to vector<1x1x16xi32>
      tpu.vector_store %arg5[%swap3A_1167, %swap3A_1168, %swap3A_1169], %swap3A_1172 {strides = array<i32>} : memref<2x5x128xi32, #tpu.memory_space<vmem>>, vector<1x1x16xi32>,
      %get3A_1173 = arith.constant 1 : i32
      %get3A_1174 = arith.constant 2 : i32
      %get3A_1175 = arith.index_cast %get3A_1173 : i32 to index
      %get3A_1176 = arith.index_cast %get3A_1174 : i32 to index
      %get3A_1177 = arith.constant 96 : index
      %get3A_1178 = tpu.vector_load %arg5[%get3A_1175, %get3A_1176, %get3A_1177] {strides = array<i32>} : memref<2x5x128xi32, #tpu.memory_space<vmem>>, vector<1x1x16xi32>,
      %get3A_1179 = vector.shape_cast %get3A_1178 : vector<1x1x16xi32> to vector<16xi32>
      %add3A_1180 = arith.addi %get3A_1179, %mul3A_7 : vector<16xi32>
      %swap3A_1181 = arith.constant 1 : i32
      %swap3A_1182 = arith.constant 2 : i32
      %swap3A_1183 = arith.index_cast %swap3A_1181 : i32 to index
      %swap3A_1184 = arith.index_cast %swap3A_1182 : i32 to index
      %swap3A_1185 = arith.constant 96 : index
      %swap3A_1186 = tpu.vector_load %arg5[%swap3A_1183, %swap3A_1184, %swap3A_1185] {strides = array<i32>} : memref<2x5x128xi32, #tpu.memory_space<vmem>>, vector<1x1x16xi32>,
      %swap3A_1187 = vector.shape_cast %swap3A_1186 : vector<1x1x16xi32> to vector<16xi32>
      %swap3A_1188 = vector.shape_cast %add3A_1180 : vector<16xi32> to vector<1x1x16xi32>
      tpu.vector_store %arg5[%swap3A_1183, %swap3A_1184, %swap3A_1185], %swap3A_1188 {strides = array<i32>} : memref<2x5x128xi32, #tpu.memory_space<vmem>>, vector<1x1x16xi32>,
      %get3A_1189 = arith.constant 1 : i32
      %get3A_1190 = arith.constant 2 : i32
      %get3A_1191 = arith.index_cast %get3A_1189 : i32 to index
      %get3A_1192 = arith.index_cast %get3A_1190 : i32 to index
      %get3A_1193 = arith.constant 112 : index
      %get3A_1194 = tpu.vector_load %arg5[%get3A_1191, %get3A_1192, %get3A_1193] {strides = array<i32>} : memref<2x5x128xi32, #tpu.memory_space<vmem>>, vector<1x1x16xi32>,
      %get3A_1195 = vector.shape_cast %get3A_1194 : vector<1x1x16xi32> to vector<16xi32>
      %add3A_1196 = arith.addi %get3A_1195, %mul3A_7 : vector<16xi32>
      %swap3A_1197 = arith.constant 1 : i32
      %swap3A_1198 = arith.constant 2 : i32
      %swap3A_1199 = arith.index_cast %swap3A_1197 : i32 to index
      %swap3A_1200 = arith.index_cast %swap3A_1198 : i32 to index
      %swap3A_1201 = arith.constant 112 : index
      %swap3A_1202 = tpu.vector_load %arg5[%swap3A_1199, %swap3A_1200, %swap3A_1201] {strides = array<i32>} : memref<2x5x128xi32, #tpu.memory_space<vmem>>, vector<1x1x16xi32>,
      %swap3A_1203 = vector.shape_cast %swap3A_1202 : vector<1x1x16xi32> to vector<16xi32>
      %swap3A_1204 = vector.shape_cast %add3A_1196 : vector<16xi32> to vector<1x1x16xi32>
      tpu.vector_store %arg5[%swap3A_1199, %swap3A_1200, %swap3A_1201], %swap3A_1204 {strides = array<i32>} : memref<2x5x128xi32, #tpu.memory_space<vmem>>, vector<1x1x16xi32>,
      %get3A_1205 = arith.constant 1 : i32
      %get3A_1206 = arith.constant 3 : i32
      %get3A_1207 = arith.index_cast %get3A_1205 : i32 to index
      %get3A_1208 = arith.index_cast %get3A_1206 : i32 to index
      %get3A_1209 = arith.constant 0 : index
      %get3A_1210 = tpu.vector_load %arg5[%get3A_1207, %get3A_1208, %get3A_1209] {strides = array<i32>} : memref<2x5x128xi32, #tpu.memory_space<vmem>>, vector<1x1x16xi32>,
      %get3A_1211 = vector.shape_cast %get3A_1210 : vector<1x1x16xi32> to vector<16xi32>
      %add3A_1212 = arith.addi %get3A_1211, %mul3A_7 : vector<16xi32>
      %swap3A_1213 = arith.constant 1 : i32
      %swap3A_1214 = arith.constant 3 : i32
      %swap3A_1215 = arith.index_cast %swap3A_1213 : i32 to index
      %swap3A_1216 = arith.index_cast %swap3A_1214 : i32 to index
      %swap3A_1217 = arith.constant 0 : index
      %swap3A_1218 = tpu.vector_load %arg5[%swap3A_1215, %swap3A_1216, %swap3A_1217] {strides = array<i32>} : memref<2x5x128xi32, #tpu.memory_space<vmem>>, vector<1x1x16xi32>,
      %swap3A_1219 = vector.shape_cast %swap3A_1218 : vector<1x1x16xi32> to vector<16xi32>
      %swap3A_1220 = vector.shape_cast %add3A_1212 : vector<16xi32> to vector<1x1x16xi32>
      tpu.vector_store %arg5[%swap3A_1215, %swap3A_1216, %swap3A_1217], %swap3A_1220 {strides = array<i32>} : memref<2x5x128xi32, #tpu.memory_space<vmem>>, vector<1x1x16xi32>,
      %get3A_1221 = arith.constant 1 : i32
      %get3A_1222 = arith.constant 3 : i32
      %get3A_1223 = arith.index_cast %get3A_1221 : i32 to index
      %get3A_1224 = arith.index_cast %get3A_1222 : i32 to index
      %get3A_1225 = arith.constant 16 : index
      %get3A_1226 = tpu.vector_load %arg5[%get3A_1223, %get3A_1224, %get3A_1225] {strides = array<i32>} : memref<2x5x128xi32, #tpu.memory_space<vmem>>, vector<1x1x16xi32>,
      %get3A_1227 = vector.shape_cast %get3A_1226 : vector<1x1x16xi32> to vector<16xi32>
      %add3A_1228 = arith.addi %get3A_1227, %mul3A_7 : vector<16xi32>
      %swap3A_1229 = arith.constant 1 : i32
      %swap3A_1230 = arith.constant 3 : i32
      %swap3A_1231 = arith.index_cast %swap3A_1229 : i32 to index
      %swap3A_1232 = arith.index_cast %swap3A_1230 : i32 to index
      %swap3A_1233 = arith.constant 16 : index
      %swap3A_1234 = tpu.vector_load %arg5[%swap3A_1231, %swap3A_1232, %swap3A_1233] {strides = array<i32>} : memref<2x5x128xi32, #tpu.memory_space<vmem>>, vector<1x1x16xi32>,
      %swap3A_1235 = vector.shape_cast %swap3A_1234 : vector<1x1x16xi32> to vector<16xi32>
      %swap3A_1236 = vector.shape_cast %add3A_1228 : vector<16xi32> to vector<1x1x16xi32>
      tpu.vector_store %arg5[%swap3A_1231, %swap3A_1232, %swap3A_1233], %swap3A_1236 {strides = array<i32>} : memref<2x5x128xi32, #tpu.memory_space<vmem>>, vector<1x1x16xi32>,
      %get3A_1237 = arith.constant 1 : i32
      %get3A_1238 = arith.constant 3 : i32
      %get3A_1239 = arith.index_cast %get3A_1237 : i32 to index
      %get3A_1240 = arith.index_cast %get3A_1238 : i32 to index
      %get3A_1241 = arith.constant 32 : index
      %get3A_1242 = tpu.vector_load %arg5[%get3A_1239, %get3A_1240, %get3A_1241] {strides = array<i32>} : memref<2x5x128xi32, #tpu.memory_space<vmem>>, vector<1x1x16xi32>,
      %get3A_1243 = vector.shape_cast %get3A_1242 : vector<1x1x16xi32> to vector<16xi32>
      %add3A_1244 = arith.addi %get3A_1243, %mul3A_7 : vector<16xi32>
      %swap3A_1245 = arith.constant 1 : i32
      %swap3A_1246 = arith.constant 3 : i32
      %swap3A_1247 = arith.index_cast %swap3A_1245 : i32 to index
      %swap3A_1248 = arith.index_cast %swap3A_1246 : i32 to index
      %swap3A_1249 = arith.constant 32 : index
      %swap3A_1250 = tpu.vector_load %arg5[%swap3A_1247, %swap3A_1248, %swap3A_1249] {strides = array<i32>} : memref<2x5x128xi32, #tpu.memory_space<vmem>>, vector<1x1x16xi32>,
      %swap3A_1251 = vector.shape_cast %swap3A_1250 : vector<1x1x16xi32> to vector<16xi32>
      %swap3A_1252 = vector.shape_cast %add3A_1244 : vector<16xi32> to vector<1x1x16xi32>
      tpu.vector_store %arg5[%swap3A_1247, %swap3A_1248, %swap3A_1249], %swap3A_1252 {strides = array<i32>} : memref<2x5x128xi32, #tpu.memory_space<vmem>>, vector<1x1x16xi32>,
      %get3A_1253 = arith.constant 1 : i32
      %get3A_1254 = arith.constant 3 : i32
      %get3A_1255 = arith.index_cast %get3A_1253 : i32 to index
      %get3A_1256 = arith.index_cast %get3A_1254 : i32 to index
      %get3A_1257 = arith.constant 48 : index
      %get3A_1258 = tpu.vector_load %arg5[%get3A_1255, %get3A_1256, %get3A_1257] {strides = array<i32>} : memref<2x5x128xi32, #tpu.memory_space<vmem>>, vector<1x1x16xi32>,
      %get3A_1259 = vector.shape_cast %get3A_1258 : vector<1x1x16xi32> to vector<16xi32>
      %add3A_1260 = arith.addi %get3A_1259, %mul3A_7 : vector<16xi32>
      %swap3A_1261 = arith.constant 1 : i32
      %swap3A_1262 = arith.constant 3 : i32
      %swap3A_1263 = arith.index_cast %swap3A_1261 : i32 to index
      %swap3A_1264 = arith.index_cast %swap3A_1262 : i32 to index
      %swap3A_1265 = arith.constant 48 : index
      %swap3A_1266 = tpu.vector_load %arg5[%swap3A_1263, %swap3A_1264, %swap3A_1265] {strides = array<i32>} : memref<2x5x128xi32, #tpu.memory_space<vmem>>, vector<1x1x16xi32>,
      %swap3A_1267 = vector.shape_cast %swap3A_1266 : vector<1x1x16xi32> to vector<16xi32>
      %swap3A_1268 = vector.shape_cast %add3A_1260 : vector<16xi32> to vector<1x1x16xi32>
      tpu.vector_store %arg5[%swap3A_1263, %swap3A_1264, %swap3A_1265], %swap3A_1268 {strides = array<i32>} : memref<2x5x128xi32, #tpu.memory_space<vmem>>, vector<1x1x16xi32>,
      %get3A_1269 = arith.constant 1 : i32
      %get3A_1270 = arith.constant 3 : i32
      %get3A_1271 = arith.index_cast %get3A_1269 : i32 to index
      %get3A_1272 = arith.index_cast %get3A_1270 : i32 to index
      %get3A_1273 = arith.constant 64 : index
      %get3A_1274 = tpu.vector_load %arg5[%get3A_1271, %get3A_1272, %get3A_1273] {strides = array<i32>} : memref<2x5x128xi32, #tpu.memory_space<vmem>>, vector<1x1x16xi32>,
      %get3A_1275 = vector.shape_cast %get3A_1274 : vector<1x1x16xi32> to vector<16xi32>
      %add3A_1276 = arith.addi %get3A_1275, %mul3A_7 : vector<16xi32>
      %swap3A_1277 = arith.constant 1 : i32
      %swap3A_1278 = arith.constant 3 : i32
      %swap3A_1279 = arith.index_cast %swap3A_1277 : i32 to index
      %swap3A_1280 = arith.index_cast %swap3A_1278 : i32 to index
      %swap3A_1281 = arith.constant 64 : index
      %swap3A_1282 = tpu.vector_load %arg5[%swap3A_1279, %swap3A_1280, %swap3A_1281] {strides = array<i32>} : memref<2x5x128xi32, #tpu.memory_space<vmem>>, vector<1x1x16xi32>,
      %swap3A_1283 = vector.shape_cast %swap3A_1282 : vector<1x1x16xi32> to vector<16xi32>
      %swap3A_1284 = vector.shape_cast %add3A_1276 : vector<16xi32> to vector<1x1x16xi32>
      tpu.vector_store %arg5[%swap3A_1279, %swap3A_1280, %swap3A_1281], %swap3A_1284 {strides = array<i32>} : memref<2x5x128xi32, #tpu.memory_space<vmem>>, vector<1x1x16xi32>,
      %get3A_1285 = arith.constant 1 : i32
      %get3A_1286 = arith.constant 3 : i32
      %get3A_1287 = arith.index_cast %get3A_1285 : i32 to index
      %get3A_1288 = arith.index_cast %get3A_1286 : i32 to index
      %get3A_1289 = arith.constant 80 : index
      %get3A_1290 = tpu.vector_load %arg5[%get3A_1287, %get3A_1288, %get3A_1289] {strides = array<i32>} : memref<2x5x128xi32, #tpu.memory_space<vmem>>, vector<1x1x16xi32>,
      %get3A_1291 = vector.shape_cast %get3A_1290 : vector<1x1x16xi32> to vector<16xi32>
      %add3A_1292 = arith.addi %get3A_1291, %mul3A_7 : vector<16xi32>
      %swap3A_1293 = arith.constant 1 : i32
      %swap3A_1294 = arith.constant 3 : i32
      %swap3A_1295 = arith.index_cast %swap3A_1293 : i32 to index
      %swap3A_1296 = arith.index_cast %swap3A_1294 : i32 to index
      %swap3A_1297 = arith.constant 80 : index
      %swap3A_1298 = tpu.vector_load %arg5[%swap3A_1295, %swap3A_1296, %swap3A_1297] {strides = array<i32>} : memref<2x5x128xi32, #tpu.memory_space<vmem>>, vector<1x1x16xi32>,
      %swap3A_1299 = vector.shape_cast %swap3A_1298 : vector<1x1x16xi32> to vector<16xi32>
      %swap3A_1300 = vector.shape_cast %add3A_1292 : vector<16xi32> to vector<1x1x16xi32>
      tpu.vector_store %arg5[%swap3A_1295, %swap3A_1296, %swap3A_1297], %swap3A_1300 {strides = array<i32>} : memref<2x5x128xi32, #tpu.memory_space<vmem>>, vector<1x1x16xi32>,
      %get3A_1301 = arith.constant 1 : i32
      %get3A_1302 = arith.constant 3 : i32
      %get3A_1303 = arith.index_cast %get3A_1301 : i32 to index
      %get3A_1304 = arith.index_cast %get3A_1302 : i32 to index
      %get3A_1305 = arith.constant 96 : index
      %get3A_1306 = tpu.vector_load %arg5[%get3A_1303, %get3A_1304, %get3A_1305] {strides = array<i32>} : memref<2x5x128xi32, #tpu.memory_space<vmem>>, vector<1x1x16xi32>,
      %get3A_1307 = vector.shape_cast %get3A_1306 : vector<1x1x16xi32> to vector<16xi32>
      %add3A_1308 = arith.addi %get3A_1307, %mul3A_7 : vector<16xi32>
      %swap3A_1309 = arith.constant 1 : i32
      %swap3A_1310 = arith.constant 3 : i32
      %swap3A_1311 = arith.index_cast %swap3A_1309 : i32 to index
      %swap3A_1312 = arith.index_cast %swap3A_1310 : i32 to index
      %swap3A_1313 = arith.constant 96 : index
      %swap3A_1314 = tpu.vector_load %arg5[%swap3A_1311, %swap3A_1312, %swap3A_1313] {strides = array<i32>} : memref<2x5x128xi32, #tpu.memory_space<vmem>>, vector<1x1x16xi32>,
      %swap3A_1315 = vector.shape_cast %swap3A_1314 : vector<1x1x16xi32> to vector<16xi32>
      %swap3A_1316 = vector.shape_cast %add3A_1308 : vector<16xi32> to vector<1x1x16xi32>
      tpu.vector_store %arg5[%swap3A_1311, %swap3A_1312, %swap3A_1313], %swap3A_1316 {strides = array<i32>} : memref<2x5x128xi32, #tpu.memory_space<vmem>>, vector<1x1x16xi32>,
      %get3A_1317 = arith.constant 1 : i32
      %get3A_1318 = arith.constant 3 : i32
      %get3A_1319 = arith.index_cast %get3A_1317 : i32 to index
      %get3A_1320 = arith.index_cast %get3A_1318 : i32 to index
      %get3A_1321 = arith.constant 112 : index
      %get3A_1322 = tpu.vector_load %arg5[%get3A_1319, %get3A_1320, %get3A_1321] {strides = array<i32>} : memref<2x5x128xi32, #tpu.memory_space<vmem>>, vector<1x1x16xi32>,
      %get3A_1323 = vector.shape_cast %get3A_1322 : vector<1x1x16xi32> to vector<16xi32>
      %add3A_1324 = arith.addi %get3A_1323, %mul3A_7 : vector<16xi32>
      %swap3A_1325 = arith.constant 1 : i32
      %swap3A_1326 = arith.constant 3 : i32
      %swap3A_1327 = arith.index_cast %swap3A_1325 : i32 to index
      %swap3A_1328 = arith.index_cast %swap3A_1326 : i32 to index
      %swap3A_1329 = arith.constant 112 : index
      %swap3A_1330 = tpu.vector_load %arg5[%swap3A_1327, %swap3A_1328, %swap3A_1329] {strides = array<i32>} : memref<2x5x128xi32, #tpu.memory_space<vmem>>, vector<1x1x16xi32>,
      %swap3A_1331 = vector.shape_cast %swap3A_1330 : vector<1x1x16xi32> to vector<16xi32>
      %swap3A_1332 = vector.shape_cast %add3A_1324 : vector<16xi32> to vector<1x1x16xi32>
      tpu.vector_store %arg5[%swap3A_1327, %swap3A_1328, %swap3A_1329], %swap3A_1332 {strides = array<i32>} : memref<2x5x128xi32, #tpu.memory_space<vmem>>, vector<1x1x16xi32>,
      %get3A_1333 = arith.constant 1 : i32
      %get3A_1334 = arith.constant 4 : i32
      %get3A_1335 = arith.index_cast %get3A_1333 : i32 to index
      %get3A_1336 = arith.index_cast %get3A_1334 : i32 to index
      %get3A_1337 = arith.constant 0 : index
      %get3A_1338 = tpu.vector_load %arg5[%get3A_1335, %get3A_1336, %get3A_1337] {strides = array<i32>} : memref<2x5x128xi32, #tpu.memory_space<vmem>>, vector<1x1x16xi32>,
      %get3A_1339 = vector.shape_cast %get3A_1338 : vector<1x1x16xi32> to vector<16xi32>
      %add3A_1340 = arith.addi %get3A_1339, %mul3A_7 : vector<16xi32>
      %swap3A_1341 = arith.constant 1 : i32
      %swap3A_1342 = arith.constant 4 : i32
      %swap3A_1343 = arith.index_cast %swap3A_1341 : i32 to index
      %swap3A_1344 = arith.index_cast %swap3A_1342 : i32 to index
      %swap3A_1345 = arith.constant 0 : index
      %swap3A_1346 = tpu.vector_load %arg5[%swap3A_1343, %swap3A_1344, %swap3A_1345] {strides = array<i32>} : memref<2x5x128xi32, #tpu.memory_space<vmem>>, vector<1x1x16xi32>,
      %swap3A_1347 = vector.shape_cast %swap3A_1346 : vector<1x1x16xi32> to vector<16xi32>
      %swap3A_1348 = vector.shape_cast %add3A_1340 : vector<16xi32> to vector<1x1x16xi32>
      tpu.vector_store %arg5[%swap3A_1343, %swap3A_1344, %swap3A_1345], %swap3A_1348 {strides = array<i32>} : memref<2x5x128xi32, #tpu.memory_space<vmem>>, vector<1x1x16xi32>,
      %get3A_1349 = arith.constant 1 : i32
      %get3A_1350 = arith.constant 4 : i32
      %get3A_1351 = arith.index_cast %get3A_1349 : i32 to index
      %get3A_1352 = arith.index_cast %get3A_1350 : i32 to index
      %get3A_1353 = arith.constant 16 : index
      %get3A_1354 = tpu.vector_load %arg5[%get3A_1351, %get3A_1352, %get3A_1353] {strides = array<i32>} : memref<2x5x128xi32, #tpu.memory_space<vmem>>, vector<1x1x16xi32>,
      %get3A_1355 = vector.shape_cast %get3A_1354 : vector<1x1x16xi32> to vector<16xi32>
      %add3A_1356 = arith.addi %get3A_1355, %mul3A_7 : vector<16xi32>
      %swap3A_1357 = arith.constant 1 : i32
      %swap3A_1358 = arith.constant 4 : i32
      %swap3A_1359 = arith.index_cast %swap3A_1357 : i32 to index
      %swap3A_1360 = arith.index_cast %swap3A_1358 : i32 to index
      %swap3A_1361 = arith.constant 16 : index
      %swap3A_1362 = tpu.vector_load %arg5[%swap3A_1359, %swap3A_1360, %swap3A_1361] {strides = array<i32>} : memref<2x5x128xi32, #tpu.memory_space<vmem>>, vector<1x1x16xi32>,
      %swap3A_1363 = vector.shape_cast %swap3A_1362 : vector<1x1x16xi32> to vector<16xi32>
      %swap3A_1364 = vector.shape_cast %add3A_1356 : vector<16xi32> to vector<1x1x16xi32>
      tpu.vector_store %arg5[%swap3A_1359, %swap3A_1360, %swap3A_1361], %swap3A_1364 {strides = array<i32>} : memref<2x5x128xi32, #tpu.memory_space<vmem>>, vector<1x1x16xi32>,
      %get3A_1365 = arith.constant 1 : i32
      %get3A_1366 = arith.constant 4 : i32
      %get3A_1367 = arith.index_cast %get3A_1365 : i32 to index
      %get3A_1368 = arith.index_cast %get3A_1366 : i32 to index
      %get3A_1369 = arith.constant 32 : index
      %get3A_1370 = tpu.vector_load %arg5[%get3A_1367, %get3A_1368, %get3A_1369] {strides = array<i32>} : memref<2x5x128xi32, #tpu.memory_space<vmem>>, vector<1x1x16xi32>,
      %get3A_1371 = vector.shape_cast %get3A_1370 : vector<1x1x16xi32> to vector<16xi32>
      %add3A_1372 = arith.addi %get3A_1371, %mul3A_7 : vector<16xi32>
      %swap3A_1373 = arith.constant 1 : i32
      %swap3A_1374 = arith.constant 4 : i32
      %swap3A_1375 = arith.index_cast %swap3A_1373 : i32 to index
      %swap3A_1376 = arith.index_cast %swap3A_1374 : i32 to index
      %swap3A_1377 = arith.constant 32 : index
      %swap3A_1378 = tpu.vector_load %arg5[%swap3A_1375, %swap3A_1376, %swap3A_1377] {strides = array<i32>} : memref<2x5x128xi32, #tpu.memory_space<vmem>>, vector<1x1x16xi32>,
      %swap3A_1379 = vector.shape_cast %swap3A_1378 : vector<1x1x16xi32> to vector<16xi32>
      %swap3A_1380 = vector.shape_cast %add3A_1372 : vector<16xi32> to vector<1x1x16xi32>
      tpu.vector_store %arg5[%swap3A_1375, %swap3A_1376, %swap3A_1377], %swap3A_1380 {strides = array<i32>} : memref<2x5x128xi32, #tpu.memory_space<vmem>>, vector<1x1x16xi32>,
      %get3A_1381 = arith.constant 1 : i32
      %get3A_1382 = arith.constant 4 : i32
      %get3A_1383 = arith.index_cast %get3A_1381 : i32 to index
      %get3A_1384 = arith.index_cast %get3A_1382 : i32 to index
      %get3A_1385 = arith.constant 48 : index
      %get3A_1386 = tpu.vector_load %arg5[%get3A_1383, %get3A_1384, %get3A_1385] {strides = array<i32>} : memref<2x5x128xi32, #tpu.memory_space<vmem>>, vector<1x1x16xi32>,
      %get3A_1387 = vector.shape_cast %get3A_1386 : vector<1x1x16xi32> to vector<16xi32>
      %add3A_1388 = arith.addi %get3A_1387, %mul3A_7 : vector<16xi32>
      %swap3A_1389 = arith.constant 1 : i32
      %swap3A_1390 = arith.constant 4 : i32
      %swap3A_1391 = arith.index_cast %swap3A_1389 : i32 to index
      %swap3A_1392 = arith.index_cast %swap3A_1390 : i32 to index
      %swap3A_1393 = arith.constant 48 : index
      %swap3A_1394 = tpu.vector_load %arg5[%swap3A_1391, %swap3A_1392, %swap3A_1393] {strides = array<i32>} : memref<2x5x128xi32, #tpu.memory_space<vmem>>, vector<1x1x16xi32>,
      %swap3A_1395 = vector.shape_cast %swap3A_1394 : vector<1x1x16xi32> to vector<16xi32>
      %swap3A_1396 = vector.shape_cast %add3A_1388 : vector<16xi32> to vector<1x1x16xi32>
      tpu.vector_store %arg5[%swap3A_1391, %swap3A_1392, %swap3A_1393], %swap3A_1396 {strides = array<i32>} : memref<2x5x128xi32, #tpu.memory_space<vmem>>, vector<1x1x16xi32>,
      %get3A_1397 = arith.constant 1 : i32
      %get3A_1398 = arith.constant 4 : i32
      %get3A_1399 = arith.index_cast %get3A_1397 : i32 to index
      %get3A_1400 = arith.index_cast %get3A_1398 : i32 to index
      %get3A_1401 = arith.constant 64 : index
      %get3A_1402 = tpu.vector_load %arg5[%get3A_1399, %get3A_1400, %get3A_1401] {strides = array<i32>} : memref<2x5x128xi32, #tpu.memory_space<vmem>>, vector<1x1x16xi32>,
      %get3A_1403 = vector.shape_cast %get3A_1402 : vector<1x1x16xi32> to vector<16xi32>
      %add3A_1404 = arith.addi %get3A_1403, %mul3A_7 : vector<16xi32>
      %swap3A_1405 = arith.constant 1 : i32
      %swap3A_1406 = arith.constant 4 : i32
      %swap3A_1407 = arith.index_cast %swap3A_1405 : i32 to index
      %swap3A_1408 = arith.index_cast %swap3A_1406 : i32 to index
      %swap3A_1409 = arith.constant 64 : index
      %swap3A_1410 = tpu.vector_load %arg5[%swap3A_1407, %swap3A_1408, %swap3A_1409] {strides = array<i32>} : memref<2x5x128xi32, #tpu.memory_space<vmem>>, vector<1x1x16xi32>,
      %swap3A_1411 = vector.shape_cast %swap3A_1410 : vector<1x1x16xi32> to vector<16xi32>
      %swap3A_1412 = vector.shape_cast %add3A_1404 : vector<16xi32> to vector<1x1x16xi32>
      tpu.vector_store %arg5[%swap3A_1407, %swap3A_1408, %swap3A_1409], %swap3A_1412 {strides = array<i32>} : memref<2x5x128xi32, #tpu.memory_space<vmem>>, vector<1x1x16xi32>,
      %get3A_1413 = arith.constant 1 : i32
      %get3A_1414 = arith.constant 4 : i32
      %get3A_1415 = arith.index_cast %get3A_1413 : i32 to index
      %get3A_1416 = arith.index_cast %get3A_1414 : i32 to index
      %get3A_1417 = arith.constant 80 : index
      %get3A_1418 = tpu.vector_load %arg5[%get3A_1415, %get3A_1416, %get3A_1417] {strides = array<i32>} : memref<2x5x128xi32, #tpu.memory_space<vmem>>, vector<1x1x16xi32>,
      %get3A_1419 = vector.shape_cast %get3A_1418 : vector<1x1x16xi32> to vector<16xi32>
      %add3A_1420 = arith.addi %get3A_1419, %mul3A_7 : vector<16xi32>
      %swap3A_1421 = arith.constant 1 : i32
      %swap3A_1422 = arith.constant 4 : i32
      %swap3A_1423 = arith.index_cast %swap3A_1421 : i32 to index
      %swap3A_1424 = arith.index_cast %swap3A_1422 : i32 to index
      %swap3A_1425 = arith.constant 80 : index
      %swap3A_1426 = tpu.vector_load %arg5[%swap3A_1423, %swap3A_1424, %swap3A_1425] {strides = array<i32>} : memref<2x5x128xi32, #tpu.memory_space<vmem>>, vector<1x1x16xi32>,
      %swap3A_1427 = vector.shape_cast %swap3A_1426 : vector<1x1x16xi32> to vector<16xi32>
      %swap3A_1428 = vector.shape_cast %add3A_1420 : vector<16xi32> to vector<1x1x16xi32>
      tpu.vector_store %arg5[%swap3A_1423, %swap3A_1424, %swap3A_1425], %swap3A_1428 {strides = array<i32>} : memref<2x5x128xi32, #tpu.memory_space<vmem>>, vector<1x1x16xi32>,
      %get3A_1429 = arith.constant 1 : i32
      %get3A_1430 = arith.constant 4 : i32
      %get3A_1431 = arith.index_cast %get3A_1429 : i32 to index
      %get3A_1432 = arith.index_cast %get3A_1430 : i32 to index
      %get3A_1433 = arith.constant 96 : index
      %get3A_1434 = tpu.vector_load %arg5[%get3A_1431, %get3A_1432, %get3A_1433] {strides = array<i32>} : memref<2x5x128xi32, #tpu.memory_space<vmem>>, vector<1x1x16xi32>,
      %get3A_1435 = vector.shape_cast %get3A_1434 : vector<1x1x16xi32> to vector<16xi32>
      %add3A_1436 = arith.addi %get3A_1435, %mul3A_7 : vector<16xi32>
      %swap3A_1437 = arith.constant 1 : i32
      %swap3A_1438 = arith.constant 4 : i32
      %swap3A_1439 = arith.index_cast %swap3A_1437 : i32 to index
      %swap3A_1440 = arith.index_cast %swap3A_1438 : i32 to index
      %swap3A_1441 = arith.constant 96 : index
      %swap3A_1442 = tpu.vector_load %arg5[%swap3A_1439, %swap3A_1440, %swap3A_1441] {strides = array<i32>} : memref<2x5x128xi32, #tpu.memory_space<vmem>>, vector<1x1x16xi32>,
      %swap3A_1443 = vector.shape_cast %swap3A_1442 : vector<1x1x16xi32> to vector<16xi32>
      %swap3A_1444 = vector.shape_cast %add3A_1436 : vector<16xi32> to vector<1x1x16xi32>
      tpu.vector_store %arg5[%swap3A_1439, %swap3A_1440, %swap3A_1441], %swap3A_1444 {strides = array<i32>} : memref<2x5x128xi32, #tpu.memory_space<vmem>>, vector<1x1x16xi32>,
      %get3A_1445 = arith.constant 1 : i32
      %get3A_1446 = arith.constant 4 : i32
      %get3A_1447 = arith.index_cast %get3A_1445 : i32 to index
      %get3A_1448 = arith.index_cast %get3A_1446 : i32 to index
      %get3A_1449 = arith.constant 112 : index
      %get3A_1450 = tpu.vector_load %arg5[%get3A_1447, %get3A_1448, %get3A_1449] {strides = array<i32>} : memref<2x5x128xi32, #tpu.memory_space<vmem>>, vector<1x1x16xi32>,
      %get3A_1451 = vector.shape_cast %get3A_1450 : vector<1x1x16xi32> to vector<16xi32>
      %add3A_1452 = arith.addi %get3A_1451, %mul3A_7 : vector<16xi32>
      %swap3A_1453 = arith.constant 1 : i32
      %swap3A_1454 = arith.constant 4 : i32
      %swap3A_1455 = arith.index_cast %swap3A_1453 : i32 to index
      %swap3A_1456 = arith.index_cast %swap3A_1454 : i32 to index
      %swap3A_1457 = arith.constant 112 : index
      %swap3A_1458 = tpu.vector_load %arg5[%swap3A_1455, %swap3A_1456, %swap3A_1457] {strides = array<i32>} : memref<2x5x128xi32, #tpu.memory_space<vmem>>, vector<1x1x16xi32>,
      %swap3A_1459 = vector.shape_cast %swap3A_1458 : vector<1x1x16xi32> to vector<16xi32>
      %swap3A_1460 = vector.shape_cast %add3A_1452 : vector<16xi32> to vector<1x1x16xi32>
      tpu.vector_store %arg5[%swap3A_1455, %swap3A_1456, %swap3A_1457], %swap3A_1460 {strides = array<i32>} : memref<2x5x128xi32, #tpu.memory_space<vmem>>, vector<1x1x16xi32>,
      %dma_start3A_1461 = arith.constant 1 : i32
      %dma_start3A_1462 = arith.constant 0 : i32
      %dma_start3A_1463 = arith.constant 1 : i32
      %dma_start3A_1464 = arith.constant 0 : i32
      %dma_start3A_1465 = arith.constant 0 : i32
      %dma_start3A_1466 = tpu.memref_slice %arg6[%dma_start3A_1463, %dma_start3A_1464, %dma_start3A_1465] : memref<2x640x64xf32, #tpu.memory_space<vmem>> -> memref<1x128x64xf32, #tpu.memory_space<vmem>>
      %dma_start3A_1467 = tpu.memref_squeeze %dma_start3A_1466 : memref<1x128x64xf32, #tpu.memory_space<vmem>> -> memref<128x64xf32, #tpu.memory_space<vmem>>
      %dma_start3A_1468 = arith.constant 0 : i32
      %dma_start3A_1469 = arith.constant 0 : i32
      %dma_start3A_1470 = tpu.memref_slice %arg5[%dma_start3A_1461, %dma_start3A_1468, %dma_start3A_1469] : memref<2x5x128xi32, #tpu.memory_space<vmem>> -> memref<1x5x128xi32, #tpu.memory_space<vmem>>
      %dma_start3A_1471 = tpu.memref_squeeze %dma_start3A_1470 : memref<1x5x128xi32, #tpu.memory_space<vmem>> -> memref<5x128xi32, #tpu.memory_space<vmem>>
      %dma_start3A_1472 = arith.constant 0 : i32
      %dma_start3A_1473 = tpu.memref_slice %dma_start3A_1471[%dma_start3A_1462, %dma_start3A_1472] : memref<5x128xi32, #tpu.memory_space<vmem>> -> memref<1x128xi32, #tpu.memory_space<vmem>>
      %dma_start3A_1474 = tpu.memref_squeeze %dma_start3A_1473 : memref<1x128xi32, #tpu.memory_space<vmem>> -> memref<128xi32, #tpu.memory_space<vmem>>
      %dma_start3A_1475 = arith.constant 0 : i32
      %dma_start3A_1476 = arith.constant 0 : i32
      %dma_start3A_1477 = tpu.memref_slice %arg3[%dma_start3A_1475, %dma_start3A_1476] : memref<800000x64xf32, #tpu.memory_space<hbm>> -> memref<800000x64xf32, #tpu.memory_space<hbm>>
      tpu.enqueue_indirect_dma source(%dma_start3A_1477 : memref<800000x64xf32, #tpu.memory_space<hbm>>) target(%dma_start3A_1467 : memref<128x64xf32, #tpu.memory_space<vmem>>) offsets(%dma_start3A_1474 : memref<128xi32, #tpu.memory_space<vmem>>) semaphore(%arg8 : memref<!tpu.dma_semaphore, #tpu.memory_space<semaphore_mem>>)
      %dma_start3A_1478 = arith.constant 1 : i32
      %dma_start3A_1479 = arith.constant 1 : i32
      %dma_start3A_1480 = arith.constant 1 : i32
      %dma_start3A_1481 = arith.constant 128 : i32
      %dma_start3A_1482 = arith.constant 0 : i32
      %dma_start3A_1483 = tpu.memref_slice %arg6[%dma_start3A_1480, %dma_start3A_1481, %dma_start3A_1482] : memref<2x640x64xf32, #tpu.memory_space<vmem>> -> memref<1x128x64xf32, #tpu.memory_space<vmem>>
      %dma_start3A_1484 = tpu.memref_squeeze %dma_start3A_1483 : memref<1x128x64xf32, #tpu.memory_space<vmem>> -> memref<128x64xf32, #tpu.memory_space<vmem>>
      %dma_start3A_1485 = arith.constant 0 : i32
      %dma_start3A_1486 = arith.constant 0 : i32
      %dma_start3A_1487 = tpu.memref_slice %arg5[%dma_start3A_1478, %dma_start3A_1485, %dma_start3A_1486] : memref<2x5x128xi32, #tpu.memory_space<vmem>> -> memref<1x5x128xi32, #tpu.memory_space<vmem>>
      %dma_start3A_1488 = tpu.memref_squeeze %dma_start3A_1487 : memref<1x5x128xi32, #tpu.memory_space<vmem>> -> memref<5x128xi32, #tpu.memory_space<vmem>>
      %dma_start3A_1489 = arith.constant 0 : i32
      %dma_start3A_1490 = tpu.memref_slice %dma_start3A_1488[%dma_start3A_1479, %dma_start3A_1489] : memref<5x128xi32, #tpu.memory_space<vmem>> -> memref<1x128xi32, #tpu.memory_space<vmem>>
      %dma_start3A_1491 = tpu.memref_squeeze %dma_start3A_1490 : memref<1x128xi32, #tpu.memory_space<vmem>> -> memref<128xi32, #tpu.memory_space<vmem>>
      %dma_start3A_1492 = arith.constant 0 : i32
      %dma_start3A_1493 = arith.constant 0 : i32
      %dma_start3A_1494 = tpu.memref_slice %arg3[%dma_start3A_1492, %dma_start3A_1493] : memref<800000x64xf32, #tpu.memory_space<hbm>> -> memref<800000x64xf32, #tpu.memory_space<hbm>>
      tpu.enqueue_indirect_dma source(%dma_start3A_1494 : memref<800000x64xf32, #tpu.memory_space<hbm>>) target(%dma_start3A_1484 : memref<128x64xf32, #tpu.memory_space<vmem>>) offsets(%dma_start3A_1491 : memref<128xi32, #tpu.memory_space<vmem>>) semaphore(%arg8 : memref<!tpu.dma_semaphore, #tpu.memory_space<semaphore_mem>>)
      %dma_start3A_1495 = arith.constant 1 : i32
      %dma_start3A_1496 = arith.constant 2 : i32
      %dma_start3A_1497 = arith.constant 1 : i32
      %dma_start3A_1498 = arith.constant 256 : i32
      %dma_start3A_1499 = arith.constant 0 : i32
      %dma_start3A_1500 = tpu.memref_slice %arg6[%dma_start3A_1497, %dma_start3A_1498, %dma_start3A_1499] : memref<2x640x64xf32, #tpu.memory_space<vmem>> -> memref<1x128x64xf32, #tpu.memory_space<vmem>>
      %dma_start3A_1501 = tpu.memref_squeeze %dma_start3A_1500 : memref<1x128x64xf32, #tpu.memory_space<vmem>> -> memref<128x64xf32, #tpu.memory_space<vmem>>
      %dma_start3A_1502 = arith.constant 0 : i32
      %dma_start3A_1503 = arith.constant 0 : i32
      %dma_start3A_1504 = tpu.memref_slice %arg5[%dma_start3A_1495, %dma_start3A_1502, %dma_start3A_1503] : memref<2x5x128xi32, #tpu.memory_space<vmem>> -> memref<1x5x128xi32, #tpu.memory_space<vmem>>
      %dma_start3A_1505 = tpu.memref_squeeze %dma_start3A_1504 : memref<1x5x128xi32, #tpu.memory_space<vmem>> -> memref<5x128xi32, #tpu.memory_space<vmem>>
      %dma_start3A_1506 = arith.constant 0 : i32
      %dma_start3A_1507 = tpu.memref_slice %dma_start3A_1505[%dma_start3A_1496, %dma_start3A_1506] : memref<5x128xi32, #tpu.memory_space<vmem>> -> memref<1x128xi32, #tpu.memory_space<vmem>>
      %dma_start3A_1508 = tpu.memref_squeeze %dma_start3A_1507 : memref<1x128xi32, #tpu.memory_space<vmem>> -> memref<128xi32, #tpu.memory_space<vmem>>
      %dma_start3A_1509 = arith.constant 0 : i32
      %dma_start3A_1510 = arith.constant 0 : i32
      %dma_start3A_1511 = tpu.memref_slice %arg3[%dma_start3A_1509, %dma_start3A_1510] : memref<800000x64xf32, #tpu.memory_space<hbm>> -> memref<800000x64xf32, #tpu.memory_space<hbm>>
      tpu.enqueue_indirect_dma source(%dma_start3A_1511 : memref<800000x64xf32, #tpu.memory_space<hbm>>) target(%dma_start3A_1501 : memref<128x64xf32, #tpu.memory_space<vmem>>) offsets(%dma_start3A_1508 : memref<128xi32, #tpu.memory_space<vmem>>) semaphore(%arg8 : memref<!tpu.dma_semaphore, #tpu.memory_space<semaphore_mem>>)
      %dma_start3A_1512 = arith.constant 1 : i32
      %dma_start3A_1513 = arith.constant 3 : i32
      %dma_start3A_1514 = arith.constant 1 : i32
      %dma_start3A_1515 = arith.constant 384 : i32
      %dma_start3A_1516 = arith.constant 0 : i32
      %dma_start3A_1517 = tpu.memref_slice %arg6[%dma_start3A_1514, %dma_start3A_1515, %dma_start3A_1516] : memref<2x640x64xf32, #tpu.memory_space<vmem>> -> memref<1x128x64xf32, #tpu.memory_space<vmem>>
      %dma_start3A_1518 = tpu.memref_squeeze %dma_start3A_1517 : memref<1x128x64xf32, #tpu.memory_space<vmem>> -> memref<128x64xf32, #tpu.memory_space<vmem>>
      %dma_start3A_1519 = arith.constant 0 : i32
      %dma_start3A_1520 = arith.constant 0 : i32
      %dma_start3A_1521 = tpu.memref_slice %arg5[%dma_start3A_1512, %dma_start3A_1519, %dma_start3A_1520] : memref<2x5x128xi32, #tpu.memory_space<vmem>> -> memref<1x5x128xi32, #tpu.memory_space<vmem>>
      %dma_start3A_1522 = tpu.memref_squeeze %dma_start3A_1521 : memref<1x5x128xi32, #tpu.memory_space<vmem>> -> memref<5x128xi32, #tpu.memory_space<vmem>>
      %dma_start3A_1523 = arith.constant 0 : i32
      %dma_start3A_1524 = tpu.memref_slice %dma_start3A_1522[%dma_start3A_1513, %dma_start3A_1523] : memref<5x128xi32, #tpu.memory_space<vmem>> -> memref<1x128xi32, #tpu.memory_space<vmem>>
      %dma_start3A_1525 = tpu.memref_squeeze %dma_start3A_1524 : memref<1x128xi32, #tpu.memory_space<vmem>> -> memref<128xi32, #tpu.memory_space<vmem>>
      %dma_start3A_1526 = arith.constant 0 : i32
      %dma_start3A_1527 = arith.constant 0 : i32
      %dma_start3A_1528 = tpu.memref_slice %arg3[%dma_start3A_1526, %dma_start3A_1527] : memref<800000x64xf32, #tpu.memory_space<hbm>> -> memref<800000x64xf32, #tpu.memory_space<hbm>>
      tpu.enqueue_indirect_dma source(%dma_start3A_1528 : memref<800000x64xf32, #tpu.memory_space<hbm>>) target(%dma_start3A_1518 : memref<128x64xf32, #tpu.memory_space<vmem>>) offsets(%dma_start3A_1525 : memref<128xi32, #tpu.memory_space<vmem>>) semaphore(%arg8 : memref<!tpu.dma_semaphore, #tpu.memory_space<semaphore_mem>>)
      %dma_start3A_1529 = arith.constant 1 : i32
      %dma_start3A_1530 = arith.constant 4 : i32
      %dma_start3A_1531 = arith.constant 1 : i32
      %dma_start3A_1532 = arith.constant 512 : i32
      %dma_start3A_1533 = arith.constant 0 : i32
      %dma_start3A_1534 = tpu.memref_slice %arg6[%dma_start3A_1531, %dma_start3A_1532, %dma_start3A_1533] : memref<2x640x64xf32, #tpu.memory_space<vmem>> -> memref<1x128x64xf32, #tpu.memory_space<vmem>>
      %dma_start3A_1535 = tpu.memref_squeeze %dma_start3A_1534 : memref<1x128x64xf32, #tpu.memory_space<vmem>> -> memref<128x64xf32, #tpu.memory_space<vmem>>
      %dma_start3A_1536 = arith.constant 0 : i32
      %dma_start3A_1537 = arith.constant 0 : i32
      %dma_start3A_1538 = tpu.memref_slice %arg5[%dma_start3A_1529, %dma_start3A_1536, %dma_start3A_1537] : memref<2x5x128xi32, #tpu.memory_space<vmem>> -> memref<1x5x128xi32, #tpu.memory_space<vmem>>
      %dma_start3A_1539 = tpu.memref_squeeze %dma_start3A_1538 : memref<1x5x128xi32, #tpu.memory_space<vmem>> -> memref<5x128xi32, #tpu.memory_space<vmem>>
      %dma_start3A_1540 = arith.constant 0 : i32
      %dma_start3A_1541 = tpu.memref_slice %dma_start3A_1539[%dma_start3A_1530, %dma_start3A_1540] : memref<5x128xi32, #tpu.memory_space<vmem>> -> memref<1x128xi32, #tpu.memory_space<vmem>>
      %dma_start3A_1542 = tpu.memref_squeeze %dma_start3A_1541 : memref<1x128xi32, #tpu.memory_space<vmem>> -> memref<128xi32, #tpu.memory_space<vmem>>
      %dma_start3A_1543 = arith.constant 0 : i32
      %dma_start3A_1544 = arith.constant 0 : i32
      %dma_start3A_1545 = tpu.memref_slice %arg3[%dma_start3A_1543, %dma_start3A_1544] : memref<800000x64xf32, #tpu.memory_space<hbm>> -> memref<800000x64xf32, #tpu.memory_space<hbm>>
      tpu.enqueue_indirect_dma source(%dma_start3A_1545 : memref<800000x64xf32, #tpu.memory_space<hbm>>) target(%dma_start3A_1535 : memref<128x64xf32, #tpu.memory_space<vmem>>) offsets(%dma_start3A_1542 : memref<128xi32, #tpu.memory_space<vmem>>) semaphore(%arg8 : memref<!tpu.dma_semaphore, #tpu.memory_space<semaphore_mem>>)
      %dma_wait3A_1546 = arith.constant 0 : i32
      %dma_wait3A_1547 = arith.constant 0 : i32
      %dma_wait3A_1548 = arith.constant 0 : i32
      %dma_wait3A_1549 = tpu.memref_slice %arg6[%dma_wait3A_1546, %dma_wait3A_1547, %dma_wait3A_1548] : memref<2x640x64xf32, #tpu.memory_space<vmem>> -> memref<1x640x64xf32, #tpu.memory_space<vmem>>
      %dma_wait3A_1550 = tpu.memref_squeeze %dma_wait3A_1549 : memref<1x640x64xf32, #tpu.memory_space<vmem>> -> memref<640x64xf32, #tpu.memory_space<vmem>>
      %dma_wait3A_1551 = arith.constant 0 : i32
      %dma_wait3A_1552 = arith.constant 0 : i32
      %dma_wait3A_1553 = tpu.memref_slice %arg3[%dma_wait3A_1551, %dma_wait3A_1552] : memref<800000x64xf32, #tpu.memory_space<hbm>> -> memref<640x64xf32, #tpu.memory_space<hbm>>
      %dma_wait3A_1554 = arith.constant 0 : i32
      %dma_wait3A_1555 = arith.constant 0 : i32
      %dma_wait3A_1556 = tpu.memref_slice %arg6[%dma_wait3A_1546, %dma_wait3A_1554, %dma_wait3A_1555] : memref<2x640x64xf32, #tpu.memory_space<vmem>> -> memref<1x640x64xf32, #tpu.memory_space<vmem>>
      %dma_wait3A_1557 = tpu.memref_squeeze %dma_wait3A_1556 : memref<1x640x64xf32, #tpu.memory_space<vmem>> -> memref<640x64xf32, #tpu.memory_space<vmem>>
      %dma_wait3A_1558 = arith.constant 0 : i32
      %dma_wait3A_1559 = arith.constant 0 : i32
      %dma_wait3A_1560 = tpu.memref_slice %arg3[%dma_wait3A_1558, %dma_wait3A_1559] : memref<800000x64xf32, #tpu.memory_space<hbm>> -> memref<640x64xf32, #tpu.memory_space<hbm>>
      tpu.wait_dma2 semaphore(%arg7 : memref<!tpu.dma_semaphore, #tpu.memory_space<semaphore_mem>>) src(%dma_wait3A_1560 : memref<640x64xf32, #tpu.memory_space<hbm>>) dst(%dma_wait3A_1557 : memref<640x64xf32, #tpu.memory_space<vmem>>)
      %mul3A_1561 = arith.constant 640 : i32
      %mul3A_1562 = arith.muli %mul3A_786, %mul3A_1561 : i32
      %add3A_1563 = arith.addi %mul3A_2, %mul3A_1562 : i32
      %multiple_of3A_1564 = tpu.assume_multiple %add3A_1563, 640 : i32
      %dma_start3A_1565 = arith.constant 0 : i32
      %dma_start3A_1566 = arith.constant 0 : i32
      %dma_start3A_1567 = arith.constant 0 : i32
      %dma_start3A_1568 = tpu.memref_slice %arg6[%dma_start3A_1565, %dma_start3A_1566, %dma_start3A_1567] : memref<2x640x64xf32, #tpu.memory_space<vmem>> -> memref<1x640x64xf32, #tpu.memory_space<vmem>>
      %dma_start3A_1569 = tpu.memref_squeeze %dma_start3A_1568 : memref<1x640x64xf32, #tpu.memory_space<vmem>> -> memref<640x64xf32, #tpu.memory_space<vmem>>
      %dma_start3A_1570 = arith.constant 0 : i32
      %dma_start3A_1571 = tpu.memref_slice %arg4[%multiple_of3A_1564, %dma_start3A_1570] : memref<1638400x64xf32, #tpu.memory_space<hbm>> -> memref<640x64xf32, #tpu.memory_space<hbm>>
      %dma_start3A_1572 = arith.constant 0 : i32
      %dma_start3A_1573 = tpu.memref_slice %arg4[%multiple_of3A_1564, %dma_start3A_1572] : memref<1638400x64xf32, #tpu.memory_space<hbm>> -> memref<640x64xf32, #tpu.memory_space<hbm>>
      %dma_start3A_1574 = arith.constant 0 : i32
      %dma_start3A_1575 = arith.constant 0 : i32
      %dma_start3A_1576 = tpu.memref_slice %arg6[%dma_start3A_1565, %dma_start3A_1574, %dma_start3A_1575] : memref<2x640x64xf32, #tpu.memory_space<vmem>> -> memref<1x640x64xf32, #tpu.memory_space<vmem>>
      %dma_start3A_1577 = tpu.memref_squeeze %dma_start3A_1576 : memref<1x640x64xf32, #tpu.memory_space<vmem>> -> memref<640x64xf32, #tpu.memory_space<vmem>>
      tpu.enqueue_dma source(%dma_start3A_1577 : memref<640x64xf32, #tpu.memory_space<vmem>>) target(%dma_start3A_1573 : memref<640x64xf32, #tpu.memory_space<hbm>>) target_semaphore(%arg9 : memref<!tpu.dma_semaphore, #tpu.memory_space<semaphore_mem>>)
      %lt3A = arith.constant 39 : i32
      %lt3A_1578 = arith.cmpi slt, %scan3A_784, %lt3A : i32
      %convert_element_type3A_1579 = arith.extui %lt3A_1578 : i1 to i32
      %cond3A_1580 = arith.constant 0 : i32
      %cond3A_1581 = arith.cmpi ne, %convert_element_type3A_1579, %cond3A_1580 : i32
      scf.if %cond3A_1581 {
        %dma_wait3A_1616 = arith.constant 0 : i32
        %dma_wait3A_1617 = arith.constant 0 : i32
        %dma_wait3A_1618 = arith.constant 0 : i32
        %dma_wait3A_1619 = tpu.memref_slice %arg6[%dma_wait3A_1616, %dma_wait3A_1617, %dma_wait3A_1618] : memref<2x640x64xf32, #tpu.memory_space<vmem>> -> memref<1x640x64xf32, #tpu.memory_space<vmem>>
        %dma_wait3A_1620 = tpu.memref_squeeze %dma_wait3A_1619 : memref<1x640x64xf32, #tpu.memory_space<vmem>> -> memref<640x64xf32, #tpu.memory_space<vmem>>
        %dma_wait3A_1621 = arith.constant 0 : i32
        %dma_wait3A_1622 = arith.constant 0 : i32
        %dma_wait3A_1623 = tpu.memref_slice %arg4[%dma_wait3A_1621, %dma_wait3A_1622] : memref<1638400x64xf32, #tpu.memory_space<hbm>> -> memref<640x64xf32, #tpu.memory_space<hbm>>
        %dma_wait3A_1624 = arith.constant 0 : i32
        %dma_wait3A_1625 = arith.constant 0 : i32
        %dma_wait3A_1626 = tpu.memref_slice %arg4[%dma_wait3A_1624, %dma_wait3A_1625] : memref<1638400x64xf32, #tpu.memory_space<hbm>> -> memref<640x64xf32, #tpu.memory_space<hbm>>
        %dma_wait3A_1627 = arith.constant 0 : i32
        %dma_wait3A_1628 = arith.constant 0 : i32
        %dma_wait3A_1629 = tpu.memref_slice %arg6[%dma_wait3A_1616, %dma_wait3A_1627, %dma_wait3A_1628] : memref<2x640x64xf32, #tpu.memory_space<vmem>> -> memref<1x640x64xf32, #tpu.memory_space<vmem>>
        %dma_wait3A_1630 = tpu.memref_squeeze %dma_wait3A_1629 : memref<1x640x64xf32, #tpu.memory_space<vmem>> -> memref<640x64xf32, #tpu.memory_space<vmem>>
        tpu.wait_dma2 semaphore(%arg9 : memref<!tpu.dma_semaphore, #tpu.memory_space<semaphore_mem>>) src(%dma_wait3A_1630 : memref<640x64xf32, #tpu.memory_space<vmem>>) dst(%dma_wait3A_1626 : memref<640x64xf32, #tpu.memory_space<hbm>>)
        %add3A_1631 = arith.constant 2 : i32
        %add3A_1632 = arith.addi %mul3A_786, %add3A_1631 : i32
        %mul3A_1633 = arith.constant 640 : i32
        %mul3A_1634 = arith.muli %add3A_1632, %mul3A_1633 : i32
        %add3A_1635 = arith.addi %mul3A_2, %mul3A_1634 : i32
        %multiple_of3A_1636 = tpu.assume_multiple %add3A_1635, 640 : i32
        %jit3A_1637 = arith.constant 128 : i32
        %div3A_1638 = arith.divsi %multiple_of3A_1636, %jit3A_1637 : i32
        %sign3A_1639 = arith.constant 0 : i32
        %sign3A_1640 = arith.cmpi sgt, %multiple_of3A_1636, %sign3A_1639 : i32
        %sign3A_1641 = arith.extui %sign3A_1640 : i1 to i32
        %sign3A_1642 = arith.constant 0 : i32
        %sign3A_1643 = arith.cmpi slt, %multiple_of3A_1636, %sign3A_1642 : i32
        %sign3A_1644 = arith.extui %sign3A_1643 : i1 to i32
        %sign3A_1645 = arith.subi %sign3A_1641, %sign3A_1644 : i32
        %sign3A_1646 = arith.constant 0 : i32
        %sign3A_1647 = arith.cmpi sgt, %jit3A_1637, %sign3A_1646 : i32
        %sign3A_1648 = arith.extui %sign3A_1647 : i1 to i32
        %sign3A_1649 = arith.constant 0 : i32
        %sign3A_1650 = arith.cmpi slt, %jit3A_1637, %sign3A_1649 : i32
        %sign3A_1651 = arith.extui %sign3A_1650 : i1 to i32
        %sign3A_1652 = arith.subi %sign3A_1648, %sign3A_1651 : i32
        %ne3A_1653 = arith.cmpi ne, %sign3A_1645, %sign3A_1652 : i32
        %rem3A_1654 = arith.remsi %multiple_of3A_1636, %jit3A_1637 : i32
        %ne3A_1655 = arith.constant 0 : i32
        %ne3A_1656 = arith.cmpi ne, %rem3A_1654, %ne3A_1655 : i32
        %and3A_1657 = arith.andi %ne3A_1653, %ne3A_1656 : i1
        %sub3A_1658 = arith.constant 1 : i32
        %sub3A_1659 = arith.subi %div3A_1638, %sub3A_1658 : i32
        %select_n3A_1660 = arith.select %and3A_1657, %sub3A_1659, %div3A_1638 : i32
        %multiple_of3A_1661 = tpu.assume_multiple %select_n3A_1660, 5 : i32
        %run_scoped3A_1662 = arith.constant 0 : i32
        "tpu.region"() ({
          %run_scoped3A_2388 = tpu.sem_alloc : memref<!tpu.dma_semaphore, #tpu.memory_space<semaphore_mem>>
          %dma_start3A_2389 = arith.constant 0 : i32
          %dma_start3A_2390 = arith.constant 0 : i32
          %dma_start3A_2391 = tpu.memref_slice %arg5[%run_scoped3A_1662, %dma_start3A_2389, %dma_start3A_2390] : memref<2x5x128xi32, #tpu.memory_space<vmem>> -> memref<1x5x128xi32, #tpu.memory_space<vmem>>
          %dma_start3A_2392 = tpu.memref_squeeze %dma_start3A_2391 : memref<1x5x128xi32, #tpu.memory_space<vmem>> -> memref<5x128xi32, #tpu.memory_space<vmem>>
          %dma_start3A_2393 = arith.constant 0 : i32
          %dma_start3A_2394 = tpu.memref_slice %arg2[%multiple_of3A_1661, %dma_start3A_2393] : memref<12800x128xi32, #tpu.memory_space<hbm>> -> memref<5x128xi32, #tpu.memory_space<hbm>>
          %dma_start3A_2395 = arith.constant 0 : i32
          %dma_start3A_2396 = arith.constant 0 : i32
          %dma_start3A_2397 = tpu.memref_slice %arg5[%run_scoped3A_1662, %dma_start3A_2395, %dma_start3A_2396] : memref<2x5x128xi32, #tpu.memory_space<vmem>> -> memref<1x5x128xi32, #tpu.memory_space<vmem>>
          %dma_start3A_2398 = tpu.memref_squeeze %dma_start3A_2397 : memref<1x5x128xi32, #tpu.memory_space<vmem>> -> memref<5x128xi32, #tpu.memory_space<vmem>>
          %dma_start3A_2399 = arith.constant 0 : i32
          %dma_start3A_2400 = tpu.memref_slice %arg2[%multiple_of3A_1661, %dma_start3A_2399] : memref<12800x128xi32, #tpu.memory_space<hbm>> -> memref<5x128xi32, #tpu.memory_space<hbm>>
          tpu.enqueue_dma source(%dma_start3A_2400 : memref<5x128xi32, #tpu.memory_space<hbm>>) target(%dma_start3A_2398 : memref<5x128xi32, #tpu.memory_space<vmem>>) target_semaphore(%run_scoped3A_2388 : memref<!tpu.dma_semaphore, #tpu.memory_space<semaphore_mem>>)
          %dma_wait3A_2401 = arith.constant 0 : i32
          %dma_wait3A_2402 = arith.constant 0 : i32
          %dma_wait3A_2403 = tpu.memref_slice %arg5[%run_scoped3A_1662, %dma_wait3A_2401, %dma_wait3A_2402] : memref<2x5x128xi32, #tpu.memory_space<vmem>> -> memref<1x5x128xi32, #tpu.memory_space<vmem>>
          %dma_wait3A_2404 = tpu.memref_squeeze %dma_wait3A_2403 : memref<1x5x128xi32, #tpu.memory_space<vmem>> -> memref<5x128xi32, #tpu.memory_space<vmem>>
          %dma_wait3A_2405 = arith.constant 0 : i32
          %dma_wait3A_2406 = tpu.memref_slice %arg2[%multiple_of3A_1661, %dma_wait3A_2405] : memref<12800x128xi32, #tpu.memory_space<hbm>> -> memref<5x128xi32, #tpu.memory_space<hbm>>
          %dma_wait3A_2407 = arith.constant 0 : i32
          %dma_wait3A_2408 = arith.constant 0 : i32
          %dma_wait3A_2409 = tpu.memref_slice %arg5[%run_scoped3A_1662, %dma_wait3A_2407, %dma_wait3A_2408] : memref<2x5x128xi32, #tpu.memory_space<vmem>> -> memref<1x5x128xi32, #tpu.memory_space<vmem>>
          %dma_wait3A_2410 = tpu.memref_squeeze %dma_wait3A_2409 : memref<1x5x128xi32, #tpu.memory_space<vmem>> -> memref<5x128xi32, #tpu.memory_space<vmem>>
          %dma_wait3A_2411 = arith.constant 0 : i32
          %dma_wait3A_2412 = tpu.memref_slice %arg2[%multiple_of3A_1661, %dma_wait3A_2411] : memref<12800x128xi32, #tpu.memory_space<hbm>> -> memref<5x128xi32, #tpu.memory_space<hbm>>
          tpu.wait_dma2 semaphore(%run_scoped3A_2388 : memref<!tpu.dma_semaphore, #tpu.memory_space<semaphore_mem>>) src(%dma_wait3A_2412 : memref<5x128xi32, #tpu.memory_space<hbm>>) dst(%dma_wait3A_2410 : memref<5x128xi32, #tpu.memory_space<vmem>>)
          tpu.yield
        }) : () -> ()
        %get3A_1663 = arith.constant 0 : i32
        %get3A_1664 = arith.constant 0 : i32
        %get3A_1665 = arith.index_cast %get3A_1663 : i32 to index
        %get3A_1666 = arith.index_cast %get3A_1664 : i32 to index
        %get3A_1667 = arith.constant 0 : index
        %get3A_1668 = tpu.vector_load %arg5[%get3A_1665, %get3A_1666, %get3A_1667] {strides = array<i32>} : memref<2x5x128xi32, #tpu.memory_space<vmem>>, vector<1x1x16xi32>,
        %get3A_1669 = vector.shape_cast %get3A_1668 : vector<1x1x16xi32> to vector<16xi32>
        %add3A_1670 = arith.addi %get3A_1669, %mul3A_7 : vector<16xi32>
        %swap3A_1671 = arith.constant 0 : i32
        %swap3A_1672 = arith.constant 0 : i32
        %swap3A_1673 = arith.index_cast %swap3A_1671 : i32 to index
        %swap3A_1674 = arith.index_cast %swap3A_1672 : i32 to index
        %swap3A_1675 = arith.constant 0 : index
        %swap3A_1676 = tpu.vector_load %arg5[%swap3A_1673, %swap3A_1674, %swap3A_1675] {strides = array<i32>} : memref<2x5x128xi32, #tpu.memory_space<vmem>>, vector<1x1x16xi32>,
        %swap3A_1677 = vector.shape_cast %swap3A_1676 : vector<1x1x16xi32> to vector<16xi32>
        %swap3A_1678 = vector.shape_cast %add3A_1670 : vector<16xi32> to vector<1x1x16xi32>
        tpu.vector_store %arg5[%swap3A_1673, %swap3A_1674, %swap3A_1675], %swap3A_1678 {strides = array<i32>} : memref<2x5x128xi32, #tpu.memory_space<vmem>>, vector<1x1x16xi32>,
        %get3A_1679 = arith.constant 0 : i32
        %get3A_1680 = arith.constant 0 : i32
        %get3A_1681 = arith.index_cast %get3A_1679 : i32 to index
        %get3A_1682 = arith.index_cast %get3A_1680 : i32 to index
        %get3A_1683 = arith.constant 16 : index
        %get3A_1684 = tpu.vector_load %arg5[%get3A_1681, %get3A_1682, %get3A_1683] {strides = array<i32>} : memref<2x5x128xi32, #tpu.memory_space<vmem>>, vector<1x1x16xi32>,
        %get3A_1685 = vector.shape_cast %get3A_1684 : vector<1x1x16xi32> to vector<16xi32>
        %add3A_1686 = arith.addi %get3A_1685, %mul3A_7 : vector<16xi32>
        %swap3A_1687 = arith.constant 0 : i32
        %swap3A_1688 = arith.constant 0 : i32
        %swap3A_1689 = arith.index_cast %swap3A_1687 : i32 to index
        %swap3A_1690 = arith.index_cast %swap3A_1688 : i32 to index
        %swap3A_1691 = arith.constant 16 : index
        %swap3A_1692 = tpu.vector_load %arg5[%swap3A_1689, %swap3A_1690, %swap3A_1691] {strides = array<i32>} : memref<2x5x128xi32, #tpu.memory_space<vmem>>, vector<1x1x16xi32>,
        %swap3A_1693 = vector.shape_cast %swap3A_1692 : vector<1x1x16xi32> to vector<16xi32>
        %swap3A_1694 = vector.shape_cast %add3A_1686 : vector<16xi32> to vector<1x1x16xi32>
        tpu.vector_store %arg5[%swap3A_1689, %swap3A_1690, %swap3A_1691], %swap3A_1694 {strides = array<i32>} : memref<2x5x128xi32, #tpu.memory_space<vmem>>, vector<1x1x16xi32>,
        %get3A_1695 = arith.constant 0 : i32
        %get3A_1696 = arith.constant 0 : i32
        %get3A_1697 = arith.index_cast %get3A_1695 : i32 to index
        %get3A_1698 = arith.index_cast %get3A_1696 : i32 to index
        %get3A_1699 = arith.constant 32 : index
        %get3A_1700 = tpu.vector_load %arg5[%get3A_1697, %get3A_1698, %get3A_1699] {strides = array<i32>} : memref<2x5x128xi32, #tpu.memory_space<vmem>>, vector<1x1x16xi32>,
        %get3A_1701 = vector.shape_cast %get3A_1700 : vector<1x1x16xi32> to vector<16xi32>
        %add3A_1702 = arith.addi %get3A_1701, %mul3A_7 : vector<16xi32>
        %swap3A_1703 = arith.constant 0 : i32
        %swap3A_1704 = arith.constant 0 : i32
        %swap3A_1705 = arith.index_cast %swap3A_1703 : i32 to index
        %swap3A_1706 = arith.index_cast %swap3A_1704 : i32 to index
        %swap3A_1707 = arith.constant 32 : index
        %swap3A_1708 = tpu.vector_load %arg5[%swap3A_1705, %swap3A_1706, %swap3A_1707] {strides = array<i32>} : memref<2x5x128xi32, #tpu.memory_space<vmem>>, vector<1x1x16xi32>,
        %swap3A_1709 = vector.shape_cast %swap3A_1708 : vector<1x1x16xi32> to vector<16xi32>
        %swap3A_1710 = vector.shape_cast %add3A_1702 : vector<16xi32> to vector<1x1x16xi32>
        tpu.vector_store %arg5[%swap3A_1705, %swap3A_1706, %swap3A_1707], %swap3A_1710 {strides = array<i32>} : memref<2x5x128xi32, #tpu.memory_space<vmem>>, vector<1x1x16xi32>,
        %get3A_1711 = arith.constant 0 : i32
        %get3A_1712 = arith.constant 0 : i32
        %get3A_1713 = arith.index_cast %get3A_1711 : i32 to index
        %get3A_1714 = arith.index_cast %get3A_1712 : i32 to index
        %get3A_1715 = arith.constant 48 : index
        %get3A_1716 = tpu.vector_load %arg5[%get3A_1713, %get3A_1714, %get3A_1715] {strides = array<i32>} : memref<2x5x128xi32, #tpu.memory_space<vmem>>, vector<1x1x16xi32>,
        %get3A_1717 = vector.shape_cast %get3A_1716 : vector<1x1x16xi32> to vector<16xi32>
        %add3A_1718 = arith.addi %get3A_1717, %mul3A_7 : vector<16xi32>
        %swap3A_1719 = arith.constant 0 : i32
        %swap3A_1720 = arith.constant 0 : i32
        %swap3A_1721 = arith.index_cast %swap3A_1719 : i32 to index
        %swap3A_1722 = arith.index_cast %swap3A_1720 : i32 to index
        %swap3A_1723 = arith.constant 48 : index
        %swap3A_1724 = tpu.vector_load %arg5[%swap3A_1721, %swap3A_1722, %swap3A_1723] {strides = array<i32>} : memref<2x5x128xi32, #tpu.memory_space<vmem>>, vector<1x1x16xi32>,
        %swap3A_1725 = vector.shape_cast %swap3A_1724 : vector<1x1x16xi32> to vector<16xi32>
        %swap3A_1726 = vector.shape_cast %add3A_1718 : vector<16xi32> to vector<1x1x16xi32>
        tpu.vector_store %arg5[%swap3A_1721, %swap3A_1722, %swap3A_1723], %swap3A_1726 {strides = array<i32>} : memref<2x5x128xi32, #tpu.memory_space<vmem>>, vector<1x1x16xi32>,
        %get3A_1727 = arith.constant 0 : i32
        %get3A_1728 = arith.constant 0 : i32
        %get3A_1729 = arith.index_cast %get3A_1727 : i32 to index
        %get3A_1730 = arith.index_cast %get3A_1728 : i32 to index
        %get3A_1731 = arith.constant 64 : index
        %get3A_1732 = tpu.vector_load %arg5[%get3A_1729, %get3A_1730, %get3A_1731] {strides = array<i32>} : memref<2x5x128xi32, #tpu.memory_space<vmem>>, vector<1x1x16xi32>,
        %get3A_1733 = vector.shape_cast %get3A_1732 : vector<1x1x16xi32> to vector<16xi32>
        %add3A_1734 = arith.addi %get3A_1733, %mul3A_7 : vector<16xi32>
        %swap3A_1735 = arith.constant 0 : i32
        %swap3A_1736 = arith.constant 0 : i32
        %swap3A_1737 = arith.index_cast %swap3A_1735 : i32 to index
        %swap3A_1738 = arith.index_cast %swap3A_1736 : i32 to index
        %swap3A_1739 = arith.constant 64 : index
        %swap3A_1740 = tpu.vector_load %arg5[%swap3A_1737, %swap3A_1738, %swap3A_1739] {strides = array<i32>} : memref<2x5x128xi32, #tpu.memory_space<vmem>>, vector<1x1x16xi32>,
        %swap3A_1741 = vector.shape_cast %swap3A_1740 : vector<1x1x16xi32> to vector<16xi32>
        %swap3A_1742 = vector.shape_cast %add3A_1734 : vector<16xi32> to vector<1x1x16xi32>
        tpu.vector_store %arg5[%swap3A_1737, %swap3A_1738, %swap3A_1739], %swap3A_1742 {strides = array<i32>} : memref<2x5x128xi32, #tpu.memory_space<vmem>>, vector<1x1x16xi32>,
        %get3A_1743 = arith.constant 0 : i32
        %get3A_1744 = arith.constant 0 : i32
        %get3A_1745 = arith.index_cast %get3A_1743 : i32 to index
        %get3A_1746 = arith.index_cast %get3A_1744 : i32 to index
        %get3A_1747 = arith.constant 80 : index
        %get3A_1748 = tpu.vector_load %arg5[%get3A_1745, %get3A_1746, %get3A_1747] {strides = array<i32>} : memref<2x5x128xi32, #tpu.memory_space<vmem>>, vector<1x1x16xi32>,
        %get3A_1749 = vector.shape_cast %get3A_1748 : vector<1x1x16xi32> to vector<16xi32>
        %add3A_1750 = arith.addi %get3A_1749, %mul3A_7 : vector<16xi32>
        %swap3A_1751 = arith.constant 0 : i32
        %swap3A_1752 = arith.constant 0 : i32
        %swap3A_1753 = arith.index_cast %swap3A_1751 : i32 to index
        %swap3A_1754 = arith.index_cast %swap3A_1752 : i32 to index
        %swap3A_1755 = arith.constant 80 : index
        %swap3A_1756 = tpu.vector_load %arg5[%swap3A_1753, %swap3A_1754, %swap3A_1755] {strides = array<i32>} : memref<2x5x128xi32, #tpu.memory_space<vmem>>, vector<1x1x16xi32>,
        %swap3A_1757 = vector.shape_cast %swap3A_1756 : vector<1x1x16xi32> to vector<16xi32>
        %swap3A_1758 = vector.shape_cast %add3A_1750 : vector<16xi32> to vector<1x1x16xi32>
        tpu.vector_store %arg5[%swap3A_1753, %swap3A_1754, %swap3A_1755], %swap3A_1758 {strides = array<i32>} : memref<2x5x128xi32, #tpu.memory_space<vmem>>, vector<1x1x16xi32>,
        %get3A_1759 = arith.constant 0 : i32
        %get3A_1760 = arith.constant 0 : i32
        %get3A_1761 = arith.index_cast %get3A_1759 : i32 to index
        %get3A_1762 = arith.index_cast %get3A_1760 : i32 to index
        %get3A_1763 = arith.constant 96 : index
        %get3A_1764 = tpu.vector_load %arg5[%get3A_1761, %get3A_1762, %get3A_1763] {strides = array<i32>} : memref<2x5x128xi32, #tpu.memory_space<vmem>>, vector<1x1x16xi32>,
        %get3A_1765 = vector.shape_cast %get3A_1764 : vector<1x1x16xi32> to vector<16xi32>
        %add3A_1766 = arith.addi %get3A_1765, %mul3A_7 : vector<16xi32>
        %swap3A_1767 = arith.constant 0 : i32
        %swap3A_1768 = arith.constant 0 : i32
        %swap3A_1769 = arith.index_cast %swap3A_1767 : i32 to index
        %swap3A_1770 = arith.index_cast %swap3A_1768 : i32 to index
        %swap3A_1771 = arith.constant 96 : index
        %swap3A_1772 = tpu.vector_load %arg5[%swap3A_1769, %swap3A_1770, %swap3A_1771] {strides = array<i32>} : memref<2x5x128xi32, #tpu.memory_space<vmem>>, vector<1x1x16xi32>,
        %swap3A_1773 = vector.shape_cast %swap3A_1772 : vector<1x1x16xi32> to vector<16xi32>
        %swap3A_1774 = vector.shape_cast %add3A_1766 : vector<16xi32> to vector<1x1x16xi32>
        tpu.vector_store %arg5[%swap3A_1769, %swap3A_1770, %swap3A_1771], %swap3A_1774 {strides = array<i32>} : memref<2x5x128xi32, #tpu.memory_space<vmem>>, vector<1x1x16xi32>,
        %get3A_1775 = arith.constant 0 : i32
        %get3A_1776 = arith.constant 0 : i32
        %get3A_1777 = arith.index_cast %get3A_1775 : i32 to index
        %get3A_1778 = arith.index_cast %get3A_1776 : i32 to index
        %get3A_1779 = arith.constant 112 : index
        %get3A_1780 = tpu.vector_load %arg5[%get3A_1777, %get3A_1778, %get3A_1779] {strides = array<i32>} : memref<2x5x128xi32, #tpu.memory_space<vmem>>, vector<1x1x16xi32>,
        %get3A_1781 = vector.shape_cast %get3A_1780 : vector<1x1x16xi32> to vector<16xi32>
        %add3A_1782 = arith.addi %get3A_1781, %mul3A_7 : vector<16xi32>
        %swap3A_1783 = arith.constant 0 : i32
        %swap3A_1784 = arith.constant 0 : i32
        %swap3A_1785 = arith.index_cast %swap3A_1783 : i32 to index
        %swap3A_1786 = arith.index_cast %swap3A_1784 : i32 to index
        %swap3A_1787 = arith.constant 112 : index
        %swap3A_1788 = tpu.vector_load %arg5[%swap3A_1785, %swap3A_1786, %swap3A_1787] {strides = array<i32>} : memref<2x5x128xi32, #tpu.memory_space<vmem>>, vector<1x1x16xi32>,
        %swap3A_1789 = vector.shape_cast %swap3A_1788 : vector<1x1x16xi32> to vector<16xi32>
        %swap3A_1790 = vector.shape_cast %add3A_1782 : vector<16xi32> to vector<1x1x16xi32>
        tpu.vector_store %arg5[%swap3A_1785, %swap3A_1786, %swap3A_1787], %swap3A_1790 {strides = array<i32>} : memref<2x5x128xi32, #tpu.memory_space<vmem>>, vector<1x1x16xi32>,
        %get3A_1791 = arith.constant 0 : i32
        %get3A_1792 = arith.constant 1 : i32
        %get3A_1793 = arith.index_cast %get3A_1791 : i32 to index
        %get3A_1794 = arith.index_cast %get3A_1792 : i32 to index
        %get3A_1795 = arith.constant 0 : index
        %get3A_1796 = tpu.vector_load %arg5[%get3A_1793, %get3A_1794, %get3A_1795] {strides = array<i32>} : memref<2x5x128xi32, #tpu.memory_space<vmem>>, vector<1x1x16xi32>,
        %get3A_1797 = vector.shape_cast %get3A_1796 : vector<1x1x16xi32> to vector<16xi32>
        %add3A_1798 = arith.addi %get3A_1797, %mul3A_7 : vector<16xi32>
        %swap3A_1799 = arith.constant 0 : i32
        %swap3A_1800 = arith.constant 1 : i32
        %swap3A_1801 = arith.index_cast %swap3A_1799 : i32 to index
        %swap3A_1802 = arith.index_cast %swap3A_1800 : i32 to index
        %swap3A_1803 = arith.constant 0 : index
        %swap3A_1804 = tpu.vector_load %arg5[%swap3A_1801, %swap3A_1802, %swap3A_1803] {strides = array<i32>} : memref<2x5x128xi32, #tpu.memory_space<vmem>>, vector<1x1x16xi32>,
        %swap3A_1805 = vector.shape_cast %swap3A_1804 : vector<1x1x16xi32> to vector<16xi32>
        %swap3A_1806 = vector.shape_cast %add3A_1798 : vector<16xi32> to vector<1x1x16xi32>
        tpu.vector_store %arg5[%swap3A_1801, %swap3A_1802, %swap3A_1803], %swap3A_1806 {strides = array<i32>} : memref<2x5x128xi32, #tpu.memory_space<vmem>>, vector<1x1x16xi32>,
        %get3A_1807 = arith.constant 0 : i32
        %get3A_1808 = arith.constant 1 : i32
        %get3A_1809 = arith.index_cast %get3A_1807 : i32 to index
        %get3A_1810 = arith.index_cast %get3A_1808 : i32 to index
        %get3A_1811 = arith.constant 16 : index
        %get3A_1812 = tpu.vector_load %arg5[%get3A_1809, %get3A_1810, %get3A_1811] {strides = array<i32>} : memref<2x5x128xi32, #tpu.memory_space<vmem>>, vector<1x1x16xi32>,
        %get3A_1813 = vector.shape_cast %get3A_1812 : vector<1x1x16xi32> to vector<16xi32>
        %add3A_1814 = arith.addi %get3A_1813, %mul3A_7 : vector<16xi32>
        %swap3A_1815 = arith.constant 0 : i32
        %swap3A_1816 = arith.constant 1 : i32
        %swap3A_1817 = arith.index_cast %swap3A_1815 : i32 to index
        %swap3A_1818 = arith.index_cast %swap3A_1816 : i32 to index
        %swap3A_1819 = arith.constant 16 : index
        %swap3A_1820 = tpu.vector_load %arg5[%swap3A_1817, %swap3A_1818, %swap3A_1819] {strides = array<i32>} : memref<2x5x128xi32, #tpu.memory_space<vmem>>, vector<1x1x16xi32>,
        %swap3A_1821 = vector.shape_cast %swap3A_1820 : vector<1x1x16xi32> to vector<16xi32>
        %swap3A_1822 = vector.shape_cast %add3A_1814 : vector<16xi32> to vector<1x1x16xi32>
        tpu.vector_store %arg5[%swap3A_1817, %swap3A_1818, %swap3A_1819], %swap3A_1822 {strides = array<i32>} : memref<2x5x128xi32, #tpu.memory_space<vmem>>, vector<1x1x16xi32>,
        %get3A_1823 = arith.constant 0 : i32
        %get3A_1824 = arith.constant 1 : i32
        %get3A_1825 = arith.index_cast %get3A_1823 : i32 to index
        %get3A_1826 = arith.index_cast %get3A_1824 : i32 to index
        %get3A_1827 = arith.constant 32 : index
        %get3A_1828 = tpu.vector_load %arg5[%get3A_1825, %get3A_1826, %get3A_1827] {strides = array<i32>} : memref<2x5x128xi32, #tpu.memory_space<vmem>>, vector<1x1x16xi32>,
        %get3A_1829 = vector.shape_cast %get3A_1828 : vector<1x1x16xi32> to vector<16xi32>
        %add3A_1830 = arith.addi %get3A_1829, %mul3A_7 : vector<16xi32>
        %swap3A_1831 = arith.constant 0 : i32
        %swap3A_1832 = arith.constant 1 : i32
        %swap3A_1833 = arith.index_cast %swap3A_1831 : i32 to index
        %swap3A_1834 = arith.index_cast %swap3A_1832 : i32 to index
        %swap3A_1835 = arith.constant 32 : index
        %swap3A_1836 = tpu.vector_load %arg5[%swap3A_1833, %swap3A_1834, %swap3A_1835] {strides = array<i32>} : memref<2x5x128xi32, #tpu.memory_space<vmem>>, vector<1x1x16xi32>,
        %swap3A_1837 = vector.shape_cast %swap3A_1836 : vector<1x1x16xi32> to vector<16xi32>
        %swap3A_1838 = vector.shape_cast %add3A_1830 : vector<16xi32> to vector<1x1x16xi32>
        tpu.vector_store %arg5[%swap3A_1833, %swap3A_1834, %swap3A_1835], %swap3A_1838 {strides = array<i32>} : memref<2x5x128xi32, #tpu.memory_space<vmem>>, vector<1x1x16xi32>,
        %get3A_1839 = arith.constant 0 : i32
        %get3A_1840 = arith.constant 1 : i32
        %get3A_1841 = arith.index_cast %get3A_1839 : i32 to index
        %get3A_1842 = arith.index_cast %get3A_1840 : i32 to index
        %get3A_1843 = arith.constant 48 : index
        %get3A_1844 = tpu.vector_load %arg5[%get3A_1841, %get3A_1842, %get3A_1843] {strides = array<i32>} : memref<2x5x128xi32, #tpu.memory_space<vmem>>, vector<1x1x16xi32>,
        %get3A_1845 = vector.shape_cast %get3A_1844 : vector<1x1x16xi32> to vector<16xi32>
        %add3A_1846 = arith.addi %get3A_1845, %mul3A_7 : vector<16xi32>
        %swap3A_1847 = arith.constant 0 : i32
        %swap3A_1848 = arith.constant 1 : i32
        %swap3A_1849 = arith.index_cast %swap3A_1847 : i32 to index
        %swap3A_1850 = arith.index_cast %swap3A_1848 : i32 to index
        %swap3A_1851 = arith.constant 48 : index
        %swap3A_1852 = tpu.vector_load %arg5[%swap3A_1849, %swap3A_1850, %swap3A_1851] {strides = array<i32>} : memref<2x5x128xi32, #tpu.memory_space<vmem>>, vector<1x1x16xi32>,
        %swap3A_1853 = vector.shape_cast %swap3A_1852 : vector<1x1x16xi32> to vector<16xi32>
        %swap3A_1854 = vector.shape_cast %add3A_1846 : vector<16xi32> to vector<1x1x16xi32>
        tpu.vector_store %arg5[%swap3A_1849, %swap3A_1850, %swap3A_1851], %swap3A_1854 {strides = array<i32>} : memref<2x5x128xi32, #tpu.memory_space<vmem>>, vector<1x1x16xi32>,
        %get3A_1855 = arith.constant 0 : i32
        %get3A_1856 = arith.constant 1 : i32
        %get3A_1857 = arith.index_cast %get3A_1855 : i32 to index
        %get3A_1858 = arith.index_cast %get3A_1856 : i32 to index
        %get3A_1859 = arith.constant 64 : index
        %get3A_1860 = tpu.vector_load %arg5[%get3A_1857, %get3A_1858, %get3A_1859] {strides = array<i32>} : memref<2x5x128xi32, #tpu.memory_space<vmem>>, vector<1x1x16xi32>,
        %get3A_1861 = vector.shape_cast %get3A_1860 : vector<1x1x16xi32> to vector<16xi32>
        %add3A_1862 = arith.addi %get3A_1861, %mul3A_7 : vector<16xi32>
        %swap3A_1863 = arith.constant 0 : i32
        %swap3A_1864 = arith.constant 1 : i32
        %swap3A_1865 = arith.index_cast %swap3A_1863 : i32 to index
        %swap3A_1866 = arith.index_cast %swap3A_1864 : i32 to index
        %swap3A_1867 = arith.constant 64 : index
        %swap3A_1868 = tpu.vector_load %arg5[%swap3A_1865, %swap3A_1866, %swap3A_1867] {strides = array<i32>} : memref<2x5x128xi32, #tpu.memory_space<vmem>>, vector<1x1x16xi32>,
        %swap3A_1869 = vector.shape_cast %swap3A_1868 : vector<1x1x16xi32> to vector<16xi32>
        %swap3A_1870 = vector.shape_cast %add3A_1862 : vector<16xi32> to vector<1x1x16xi32>
        tpu.vector_store %arg5[%swap3A_1865, %swap3A_1866, %swap3A_1867], %swap3A_1870 {strides = array<i32>} : memref<2x5x128xi32, #tpu.memory_space<vmem>>, vector<1x1x16xi32>,
        %get3A_1871 = arith.constant 0 : i32
        %get3A_1872 = arith.constant 1 : i32
        %get3A_1873 = arith.index_cast %get3A_1871 : i32 to index
        %get3A_1874 = arith.index_cast %get3A_1872 : i32 to index
        %get3A_1875 = arith.constant 80 : index
        %get3A_1876 = tpu.vector_load %arg5[%get3A_1873, %get3A_1874, %get3A_1875] {strides = array<i32>} : memref<2x5x128xi32, #tpu.memory_space<vmem>>, vector<1x1x16xi32>,
        %get3A_1877 = vector.shape_cast %get3A_1876 : vector<1x1x16xi32> to vector<16xi32>
        %add3A_1878 = arith.addi %get3A_1877, %mul3A_7 : vector<16xi32>
        %swap3A_1879 = arith.constant 0 : i32
        %swap3A_1880 = arith.constant 1 : i32
        %swap3A_1881 = arith.index_cast %swap3A_1879 : i32 to index
        %swap3A_1882 = arith.index_cast %swap3A_1880 : i32 to index
        %swap3A_1883 = arith.constant 80 : index
        %swap3A_1884 = tpu.vector_load %arg5[%swap3A_1881, %swap3A_1882, %swap3A_1883] {strides = array<i32>} : memref<2x5x128xi32, #tpu.memory_space<vmem>>, vector<1x1x16xi32>,
        %swap3A_1885 = vector.shape_cast %swap3A_1884 : vector<1x1x16xi32> to vector<16xi32>
        %swap3A_1886 = vector.shape_cast %add3A_1878 : vector<16xi32> to vector<1x1x16xi32>
        tpu.vector_store %arg5[%swap3A_1881, %swap3A_1882, %swap3A_1883], %swap3A_1886 {strides = array<i32>} : memref<2x5x128xi32, #tpu.memory_space<vmem>>, vector<1x1x16xi32>,
        %get3A_1887 = arith.constant 0 : i32
        %get3A_1888 = arith.constant 1 : i32
        %get3A_1889 = arith.index_cast %get3A_1887 : i32 to index
        %get3A_1890 = arith.index_cast %get3A_1888 : i32 to index
        %get3A_1891 = arith.constant 96 : index
        %get3A_1892 = tpu.vector_load %arg5[%get3A_1889, %get3A_1890, %get3A_1891] {strides = array<i32>} : memref<2x5x128xi32, #tpu.memory_space<vmem>>, vector<1x1x16xi32>,
        %get3A_1893 = vector.shape_cast %get3A_1892 : vector<1x1x16xi32> to vector<16xi32>
        %add3A_1894 = arith.addi %get3A_1893, %mul3A_7 : vector<16xi32>
        %swap3A_1895 = arith.constant 0 : i32
        %swap3A_1896 = arith.constant 1 : i32
        %swap3A_1897 = arith.index_cast %swap3A_1895 : i32 to index
        %swap3A_1898 = arith.index_cast %swap3A_1896 : i32 to index
        %swap3A_1899 = arith.constant 96 : index
        %swap3A_1900 = tpu.vector_load %arg5[%swap3A_1897, %swap3A_1898, %swap3A_1899] {strides = array<i32>} : memref<2x5x128xi32, #tpu.memory_space<vmem>>, vector<1x1x16xi32>,
        %swap3A_1901 = vector.shape_cast %swap3A_1900 : vector<1x1x16xi32> to vector<16xi32>
        %swap3A_1902 = vector.shape_cast %add3A_1894 : vector<16xi32> to vector<1x1x16xi32>
        tpu.vector_store %arg5[%swap3A_1897, %swap3A_1898, %swap3A_1899], %swap3A_1902 {strides = array<i32>} : memref<2x5x128xi32, #tpu.memory_space<vmem>>, vector<1x1x16xi32>,
        %get3A_1903 = arith.constant 0 : i32
        %get3A_1904 = arith.constant 1 : i32
        %get3A_1905 = arith.index_cast %get3A_1903 : i32 to index
        %get3A_1906 = arith.index_cast %get3A_1904 : i32 to index
        %get3A_1907 = arith.constant 112 : index
        %get3A_1908 = tpu.vector_load %arg5[%get3A_1905, %get3A_1906, %get3A_1907] {strides = array<i32>} : memref<2x5x128xi32, #tpu.memory_space<vmem>>, vector<1x1x16xi32>,
        %get3A_1909 = vector.shape_cast %get3A_1908 : vector<1x1x16xi32> to vector<16xi32>
        %add3A_1910 = arith.addi %get3A_1909, %mul3A_7 : vector<16xi32>
        %swap3A_1911 = arith.constant 0 : i32
        %swap3A_1912 = arith.constant 1 : i32
        %swap3A_1913 = arith.index_cast %swap3A_1911 : i32 to index
        %swap3A_1914 = arith.index_cast %swap3A_1912 : i32 to index
        %swap3A_1915 = arith.constant 112 : index
        %swap3A_1916 = tpu.vector_load %arg5[%swap3A_1913, %swap3A_1914, %swap3A_1915] {strides = array<i32>} : memref<2x5x128xi32, #tpu.memory_space<vmem>>, vector<1x1x16xi32>,
        %swap3A_1917 = vector.shape_cast %swap3A_1916 : vector<1x1x16xi32> to vector<16xi32>
        %swap3A_1918 = vector.shape_cast %add3A_1910 : vector<16xi32> to vector<1x1x16xi32>
        tpu.vector_store %arg5[%swap3A_1913, %swap3A_1914, %swap3A_1915], %swap3A_1918 {strides = array<i32>} : memref<2x5x128xi32, #tpu.memory_space<vmem>>, vector<1x1x16xi32>,
        %get3A_1919 = arith.constant 0 : i32
        %get3A_1920 = arith.constant 2 : i32
        %get3A_1921 = arith.index_cast %get3A_1919 : i32 to index
        %get3A_1922 = arith.index_cast %get3A_1920 : i32 to index
        %get3A_1923 = arith.constant 0 : index
        %get3A_1924 = tpu.vector_load %arg5[%get3A_1921, %get3A_1922, %get3A_1923] {strides = array<i32>} : memref<2x5x128xi32, #tpu.memory_space<vmem>>, vector<1x1x16xi32>,
        %get3A_1925 = vector.shape_cast %get3A_1924 : vector<1x1x16xi32> to vector<16xi32>
        %add3A_1926 = arith.addi %get3A_1925, %mul3A_7 : vector<16xi32>
        %swap3A_1927 = arith.constant 0 : i32
        %swap3A_1928 = arith.constant 2 : i32
        %swap3A_1929 = arith.index_cast %swap3A_1927 : i32 to index
        %swap3A_1930 = arith.index_cast %swap3A_1928 : i32 to index
        %swap3A_1931 = arith.constant 0 : index
        %swap3A_1932 = tpu.vector_load %arg5[%swap3A_1929, %swap3A_1930, %swap3A_1931] {strides = array<i32>} : memref<2x5x128xi32, #tpu.memory_space<vmem>>, vector<1x1x16xi32>,
        %swap3A_1933 = vector.shape_cast %swap3A_1932 : vector<1x1x16xi32> to vector<16xi32>
        %swap3A_1934 = vector.shape_cast %add3A_1926 : vector<16xi32> to vector<1x1x16xi32>
        tpu.vector_store %arg5[%swap3A_1929, %swap3A_1930, %swap3A_1931], %swap3A_1934 {strides = array<i32>} : memref<2x5x128xi32, #tpu.memory_space<vmem>>, vector<1x1x16xi32>,
        %get3A_1935 = arith.constant 0 : i32
        %get3A_1936 = arith.constant 2 : i32
        %get3A_1937 = arith.index_cast %get3A_1935 : i32 to index
        %get3A_1938 = arith.index_cast %get3A_1936 : i32 to index
        %get3A_1939 = arith.constant 16 : index
        %get3A_1940 = tpu.vector_load %arg5[%get3A_1937, %get3A_1938, %get3A_1939] {strides = array<i32>} : memref<2x5x128xi32, #tpu.memory_space<vmem>>, vector<1x1x16xi32>,
        %get3A_1941 = vector.shape_cast %get3A_1940 : vector<1x1x16xi32> to vector<16xi32>
        %add3A_1942 = arith.addi %get3A_1941, %mul3A_7 : vector<16xi32>
        %swap3A_1943 = arith.constant 0 : i32
        %swap3A_1944 = arith.constant 2 : i32
        %swap3A_1945 = arith.index_cast %swap3A_1943 : i32 to index
        %swap3A_1946 = arith.index_cast %swap3A_1944 : i32 to index
        %swap3A_1947 = arith.constant 16 : index
        %swap3A_1948 = tpu.vector_load %arg5[%swap3A_1945, %swap3A_1946, %swap3A_1947] {strides = array<i32>} : memref<2x5x128xi32, #tpu.memory_space<vmem>>, vector<1x1x16xi32>,
        %swap3A_1949 = vector.shape_cast %swap3A_1948 : vector<1x1x16xi32> to vector<16xi32>
        %swap3A_1950 = vector.shape_cast %add3A_1942 : vector<16xi32> to vector<1x1x16xi32>
        tpu.vector_store %arg5[%swap3A_1945, %swap3A_1946, %swap3A_1947], %swap3A_1950 {strides = array<i32>} : memref<2x5x128xi32, #tpu.memory_space<vmem>>, vector<1x1x16xi32>,
        %get3A_1951 = arith.constant 0 : i32
        %get3A_1952 = arith.constant 2 : i32
        %get3A_1953 = arith.index_cast %get3A_1951 : i32 to index
        %get3A_1954 = arith.index_cast %get3A_1952 : i32 to index
        %get3A_1955 = arith.constant 32 : index
        %get3A_1956 = tpu.vector_load %arg5[%get3A_1953, %get3A_1954, %get3A_1955] {strides = array<i32>} : memref<2x5x128xi32, #tpu.memory_space<vmem>>, vector<1x1x16xi32>,
        %get3A_1957 = vector.shape_cast %get3A_1956 : vector<1x1x16xi32> to vector<16xi32>
        %add3A_1958 = arith.addi %get3A_1957, %mul3A_7 : vector<16xi32>
        %swap3A_1959 = arith.constant 0 : i32
        %swap3A_1960 = arith.constant 2 : i32
        %swap3A_1961 = arith.index_cast %swap3A_1959 : i32 to index
        %swap3A_1962 = arith.index_cast %swap3A_1960 : i32 to index
        %swap3A_1963 = arith.constant 32 : index
        %swap3A_1964 = tpu.vector_load %arg5[%swap3A_1961, %swap3A_1962, %swap3A_1963] {strides = array<i32>} : memref<2x5x128xi32, #tpu.memory_space<vmem>>, vector<1x1x16xi32>,
        %swap3A_1965 = vector.shape_cast %swap3A_1964 : vector<1x1x16xi32> to vector<16xi32>
        %swap3A_1966 = vector.shape_cast %add3A_1958 : vector<16xi32> to vector<1x1x16xi32>
        tpu.vector_store %arg5[%swap3A_1961, %swap3A_1962, %swap3A_1963], %swap3A_1966 {strides = array<i32>} : memref<2x5x128xi32, #tpu.memory_space<vmem>>, vector<1x1x16xi32>,
        %get3A_1967 = arith.constant 0 : i32
        %get3A_1968 = arith.constant 2 : i32
        %get3A_1969 = arith.index_cast %get3A_1967 : i32 to index
        %get3A_1970 = arith.index_cast %get3A_1968 : i32 to index
        %get3A_1971 = arith.constant 48 : index
        %get3A_1972 = tpu.vector_load %arg5[%get3A_1969, %get3A_1970, %get3A_1971] {strides = array<i32>} : memref<2x5x128xi32, #tpu.memory_space<vmem>>, vector<1x1x16xi32>,
        %get3A_1973 = vector.shape_cast %get3A_1972 : vector<1x1x16xi32> to vector<16xi32>
        %add3A_1974 = arith.addi %get3A_1973, %mul3A_7 : vector<16xi32>
        %swap3A_1975 = arith.constant 0 : i32
        %swap3A_1976 = arith.constant 2 : i32
        %swap3A_1977 = arith.index_cast %swap3A_1975 : i32 to index
        %swap3A_1978 = arith.index_cast %swap3A_1976 : i32 to index
        %swap3A_1979 = arith.constant 48 : index
        %swap3A_1980 = tpu.vector_load %arg5[%swap3A_1977, %swap3A_1978, %swap3A_1979] {strides = array<i32>} : memref<2x5x128xi32, #tpu.memory_space<vmem>>, vector<1x1x16xi32>,
        %swap3A_1981 = vector.shape_cast %swap3A_1980 : vector<1x1x16xi32> to vector<16xi32>
        %swap3A_1982 = vector.shape_cast %add3A_1974 : vector<16xi32> to vector<1x1x16xi32>
        tpu.vector_store %arg5[%swap3A_1977, %swap3A_1978, %swap3A_1979], %swap3A_1982 {strides = array<i32>} : memref<2x5x128xi32, #tpu.memory_space<vmem>>, vector<1x1x16xi32>,
        %get3A_1983 = arith.constant 0 : i32
        %get3A_1984 = arith.constant 2 : i32
        %get3A_1985 = arith.index_cast %get3A_1983 : i32 to index
        %get3A_1986 = arith.index_cast %get3A_1984 : i32 to index
        %get3A_1987 = arith.constant 64 : index
        %get3A_1988 = tpu.vector_load %arg5[%get3A_1985, %get3A_1986, %get3A_1987] {strides = array<i32>} : memref<2x5x128xi32, #tpu.memory_space<vmem>>, vector<1x1x16xi32>,
        %get3A_1989 = vector.shape_cast %get3A_1988 : vector<1x1x16xi32> to vector<16xi32>
        %add3A_1990 = arith.addi %get3A_1989, %mul3A_7 : vector<16xi32>
        %swap3A_1991 = arith.constant 0 : i32
        %swap3A_1992 = arith.constant 2 : i32
        %swap3A_1993 = arith.index_cast %swap3A_1991 : i32 to index
        %swap3A_1994 = arith.index_cast %swap3A_1992 : i32 to index
        %swap3A_1995 = arith.constant 64 : index
        %swap3A_1996 = tpu.vector_load %arg5[%swap3A_1993, %swap3A_1994, %swap3A_1995] {strides = array<i32>} : memref<2x5x128xi32, #tpu.memory_space<vmem>>, vector<1x1x16xi32>,
        %swap3A_1997 = vector.shape_cast %swap3A_1996 : vector<1x1x16xi32> to vector<16xi32>
        %swap3A_1998 = vector.shape_cast %add3A_1990 : vector<16xi32> to vector<1x1x16xi32>
        tpu.vector_store %arg5[%swap3A_1993, %swap3A_1994, %swap3A_1995], %swap3A_1998 {strides = array<i32>} : memref<2x5x128xi32, #tpu.memory_space<vmem>>, vector<1x1x16xi32>,
        %get3A_1999 = arith.constant 0 : i32
        %get3A_2000 = arith.constant 2 : i32
        %get3A_2001 = arith.index_cast %get3A_1999 : i32 to index
        %get3A_2002 = arith.index_cast %get3A_2000 : i32 to index
        %get3A_2003 = arith.constant 80 : index
        %get3A_2004 = tpu.vector_load %arg5[%get3A_2001, %get3A_2002, %get3A_2003] {strides = array<i32>} : memref<2x5x128xi32, #tpu.memory_space<vmem>>, vector<1x1x16xi32>,
        %get3A_2005 = vector.shape_cast %get3A_2004 : vector<1x1x16xi32> to vector<16xi32>
        %add3A_2006 = arith.addi %get3A_2005, %mul3A_7 : vector<16xi32>
        %swap3A_2007 = arith.constant 0 : i32
        %swap3A_2008 = arith.constant 2 : i32
        %swap3A_2009 = arith.index_cast %swap3A_2007 : i32 to index
        %swap3A_2010 = arith.index_cast %swap3A_2008 : i32 to index
        %swap3A_2011 = arith.constant 80 : index
        %swap3A_2012 = tpu.vector_load %arg5[%swap3A_2009, %swap3A_2010, %swap3A_2011] {strides = array<i32>} : memref<2x5x128xi32, #tpu.memory_space<vmem>>, vector<1x1x16xi32>,
        %swap3A_2013 = vector.shape_cast %swap3A_2012 : vector<1x1x16xi32> to vector<16xi32>
        %swap3A_2014 = vector.shape_cast %add3A_2006 : vector<16xi32> to vector<1x1x16xi32>
        tpu.vector_store %arg5[%swap3A_2009, %swap3A_2010, %swap3A_2011], %swap3A_2014 {strides = array<i32>} : memref<2x5x128xi32, #tpu.memory_space<vmem>>, vector<1x1x16xi32>,
        %get3A_2015 = arith.constant 0 : i32
        %get3A_2016 = arith.constant 2 : i32
        %get3A_2017 = arith.index_cast %get3A_2015 : i32 to index
        %get3A_2018 = arith.index_cast %get3A_2016 : i32 to index
        %get3A_2019 = arith.constant 96 : index
        %get3A_2020 = tpu.vector_load %arg5[%get3A_2017, %get3A_2018, %get3A_2019] {strides = array<i32>} : memref<2x5x128xi32, #tpu.memory_space<vmem>>, vector<1x1x16xi32>,
        %get3A_2021 = vector.shape_cast %get3A_2020 : vector<1x1x16xi32> to vector<16xi32>
        %add3A_2022 = arith.addi %get3A_2021, %mul3A_7 : vector<16xi32>
        %swap3A_2023 = arith.constant 0 : i32
        %swap3A_2024 = arith.constant 2 : i32
        %swap3A_2025 = arith.index_cast %swap3A_2023 : i32 to index
        %swap3A_2026 = arith.index_cast %swap3A_2024 : i32 to index
        %swap3A_2027 = arith.constant 96 : index
        %swap3A_2028 = tpu.vector_load %arg5[%swap3A_2025, %swap3A_2026, %swap3A_2027] {strides = array<i32>} : memref<2x5x128xi32, #tpu.memory_space<vmem>>, vector<1x1x16xi32>,
        %swap3A_2029 = vector.shape_cast %swap3A_2028 : vector<1x1x16xi32> to vector<16xi32>
        %swap3A_2030 = vector.shape_cast %add3A_2022 : vector<16xi32> to vector<1x1x16xi32>
        tpu.vector_store %arg5[%swap3A_2025, %swap3A_2026, %swap3A_2027], %swap3A_2030 {strides = array<i32>} : memref<2x5x128xi32, #tpu.memory_space<vmem>>, vector<1x1x16xi32>,
        %get3A_2031 = arith.constant 0 : i32
        %get3A_2032 = arith.constant 2 : i32
        %get3A_2033 = arith.index_cast %get3A_2031 : i32 to index
        %get3A_2034 = arith.index_cast %get3A_2032 : i32 to index
        %get3A_2035 = arith.constant 112 : index
        %get3A_2036 = tpu.vector_load %arg5[%get3A_2033, %get3A_2034, %get3A_2035] {strides = array<i32>} : memref<2x5x128xi32, #tpu.memory_space<vmem>>, vector<1x1x16xi32>,
        %get3A_2037 = vector.shape_cast %get3A_2036 : vector<1x1x16xi32> to vector<16xi32>
        %add3A_2038 = arith.addi %get3A_2037, %mul3A_7 : vector<16xi32>
        %swap3A_2039 = arith.constant 0 : i32
        %swap3A_2040 = arith.constant 2 : i32
        %swap3A_2041 = arith.index_cast %swap3A_2039 : i32 to index
        %swap3A_2042 = arith.index_cast %swap3A_2040 : i32 to index
        %swap3A_2043 = arith.constant 112 : index
        %swap3A_2044 = tpu.vector_load %arg5[%swap3A_2041, %swap3A_2042, %swap3A_2043] {strides = array<i32>} : memref<2x5x128xi32, #tpu.memory_space<vmem>>, vector<1x1x16xi32>,
        %swap3A_2045 = vector.shape_cast %swap3A_2044 : vector<1x1x16xi32> to vector<16xi32>
        %swap3A_2046 = vector.shape_cast %add3A_2038 : vector<16xi32> to vector<1x1x16xi32>
        tpu.vector_store %arg5[%swap3A_2041, %swap3A_2042, %swap3A_2043], %swap3A_2046 {strides = array<i32>} : memref<2x5x128xi32, #tpu.memory_space<vmem>>, vector<1x1x16xi32>,
        %get3A_2047 = arith.constant 0 : i32
        %get3A_2048 = arith.constant 3 : i32
        %get3A_2049 = arith.index_cast %get3A_2047 : i32 to index
        %get3A_2050 = arith.index_cast %get3A_2048 : i32 to index
        %get3A_2051 = arith.constant 0 : index
        %get3A_2052 = tpu.vector_load %arg5[%get3A_2049, %get3A_2050, %get3A_2051] {strides = array<i32>} : memref<2x5x128xi32, #tpu.memory_space<vmem>>, vector<1x1x16xi32>,
        %get3A_2053 = vector.shape_cast %get3A_2052 : vector<1x1x16xi32> to vector<16xi32>
        %add3A_2054 = arith.addi %get3A_2053, %mul3A_7 : vector<16xi32>
        %swap3A_2055 = arith.constant 0 : i32
        %swap3A_2056 = arith.constant 3 : i32
        %swap3A_2057 = arith.index_cast %swap3A_2055 : i32 to index
        %swap3A_2058 = arith.index_cast %swap3A_2056 : i32 to index
        %swap3A_2059 = arith.constant 0 : index
        %swap3A_2060 = tpu.vector_load %arg5[%swap3A_2057, %swap3A_2058, %swap3A_2059] {strides = array<i32>} : memref<2x5x128xi32, #tpu.memory_space<vmem>>, vector<1x1x16xi32>,
        %swap3A_2061 = vector.shape_cast %swap3A_2060 : vector<1x1x16xi32> to vector<16xi32>
        %swap3A_2062 = vector.shape_cast %add3A_2054 : vector<16xi32> to vector<1x1x16xi32>
        tpu.vector_store %arg5[%swap3A_2057, %swap3A_2058, %swap3A_2059], %swap3A_2062 {strides = array<i32>} : memref<2x5x128xi32, #tpu.memory_space<vmem>>, vector<1x1x16xi32>,
        %get3A_2063 = arith.constant 0 : i32
        %get3A_2064 = arith.constant 3 : i32
        %get3A_2065 = arith.index_cast %get3A_2063 : i32 to index
        %get3A_2066 = arith.index_cast %get3A_2064 : i32 to index
        %get3A_2067 = arith.constant 16 : index
        %get3A_2068 = tpu.vector_load %arg5[%get3A_2065, %get3A_2066, %get3A_2067] {strides = array<i32>} : memref<2x5x128xi32, #tpu.memory_space<vmem>>, vector<1x1x16xi32>,
        %get3A_2069 = vector.shape_cast %get3A_2068 : vector<1x1x16xi32> to vector<16xi32>
        %add3A_2070 = arith.addi %get3A_2069, %mul3A_7 : vector<16xi32>
        %swap3A_2071 = arith.constant 0 : i32
        %swap3A_2072 = arith.constant 3 : i32
        %swap3A_2073 = arith.index_cast %swap3A_2071 : i32 to index
        %swap3A_2074 = arith.index_cast %swap3A_2072 : i32 to index
        %swap3A_2075 = arith.constant 16 : index
        %swap3A_2076 = tpu.vector_load %arg5[%swap3A_2073, %swap3A_2074, %swap3A_2075] {strides = array<i32>} : memref<2x5x128xi32, #tpu.memory_space<vmem>>, vector<1x1x16xi32>,
        %swap3A_2077 = vector.shape_cast %swap3A_2076 : vector<1x1x16xi32> to vector<16xi32>
        %swap3A_2078 = vector.shape_cast %add3A_2070 : vector<16xi32> to vector<1x1x16xi32>
        tpu.vector_store %arg5[%swap3A_2073, %swap3A_2074, %swap3A_2075], %swap3A_2078 {strides = array<i32>} : memref<2x5x128xi32, #tpu.memory_space<vmem>>, vector<1x1x16xi32>,
        %get3A_2079 = arith.constant 0 : i32
        %get3A_2080 = arith.constant 3 : i32
        %get3A_2081 = arith.index_cast %get3A_2079 : i32 to index
        %get3A_2082 = arith.index_cast %get3A_2080 : i32 to index
        %get3A_2083 = arith.constant 32 : index
        %get3A_2084 = tpu.vector_load %arg5[%get3A_2081, %get3A_2082, %get3A_2083] {strides = array<i32>} : memref<2x5x128xi32, #tpu.memory_space<vmem>>, vector<1x1x16xi32>,
        %get3A_2085 = vector.shape_cast %get3A_2084 : vector<1x1x16xi32> to vector<16xi32>
        %add3A_2086 = arith.addi %get3A_2085, %mul3A_7 : vector<16xi32>
        %swap3A_2087 = arith.constant 0 : i32
        %swap3A_2088 = arith.constant 3 : i32
        %swap3A_2089 = arith.index_cast %swap3A_2087 : i32 to index
        %swap3A_2090 = arith.index_cast %swap3A_2088 : i32 to index
        %swap3A_2091 = arith.constant 32 : index
        %swap3A_2092 = tpu.vector_load %arg5[%swap3A_2089, %swap3A_2090, %swap3A_2091] {strides = array<i32>} : memref<2x5x128xi32, #tpu.memory_space<vmem>>, vector<1x1x16xi32>,
        %swap3A_2093 = vector.shape_cast %swap3A_2092 : vector<1x1x16xi32> to vector<16xi32>
        %swap3A_2094 = vector.shape_cast %add3A_2086 : vector<16xi32> to vector<1x1x16xi32>
        tpu.vector_store %arg5[%swap3A_2089, %swap3A_2090, %swap3A_2091], %swap3A_2094 {strides = array<i32>} : memref<2x5x128xi32, #tpu.memory_space<vmem>>, vector<1x1x16xi32>,
        %get3A_2095 = arith.constant 0 : i32
        %get3A_2096 = arith.constant 3 : i32
        %get3A_2097 = arith.index_cast %get3A_2095 : i32 to index
        %get3A_2098 = arith.index_cast %get3A_2096 : i32 to index
        %get3A_2099 = arith.constant 48 : index
        %get3A_2100 = tpu.vector_load %arg5[%get3A_2097, %get3A_2098, %get3A_2099] {strides = array<i32>} : memref<2x5x128xi32, #tpu.memory_space<vmem>>, vector<1x1x16xi32>,
        %get3A_2101 = vector.shape_cast %get3A_2100 : vector<1x1x16xi32> to vector<16xi32>
        %add3A_2102 = arith.addi %get3A_2101, %mul3A_7 : vector<16xi32>
        %swap3A_2103 = arith.constant 0 : i32
        %swap3A_2104 = arith.constant 3 : i32
        %swap3A_2105 = arith.index_cast %swap3A_2103 : i32 to index
        %swap3A_2106 = arith.index_cast %swap3A_2104 : i32 to index
        %swap3A_2107 = arith.constant 48 : index
        %swap3A_2108 = tpu.vector_load %arg5[%swap3A_2105, %swap3A_2106, %swap3A_2107] {strides = array<i32>} : memref<2x5x128xi32, #tpu.memory_space<vmem>>, vector<1x1x16xi32>,
        %swap3A_2109 = vector.shape_cast %swap3A_2108 : vector<1x1x16xi32> to vector<16xi32>
        %swap3A_2110 = vector.shape_cast %add3A_2102 : vector<16xi32> to vector<1x1x16xi32>
        tpu.vector_store %arg5[%swap3A_2105, %swap3A_2106, %swap3A_2107], %swap3A_2110 {strides = array<i32>} : memref<2x5x128xi32, #tpu.memory_space<vmem>>, vector<1x1x16xi32>,
        %get3A_2111 = arith.constant 0 : i32
        %get3A_2112 = arith.constant 3 : i32
        %get3A_2113 = arith.index_cast %get3A_2111 : i32 to index
        %get3A_2114 = arith.index_cast %get3A_2112 : i32 to index
        %get3A_2115 = arith.constant 64 : index
        %get3A_2116 = tpu.vector_load %arg5[%get3A_2113, %get3A_2114, %get3A_2115] {strides = array<i32>} : memref<2x5x128xi32, #tpu.memory_space<vmem>>, vector<1x1x16xi32>,
        %get3A_2117 = vector.shape_cast %get3A_2116 : vector<1x1x16xi32> to vector<16xi32>
        %add3A_2118 = arith.addi %get3A_2117, %mul3A_7 : vector<16xi32>
        %swap3A_2119 = arith.constant 0 : i32
        %swap3A_2120 = arith.constant 3 : i32
        %swap3A_2121 = arith.index_cast %swap3A_2119 : i32 to index
        %swap3A_2122 = arith.index_cast %swap3A_2120 : i32 to index
        %swap3A_2123 = arith.constant 64 : index
        %swap3A_2124 = tpu.vector_load %arg5[%swap3A_2121, %swap3A_2122, %swap3A_2123] {strides = array<i32>} : memref<2x5x128xi32, #tpu.memory_space<vmem>>, vector<1x1x16xi32>,
        %swap3A_2125 = vector.shape_cast %swap3A_2124 : vector<1x1x16xi32> to vector<16xi32>
        %swap3A_2126 = vector.shape_cast %add3A_2118 : vector<16xi32> to vector<1x1x16xi32>
        tpu.vector_store %arg5[%swap3A_2121, %swap3A_2122, %swap3A_2123], %swap3A_2126 {strides = array<i32>} : memref<2x5x128xi32, #tpu.memory_space<vmem>>, vector<1x1x16xi32>,
        %get3A_2127 = arith.constant 0 : i32
        %get3A_2128 = arith.constant 3 : i32
        %get3A_2129 = arith.index_cast %get3A_2127 : i32 to index
        %get3A_2130 = arith.index_cast %get3A_2128 : i32 to index
        %get3A_2131 = arith.constant 80 : index
        %get3A_2132 = tpu.vector_load %arg5[%get3A_2129, %get3A_2130, %get3A_2131] {strides = array<i32>} : memref<2x5x128xi32, #tpu.memory_space<vmem>>, vector<1x1x16xi32>,
        %get3A_2133 = vector.shape_cast %get3A_2132 : vector<1x1x16xi32> to vector<16xi32>
        %add3A_2134 = arith.addi %get3A_2133, %mul3A_7 : vector<16xi32>
        %swap3A_2135 = arith.constant 0 : i32
        %swap3A_2136 = arith.constant 3 : i32
        %swap3A_2137 = arith.index_cast %swap3A_2135 : i32 to index
        %swap3A_2138 = arith.index_cast %swap3A_2136 : i32 to index
        %swap3A_2139 = arith.constant 80 : index
        %swap3A_2140 = tpu.vector_load %arg5[%swap3A_2137, %swap3A_2138, %swap3A_2139] {strides = array<i32>} : memref<2x5x128xi32, #tpu.memory_space<vmem>>, vector<1x1x16xi32>,
        %swap3A_2141 = vector.shape_cast %swap3A_2140 : vector<1x1x16xi32> to vector<16xi32>
        %swap3A_2142 = vector.shape_cast %add3A_2134 : vector<16xi32> to vector<1x1x16xi32>
        tpu.vector_store %arg5[%swap3A_2137, %swap3A_2138, %swap3A_2139], %swap3A_2142 {strides = array<i32>} : memref<2x5x128xi32, #tpu.memory_space<vmem>>, vector<1x1x16xi32>,
        %get3A_2143 = arith.constant 0 : i32
        %get3A_2144 = arith.constant 3 : i32
        %get3A_2145 = arith.index_cast %get3A_2143 : i32 to index
        %get3A_2146 = arith.index_cast %get3A_2144 : i32 to index
        %get3A_2147 = arith.constant 96 : index
        %get3A_2148 = tpu.vector_load %arg5[%get3A_2145, %get3A_2146, %get3A_2147] {strides = array<i32>} : memref<2x5x128xi32, #tpu.memory_space<vmem>>, vector<1x1x16xi32>,
        %get3A_2149 = vector.shape_cast %get3A_2148 : vector<1x1x16xi32> to vector<16xi32>
        %add3A_2150 = arith.addi %get3A_2149, %mul3A_7 : vector<16xi32>
        %swap3A_2151 = arith.constant 0 : i32
        %swap3A_2152 = arith.constant 3 : i32
        %swap3A_2153 = arith.index_cast %swap3A_2151 : i32 to index
        %swap3A_2154 = arith.index_cast %swap3A_2152 : i32 to index
        %swap3A_2155 = arith.constant 96 : index
        %swap3A_2156 = tpu.vector_load %arg5[%swap3A_2153, %swap3A_2154, %swap3A_2155] {strides = array<i32>} : memref<2x5x128xi32, #tpu.memory_space<vmem>>, vector<1x1x16xi32>,
        %swap3A_2157 = vector.shape_cast %swap3A_2156 : vector<1x1x16xi32> to vector<16xi32>
        %swap3A_2158 = vector.shape_cast %add3A_2150 : vector<16xi32> to vector<1x1x16xi32>
        tpu.vector_store %arg5[%swap3A_2153, %swap3A_2154, %swap3A_2155], %swap3A_2158 {strides = array<i32>} : memref<2x5x128xi32, #tpu.memory_space<vmem>>, vector<1x1x16xi32>,
        %get3A_2159 = arith.constant 0 : i32
        %get3A_2160 = arith.constant 3 : i32
        %get3A_2161 = arith.index_cast %get3A_2159 : i32 to index
        %get3A_2162 = arith.index_cast %get3A_2160 : i32 to index
        %get3A_2163 = arith.constant 112 : index
        %get3A_2164 = tpu.vector_load %arg5[%get3A_2161, %get3A_2162, %get3A_2163] {strides = array<i32>} : memref<2x5x128xi32, #tpu.memory_space<vmem>>, vector<1x1x16xi32>,
        %get3A_2165 = vector.shape_cast %get3A_2164 : vector<1x1x16xi32> to vector<16xi32>
        %add3A_2166 = arith.addi %get3A_2165, %mul3A_7 : vector<16xi32>
        %swap3A_2167 = arith.constant 0 : i32
        %swap3A_2168 = arith.constant 3 : i32
        %swap3A_2169 = arith.index_cast %swap3A_2167 : i32 to index
        %swap3A_2170 = arith.index_cast %swap3A_2168 : i32 to index
        %swap3A_2171 = arith.constant 112 : index
        %swap3A_2172 = tpu.vector_load %arg5[%swap3A_2169, %swap3A_2170, %swap3A_2171] {strides = array<i32>} : memref<2x5x128xi32, #tpu.memory_space<vmem>>, vector<1x1x16xi32>,
        %swap3A_2173 = vector.shape_cast %swap3A_2172 : vector<1x1x16xi32> to vector<16xi32>
        %swap3A_2174 = vector.shape_cast %add3A_2166 : vector<16xi32> to vector<1x1x16xi32>
        tpu.vector_store %arg5[%swap3A_2169, %swap3A_2170, %swap3A_2171], %swap3A_2174 {strides = array<i32>} : memref<2x5x128xi32, #tpu.memory_space<vmem>>, vector<1x1x16xi32>,
        %get3A_2175 = arith.constant 0 : i32
        %get3A_2176 = arith.constant 4 : i32
        %get3A_2177 = arith.index_cast %get3A_2175 : i32 to index
        %get3A_2178 = arith.index_cast %get3A_2176 : i32 to index
        %get3A_2179 = arith.constant 0 : index
        %get3A_2180 = tpu.vector_load %arg5[%get3A_2177, %get3A_2178, %get3A_2179] {strides = array<i32>} : memref<2x5x128xi32, #tpu.memory_space<vmem>>, vector<1x1x16xi32>,
        %get3A_2181 = vector.shape_cast %get3A_2180 : vector<1x1x16xi32> to vector<16xi32>
        %add3A_2182 = arith.addi %get3A_2181, %mul3A_7 : vector<16xi32>
        %swap3A_2183 = arith.constant 0 : i32
        %swap3A_2184 = arith.constant 4 : i32
        %swap3A_2185 = arith.index_cast %swap3A_2183 : i32 to index
        %swap3A_2186 = arith.index_cast %swap3A_2184 : i32 to index
        %swap3A_2187 = arith.constant 0 : index
        %swap3A_2188 = tpu.vector_load %arg5[%swap3A_2185, %swap3A_2186, %swap3A_2187] {strides = array<i32>} : memref<2x5x128xi32, #tpu.memory_space<vmem>>, vector<1x1x16xi32>,
        %swap3A_2189 = vector.shape_cast %swap3A_2188 : vector<1x1x16xi32> to vector<16xi32>
        %swap3A_2190 = vector.shape_cast %add3A_2182 : vector<16xi32> to vector<1x1x16xi32>
        tpu.vector_store %arg5[%swap3A_2185, %swap3A_2186, %swap3A_2187], %swap3A_2190 {strides = array<i32>} : memref<2x5x128xi32, #tpu.memory_space<vmem>>, vector<1x1x16xi32>,
        %get3A_2191 = arith.constant 0 : i32
        %get3A_2192 = arith.constant 4 : i32
        %get3A_2193 = arith.index_cast %get3A_2191 : i32 to index
        %get3A_2194 = arith.index_cast %get3A_2192 : i32 to index
        %get3A_2195 = arith.constant 16 : index
        %get3A_2196 = tpu.vector_load %arg5[%get3A_2193, %get3A_2194, %get3A_2195] {strides = array<i32>} : memref<2x5x128xi32, #tpu.memory_space<vmem>>, vector<1x1x16xi32>,
        %get3A_2197 = vector.shape_cast %get3A_2196 : vector<1x1x16xi32> to vector<16xi32>
        %add3A_2198 = arith.addi %get3A_2197, %mul3A_7 : vector<16xi32>
        %swap3A_2199 = arith.constant 0 : i32
        %swap3A_2200 = arith.constant 4 : i32
        %swap3A_2201 = arith.index_cast %swap3A_2199 : i32 to index
        %swap3A_2202 = arith.index_cast %swap3A_2200 : i32 to index
        %swap3A_2203 = arith.constant 16 : index
        %swap3A_2204 = tpu.vector_load %arg5[%swap3A_2201, %swap3A_2202, %swap3A_2203] {strides = array<i32>} : memref<2x5x128xi32, #tpu.memory_space<vmem>>, vector<1x1x16xi32>,
        %swap3A_2205 = vector.shape_cast %swap3A_2204 : vector<1x1x16xi32> to vector<16xi32>
        %swap3A_2206 = vector.shape_cast %add3A_2198 : vector<16xi32> to vector<1x1x16xi32>
        tpu.vector_store %arg5[%swap3A_2201, %swap3A_2202, %swap3A_2203], %swap3A_2206 {strides = array<i32>} : memref<2x5x128xi32, #tpu.memory_space<vmem>>, vector<1x1x16xi32>,
        %get3A_2207 = arith.constant 0 : i32
        %get3A_2208 = arith.constant 4 : i32
        %get3A_2209 = arith.index_cast %get3A_2207 : i32 to index
        %get3A_2210 = arith.index_cast %get3A_2208 : i32 to index
        %get3A_2211 = arith.constant 32 : index
        %get3A_2212 = tpu.vector_load %arg5[%get3A_2209, %get3A_2210, %get3A_2211] {strides = array<i32>} : memref<2x5x128xi32, #tpu.memory_space<vmem>>, vector<1x1x16xi32>,
        %get3A_2213 = vector.shape_cast %get3A_2212 : vector<1x1x16xi32> to vector<16xi32>
        %add3A_2214 = arith.addi %get3A_2213, %mul3A_7 : vector<16xi32>
        %swap3A_2215 = arith.constant 0 : i32
        %swap3A_2216 = arith.constant 4 : i32
        %swap3A_2217 = arith.index_cast %swap3A_2215 : i32 to index
        %swap3A_2218 = arith.index_cast %swap3A_2216 : i32 to index
        %swap3A_2219 = arith.constant 32 : index
        %swap3A_2220 = tpu.vector_load %arg5[%swap3A_2217, %swap3A_2218, %swap3A_2219] {strides = array<i32>} : memref<2x5x128xi32, #tpu.memory_space<vmem>>, vector<1x1x16xi32>,
        %swap3A_2221 = vector.shape_cast %swap3A_2220 : vector<1x1x16xi32> to vector<16xi32>
        %swap3A_2222 = vector.shape_cast %add3A_2214 : vector<16xi32> to vector<1x1x16xi32>
        tpu.vector_store %arg5[%swap3A_2217, %swap3A_2218, %swap3A_2219], %swap3A_2222 {strides = array<i32>} : memref<2x5x128xi32, #tpu.memory_space<vmem>>, vector<1x1x16xi32>,
        %get3A_2223 = arith.constant 0 : i32
        %get3A_2224 = arith.constant 4 : i32
        %get3A_2225 = arith.index_cast %get3A_2223 : i32 to index
        %get3A_2226 = arith.index_cast %get3A_2224 : i32 to index
        %get3A_2227 = arith.constant 48 : index
        %get3A_2228 = tpu.vector_load %arg5[%get3A_2225, %get3A_2226, %get3A_2227] {strides = array<i32>} : memref<2x5x128xi32, #tpu.memory_space<vmem>>, vector<1x1x16xi32>,
        %get3A_2229 = vector.shape_cast %get3A_2228 : vector<1x1x16xi32> to vector<16xi32>
        %add3A_2230 = arith.addi %get3A_2229, %mul3A_7 : vector<16xi32>
        %swap3A_2231 = arith.constant 0 : i32
        %swap3A_2232 = arith.constant 4 : i32
        %swap3A_2233 = arith.index_cast %swap3A_2231 : i32 to index
        %swap3A_2234 = arith.index_cast %swap3A_2232 : i32 to index
        %swap3A_2235 = arith.constant 48 : index
        %swap3A_2236 = tpu.vector_load %arg5[%swap3A_2233, %swap3A_2234, %swap3A_2235] {strides = array<i32>} : memref<2x5x128xi32, #tpu.memory_space<vmem>>, vector<1x1x16xi32>,
        %swap3A_2237 = vector.shape_cast %swap3A_2236 : vector<1x1x16xi32> to vector<16xi32>
        %swap3A_2238 = vector.shape_cast %add3A_2230 : vector<16xi32> to vector<1x1x16xi32>
        tpu.vector_store %arg5[%swap3A_2233, %swap3A_2234, %swap3A_2235], %swap3A_2238 {strides = array<i32>} : memref<2x5x128xi32, #tpu.memory_space<vmem>>, vector<1x1x16xi32>,
        %get3A_2239 = arith.constant 0 : i32
        %get3A_2240 = arith.constant 4 : i32
        %get3A_2241 = arith.index_cast %get3A_2239 : i32 to index
        %get3A_2242 = arith.index_cast %get3A_2240 : i32 to index
        %get3A_2243 = arith.constant 64 : index
        %get3A_2244 = tpu.vector_load %arg5[%get3A_2241, %get3A_2242, %get3A_2243] {strides = array<i32>} : memref<2x5x128xi32, #tpu.memory_space<vmem>>, vector<1x1x16xi32>,
        %get3A_2245 = vector.shape_cast %get3A_2244 : vector<1x1x16xi32> to vector<16xi32>
        %add3A_2246 = arith.addi %get3A_2245, %mul3A_7 : vector<16xi32>
        %swap3A_2247 = arith.constant 0 : i32
        %swap3A_2248 = arith.constant 4 : i32
        %swap3A_2249 = arith.index_cast %swap3A_2247 : i32 to index
        %swap3A_2250 = arith.index_cast %swap3A_2248 : i32 to index
        %swap3A_2251 = arith.constant 64 : index
        %swap3A_2252 = tpu.vector_load %arg5[%swap3A_2249, %swap3A_2250, %swap3A_2251] {strides = array<i32>} : memref<2x5x128xi32, #tpu.memory_space<vmem>>, vector<1x1x16xi32>,
        %swap3A_2253 = vector.shape_cast %swap3A_2252 : vector<1x1x16xi32> to vector<16xi32>
        %swap3A_2254 = vector.shape_cast %add3A_2246 : vector<16xi32> to vector<1x1x16xi32>
        tpu.vector_store %arg5[%swap3A_2249, %swap3A_2250, %swap3A_2251], %swap3A_2254 {strides = array<i32>} : memref<2x5x128xi32, #tpu.memory_space<vmem>>, vector<1x1x16xi32>,
        %get3A_2255 = arith.constant 0 : i32
        %get3A_2256 = arith.constant 4 : i32
        %get3A_2257 = arith.index_cast %get3A_2255 : i32 to index
        %get3A_2258 = arith.index_cast %get3A_2256 : i32 to index
        %get3A_2259 = arith.constant 80 : index
        %get3A_2260 = tpu.vector_load %arg5[%get3A_2257, %get3A_2258, %get3A_2259] {strides = array<i32>} : memref<2x5x128xi32, #tpu.memory_space<vmem>>, vector<1x1x16xi32>,
        %get3A_2261 = vector.shape_cast %get3A_2260 : vector<1x1x16xi32> to vector<16xi32>
        %add3A_2262 = arith.addi %get3A_2261, %mul3A_7 : vector<16xi32>
        %swap3A_2263 = arith.constant 0 : i32
        %swap3A_2264 = arith.constant 4 : i32
        %swap3A_2265 = arith.index_cast %swap3A_2263 : i32 to index
        %swap3A_2266 = arith.index_cast %swap3A_2264 : i32 to index
        %swap3A_2267 = arith.constant 80 : index
        %swap3A_2268 = tpu.vector_load %arg5[%swap3A_2265, %swap3A_2266, %swap3A_2267] {strides = array<i32>} : memref<2x5x128xi32, #tpu.memory_space<vmem>>, vector<1x1x16xi32>,
        %swap3A_2269 = vector.shape_cast %swap3A_2268 : vector<1x1x16xi32> to vector<16xi32>
        %swap3A_2270 = vector.shape_cast %add3A_2262 : vector<16xi32> to vector<1x1x16xi32>
        tpu.vector_store %arg5[%swap3A_2265, %swap3A_2266, %swap3A_2267], %swap3A_2270 {strides = array<i32>} : memref<2x5x128xi32, #tpu.memory_space<vmem>>, vector<1x1x16xi32>,
        %get3A_2271 = arith.constant 0 : i32
        %get3A_2272 = arith.constant 4 : i32
        %get3A_2273 = arith.index_cast %get3A_2271 : i32 to index
        %get3A_2274 = arith.index_cast %get3A_2272 : i32 to index
        %get3A_2275 = arith.constant 96 : index
        %get3A_2276 = tpu.vector_load %arg5[%get3A_2273, %get3A_2274, %get3A_2275] {strides = array<i32>} : memref<2x5x128xi32, #tpu.memory_space<vmem>>, vector<1x1x16xi32>,
        %get3A_2277 = vector.shape_cast %get3A_2276 : vector<1x1x16xi32> to vector<16xi32>
        %add3A_2278 = arith.addi %get3A_2277, %mul3A_7 : vector<16xi32>
        %swap3A_2279 = arith.constant 0 : i32
        %swap3A_2280 = arith.constant 4 : i32
        %swap3A_2281 = arith.index_cast %swap3A_2279 : i32 to index
        %swap3A_2282 = arith.index_cast %swap3A_2280 : i32 to index
        %swap3A_2283 = arith.constant 96 : index
        %swap3A_2284 = tpu.vector_load %arg5[%swap3A_2281, %swap3A_2282, %swap3A_2283] {strides = array<i32>} : memref<2x5x128xi32, #tpu.memory_space<vmem>>, vector<1x1x16xi32>,
        %swap3A_2285 = vector.shape_cast %swap3A_2284 : vector<1x1x16xi32> to vector<16xi32>
        %swap3A_2286 = vector.shape_cast %add3A_2278 : vector<16xi32> to vector<1x1x16xi32>
        tpu.vector_store %arg5[%swap3A_2281, %swap3A_2282, %swap3A_2283], %swap3A_2286 {strides = array<i32>} : memref<2x5x128xi32, #tpu.memory_space<vmem>>, vector<1x1x16xi32>,
        %get3A_2287 = arith.constant 0 : i32
        %get3A_2288 = arith.constant 4 : i32
        %get3A_2289 = arith.index_cast %get3A_2287 : i32 to index
        %get3A_2290 = arith.index_cast %get3A_2288 : i32 to index
        %get3A_2291 = arith.constant 112 : index
        %get3A_2292 = tpu.vector_load %arg5[%get3A_2289, %get3A_2290, %get3A_2291] {strides = array<i32>} : memref<2x5x128xi32, #tpu.memory_space<vmem>>, vector<1x1x16xi32>,
        %get3A_2293 = vector.shape_cast %get3A_2292 : vector<1x1x16xi32> to vector<16xi32>
        %add3A_2294 = arith.addi %get3A_2293, %mul3A_7 : vector<16xi32>
        %swap3A_2295 = arith.constant 0 : i32
        %swap3A_2296 = arith.constant 4 : i32
        %swap3A_2297 = arith.index_cast %swap3A_2295 : i32 to index
        %swap3A_2298 = arith.index_cast %swap3A_2296 : i32 to index
        %swap3A_2299 = arith.constant 112 : index
        %swap3A_2300 = tpu.vector_load %arg5[%swap3A_2297, %swap3A_2298, %swap3A_2299] {strides = array<i32>} : memref<2x5x128xi32, #tpu.memory_space<vmem>>, vector<1x1x16xi32>,
        %swap3A_2301 = vector.shape_cast %swap3A_2300 : vector<1x1x16xi32> to vector<16xi32>
        %swap3A_2302 = vector.shape_cast %add3A_2294 : vector<16xi32> to vector<1x1x16xi32>
        tpu.vector_store %arg5[%swap3A_2297, %swap3A_2298, %swap3A_2299], %swap3A_2302 {strides = array<i32>} : memref<2x5x128xi32, #tpu.memory_space<vmem>>, vector<1x1x16xi32>,
        %dma_start3A_2303 = arith.constant 0 : i32
        %dma_start3A_2304 = arith.constant 0 : i32
        %dma_start3A_2305 = arith.constant 0 : i32
        %dma_start3A_2306 = arith.constant 0 : i32
        %dma_start3A_2307 = arith.constant 0 : i32
        %dma_start3A_2308 = tpu.memref_slice %arg6[%dma_start3A_2305, %dma_start3A_2306, %dma_start3A_2307] : memref<2x640x64xf32, #tpu.memory_space<vmem>> -> memref<1x128x64xf32, #tpu.memory_space<vmem>>
        %dma_start3A_2309 = tpu.memref_squeeze %dma_start3A_2308 : memref<1x128x64xf32, #tpu.memory_space<vmem>> -> memref<128x64xf32, #tpu.memory_space<vmem>>
        %dma_start3A_2310 = arith.constant 0 : i32
        %dma_start3A_2311 = arith.constant 0 : i32
        %dma_start3A_2312 = tpu.memref_slice %arg5[%dma_start3A_2303, %dma_start3A_2310, %dma_start3A_2311] : memref<2x5x128xi32, #tpu.memory_space<vmem>> -> memref<1x5x128xi32, #tpu.memory_space<vmem>>
        %dma_start3A_2313 = tpu.memref_squeeze %dma_start3A_2312 : memref<1x5x128xi32, #tpu.memory_space<vmem>> -> memref<5x128xi32, #tpu.memory_space<vmem>>
        %dma_start3A_2314 = arith.constant 0 : i32
        %dma_start3A_2315 = tpu.memref_slice %dma_start3A_2313[%dma_start3A_2304, %dma_start3A_2314] : memref<5x128xi32, #tpu.memory_space<vmem>> -> memref<1x128xi32, #tpu.memory_space<vmem>>
        %dma_start3A_2316 = tpu.memref_squeeze %dma_start3A_2315 : memref<1x128xi32, #tpu.memory_space<vmem>> -> memref<128xi32, #tpu.memory_space<vmem>>
        %dma_start3A_2317 = arith.constant 0 : i32
        %dma_start3A_2318 = arith.constant 0 : i32
        %dma_start3A_2319 = tpu.memref_slice %arg3[%dma_start3A_2317, %dma_start3A_2318] : memref<800000x64xf32, #tpu.memory_space<hbm>> -> memref<800000x64xf32, #tpu.memory_space<hbm>>
        tpu.enqueue_indirect_dma source(%dma_start3A_2319 : memref<800000x64xf32, #tpu.memory_space<hbm>>) target(%dma_start3A_2309 : memref<128x64xf32, #tpu.memory_space<vmem>>) offsets(%dma_start3A_2316 : memref<128xi32, #tpu.memory_space<vmem>>) semaphore(%arg7 : memref<!tpu.dma_semaphore, #tpu.memory_space<semaphore_mem>>)
        %dma_start3A_2320 = arith.constant 0 : i32
        %dma_start3A_2321 = arith.constant 1 : i32
        %dma_start3A_2322 = arith.constant 0 : i32
        %dma_start3A_2323 = arith.constant 128 : i32
        %dma_start3A_2324 = arith.constant 0 : i32
        %dma_start3A_2325 = tpu.memref_slice %arg6[%dma_start3A_2322, %dma_start3A_2323, %dma_start3A_2324] : memref<2x640x64xf32, #tpu.memory_space<vmem>> -> memref<1x128x64xf32, #tpu.memory_space<vmem>>
        %dma_start3A_2326 = tpu.memref_squeeze %dma_start3A_2325 : memref<1x128x64xf32, #tpu.memory_space<vmem>> -> memref<128x64xf32, #tpu.memory_space<vmem>>
        %dma_start3A_2327 = arith.constant 0 : i32
        %dma_start3A_2328 = arith.constant 0 : i32
        %dma_start3A_2329 = tpu.memref_slice %arg5[%dma_start3A_2320, %dma_start3A_2327, %dma_start3A_2328] : memref<2x5x128xi32, #tpu.memory_space<vmem>> -> memref<1x5x128xi32, #tpu.memory_space<vmem>>
        %dma_start3A_2330 = tpu.memref_squeeze %dma_start3A_2329 : memref<1x5x128xi32, #tpu.memory_space<vmem>> -> memref<5x128xi32, #tpu.memory_space<vmem>>
        %dma_start3A_2331 = arith.constant 0 : i32
        %dma_start3A_2332 = tpu.memref_slice %dma_start3A_2330[%dma_start3A_2321, %dma_start3A_2331] : memref<5x128xi32, #tpu.memory_space<vmem>> -> memref<1x128xi32, #tpu.memory_space<vmem>>
        %dma_start3A_2333 = tpu.memref_squeeze %dma_start3A_2332 : memref<1x128xi32, #tpu.memory_space<vmem>> -> memref<128xi32, #tpu.memory_space<vmem>>
        %dma_start3A_2334 = arith.constant 0 : i32
        %dma_start3A_2335 = arith.constant 0 : i32
        %dma_start3A_2336 = tpu.memref_slice %arg3[%dma_start3A_2334, %dma_start3A_2335] : memref<800000x64xf32, #tpu.memory_space<hbm>> -> memref<800000x64xf32, #tpu.memory_space<hbm>>
        tpu.enqueue_indirect_dma source(%dma_start3A_2336 : memref<800000x64xf32, #tpu.memory_space<hbm>>) target(%dma_start3A_2326 : memref<128x64xf32, #tpu.memory_space<vmem>>) offsets(%dma_start3A_2333 : memref<128xi32, #tpu.memory_space<vmem>>) semaphore(%arg7 : memref<!tpu.dma_semaphore, #tpu.memory_space<semaphore_mem>>)
        %dma_start3A_2337 = arith.constant 0 : i32
        %dma_start3A_2338 = arith.constant 2 : i32
        %dma_start3A_2339 = arith.constant 0 : i32
        %dma_start3A_2340 = arith.constant 256 : i32
        %dma_start3A_2341 = arith.constant 0 : i32
        %dma_start3A_2342 = tpu.memref_slice %arg6[%dma_start3A_2339, %dma_start3A_2340, %dma_start3A_2341] : memref<2x640x64xf32, #tpu.memory_space<vmem>> -> memref<1x128x64xf32, #tpu.memory_space<vmem>>
        %dma_start3A_2343 = tpu.memref_squeeze %dma_start3A_2342 : memref<1x128x64xf32, #tpu.memory_space<vmem>> -> memref<128x64xf32, #tpu.memory_space<vmem>>
        %dma_start3A_2344 = arith.constant 0 : i32
        %dma_start3A_2345 = arith.constant 0 : i32
        %dma_start3A_2346 = tpu.memref_slice %arg5[%dma_start3A_2337, %dma_start3A_2344, %dma_start3A_2345] : memref<2x5x128xi32, #tpu.memory_space<vmem>> -> memref<1x5x128xi32, #tpu.memory_space<vmem>>
        %dma_start3A_2347 = tpu.memref_squeeze %dma_start3A_2346 : memref<1x5x128xi32, #tpu.memory_space<vmem>> -> memref<5x128xi32, #tpu.memory_space<vmem>>
        %dma_start3A_2348 = arith.constant 0 : i32
        %dma_start3A_2349 = tpu.memref_slice %dma_start3A_2347[%dma_start3A_2338, %dma_start3A_2348] : memref<5x128xi32, #tpu.memory_space<vmem>> -> memref<1x128xi32, #tpu.memory_space<vmem>>
        %dma_start3A_2350 = tpu.memref_squeeze %dma_start3A_2349 : memref<1x128xi32, #tpu.memory_space<vmem>> -> memref<128xi32, #tpu.memory_space<vmem>>
        %dma_start3A_2351 = arith.constant 0 : i32
        %dma_start3A_2352 = arith.constant 0 : i32
        %dma_start3A_2353 = tpu.memref_slice %arg3[%dma_start3A_2351, %dma_start3A_2352] : memref<800000x64xf32, #tpu.memory_space<hbm>> -> memref<800000x64xf32, #tpu.memory_space<hbm>>
        tpu.enqueue_indirect_dma source(%dma_start3A_2353 : memref<800000x64xf32, #tpu.memory_space<hbm>>) target(%dma_start3A_2343 : memref<128x64xf32, #tpu.memory_space<vmem>>) offsets(%dma_start3A_2350 : memref<128xi32, #tpu.memory_space<vmem>>) semaphore(%arg7 : memref<!tpu.dma_semaphore, #tpu.memory_space<semaphore_mem>>)
        %dma_start3A_2354 = arith.constant 0 : i32
        %dma_start3A_2355 = arith.constant 3 : i32
        %dma_start3A_2356 = arith.constant 0 : i32
        %dma_start3A_2357 = arith.constant 384 : i32
        %dma_start3A_2358 = arith.constant 0 : i32
        %dma_start3A_2359 = tpu.memref_slice %arg6[%dma_start3A_2356, %dma_start3A_2357, %dma_start3A_2358] : memref<2x640x64xf32, #tpu.memory_space<vmem>> -> memref<1x128x64xf32, #tpu.memory_space<vmem>>
        %dma_start3A_2360 = tpu.memref_squeeze %dma_start3A_2359 : memref<1x128x64xf32, #tpu.memory_space<vmem>> -> memref<128x64xf32, #tpu.memory_space<vmem>>
        %dma_start3A_2361 = arith.constant 0 : i32
        %dma_start3A_2362 = arith.constant 0 : i32
        %dma_start3A_2363 = tpu.memref_slice %arg5[%dma_start3A_2354, %dma_start3A_2361, %dma_start3A_2362] : memref<2x5x128xi32, #tpu.memory_space<vmem>> -> memref<1x5x128xi32, #tpu.memory_space<vmem>>
        %dma_start3A_2364 = tpu.memref_squeeze %dma_start3A_2363 : memref<1x5x128xi32, #tpu.memory_space<vmem>> -> memref<5x128xi32, #tpu.memory_space<vmem>>
        %dma_start3A_2365 = arith.constant 0 : i32
        %dma_start3A_2366 = tpu.memref_slice %dma_start3A_2364[%dma_start3A_2355, %dma_start3A_2365] : memref<5x128xi32, #tpu.memory_space<vmem>> -> memref<1x128xi32, #tpu.memory_space<vmem>>
        %dma_start3A_2367 = tpu.memref_squeeze %dma_start3A_2366 : memref<1x128xi32, #tpu.memory_space<vmem>> -> memref<128xi32, #tpu.memory_space<vmem>>
        %dma_start3A_2368 = arith.constant 0 : i32
        %dma_start3A_2369 = arith.constant 0 : i32
        %dma_start3A_2370 = tpu.memref_slice %arg3[%dma_start3A_2368, %dma_start3A_2369] : memref<800000x64xf32, #tpu.memory_space<hbm>> -> memref<800000x64xf32, #tpu.memory_space<hbm>>
        tpu.enqueue_indirect_dma source(%dma_start3A_2370 : memref<800000x64xf32, #tpu.memory_space<hbm>>) target(%dma_start3A_2360 : memref<128x64xf32, #tpu.memory_space<vmem>>) offsets(%dma_start3A_2367 : memref<128xi32, #tpu.memory_space<vmem>>) semaphore(%arg7 : memref<!tpu.dma_semaphore, #tpu.memory_space<semaphore_mem>>)
        %dma_start3A_2371 = arith.constant 0 : i32
        %dma_start3A_2372 = arith.constant 4 : i32
        %dma_start3A_2373 = arith.constant 0 : i32
        %dma_start3A_2374 = arith.constant 512 : i32
        %dma_start3A_2375 = arith.constant 0 : i32
        %dma_start3A_2376 = tpu.memref_slice %arg6[%dma_start3A_2373, %dma_start3A_2374, %dma_start3A_2375] : memref<2x640x64xf32, #tpu.memory_space<vmem>> -> memref<1x128x64xf32, #tpu.memory_space<vmem>>
        %dma_start3A_2377 = tpu.memref_squeeze %dma_start3A_2376 : memref<1x128x64xf32, #tpu.memory_space<vmem>> -> memref<128x64xf32, #tpu.memory_space<vmem>>
        %dma_start3A_2378 = arith.constant 0 : i32
        %dma_start3A_2379 = arith.constant 0 : i32
        %dma_start3A_2380 = tpu.memref_slice %arg5[%dma_start3A_2371, %dma_start3A_2378, %dma_start3A_2379] : memref<2x5x128xi32, #tpu.memory_space<vmem>> -> memref<1x5x128xi32, #tpu.memory_space<vmem>>
        %dma_start3A_2381 = tpu.memref_squeeze %dma_start3A_2380 : memref<1x5x128xi32, #tpu.memory_space<vmem>> -> memref<5x128xi32, #tpu.memory_space<vmem>>
        %dma_start3A_2382 = arith.constant 0 : i32
        %dma_start3A_2383 = tpu.memref_slice %dma_start3A_2381[%dma_start3A_2372, %dma_start3A_2382] : memref<5x128xi32, #tpu.memory_space<vmem>> -> memref<1x128xi32, #tpu.memory_space<vmem>>
        %dma_start3A_2384 = tpu.memref_squeeze %dma_start3A_2383 : memref<1x128xi32, #tpu.memory_space<vmem>> -> memref<128xi32, #tpu.memory_space<vmem>>
        %dma_start3A_2385 = arith.constant 0 : i32
        %dma_start3A_2386 = arith.constant 0 : i32
        %dma_start3A_2387 = tpu.memref_slice %arg3[%dma_start3A_2385, %dma_start3A_2386] : memref<800000x64xf32, #tpu.memory_space<hbm>> -> memref<800000x64xf32, #tpu.memory_space<hbm>>
        tpu.enqueue_indirect_dma source(%dma_start3A_2387 : memref<800000x64xf32, #tpu.memory_space<hbm>>) target(%dma_start3A_2377 : memref<128x64xf32, #tpu.memory_space<vmem>>) offsets(%dma_start3A_2384 : memref<128xi32, #tpu.memory_space<vmem>>) semaphore(%arg7 : memref<!tpu.dma_semaphore, #tpu.memory_space<semaphore_mem>>)
      } else {
      }
      %dma_wait3A_1582 = arith.constant 1 : i32
      %dma_wait3A_1583 = arith.constant 0 : i32
      %dma_wait3A_1584 = arith.constant 0 : i32
      %dma_wait3A_1585 = tpu.memref_slice %arg6[%dma_wait3A_1582, %dma_wait3A_1583, %dma_wait3A_1584] : memref<2x640x64xf32, #tpu.memory_space<vmem>> -> memref<1x640x64xf32, #tpu.memory_space<vmem>>
      %dma_wait3A_1586 = tpu.memref_squeeze %dma_wait3A_1585 : memref<1x640x64xf32, #tpu.memory_space<vmem>> -> memref<640x64xf32, #tpu.memory_space<vmem>>
      %dma_wait3A_1587 = arith.constant 0 : i32
      %dma_wait3A_1588 = arith.constant 0 : i32
      %dma_wait3A_1589 = tpu.memref_slice %arg3[%dma_wait3A_1587, %dma_wait3A_1588] : memref<800000x64xf32, #tpu.memory_space<hbm>> -> memref<640x64xf32, #tpu.memory_space<hbm>>
      %dma_wait3A_1590 = arith.constant 0 : i32
      %dma_wait3A_1591 = arith.constant 0 : i32
      %dma_wait3A_1592 = tpu.memref_slice %arg6[%dma_wait3A_1582, %dma_wait3A_1590, %dma_wait3A_1591] : memref<2x640x64xf32, #tpu.memory_space<vmem>> -> memref<1x640x64xf32, #tpu.memory_space<vmem>>
      %dma_wait3A_1593 = tpu.memref_squeeze %dma_wait3A_1592 : memref<1x640x64xf32, #tpu.memory_space<vmem>> -> memref<640x64xf32, #tpu.memory_space<vmem>>
      %dma_wait3A_1594 = arith.constant 0 : i32
      %dma_wait3A_1595 = arith.constant 0 : i32
      %dma_wait3A_1596 = tpu.memref_slice %arg3[%dma_wait3A_1594, %dma_wait3A_1595] : memref<800000x64xf32, #tpu.memory_space<hbm>> -> memref<640x64xf32, #tpu.memory_space<hbm>>
      tpu.wait_dma2 semaphore(%arg8 : memref<!tpu.dma_semaphore, #tpu.memory_space<semaphore_mem>>) src(%dma_wait3A_1596 : memref<640x64xf32, #tpu.memory_space<hbm>>) dst(%dma_wait3A_1593 : memref<640x64xf32, #tpu.memory_space<vmem>>)
      %add3A_1597 = arith.constant 1 : i32
      %add3A_1598 = arith.addi %mul3A_786, %add3A_1597 : i32
      %mul3A_1599 = arith.constant 640 : i32
      %mul3A_1600 = arith.muli %add3A_1598, %mul3A_1599 : i32
      %add3A_1601 = arith.addi %mul3A_2, %mul3A_1600 : i32
      %multiple_of3A_1602 = tpu.assume_multiple %add3A_1601, 640 : i32
      %dma_start3A_1603 = arith.constant 1 : i32
      %dma_start3A_1604 = arith.constant 0 : i32
      %dma_start3A_1605 = arith.constant 0 : i32
      %dma_start3A_1606 = tpu.memref_slice %arg6[%dma_start3A_1603, %dma_start3A_1604, %dma_start3A_1605] : memref<2x640x64xf32, #tpu.memory_space<vmem>> -> memref<1x640x64xf32, #tpu.memory_space<vmem>>
      %dma_start3A_1607 = tpu.memref_squeeze %dma_start3A_1606 : memref<1x640x64xf32, #tpu.memory_space<vmem>> -> memref<640x64xf32, #tpu.memory_space<vmem>>
      %dma_start3A_1608 = arith.constant 0 : i32
      %dma_start3A_1609 = tpu.memref_slice %arg4[%multiple_of3A_1602, %dma_start3A_1608] : memref<1638400x64xf32, #tpu.memory_space<hbm>> -> memref<640x64xf32, #tpu.memory_space<hbm>>
      %dma_start3A_1610 = arith.constant 0 : i32
      %dma_start3A_1611 = tpu.memref_slice %arg4[%multiple_of3A_1602, %dma_start3A_1610] : memref<1638400x64xf32, #tpu.memory_space<hbm>> -> memref<640x64xf32, #tpu.memory_space<hbm>>
      %dma_start3A_1612 = arith.constant 0 : i32
      %dma_start3A_1613 = arith.constant 0 : i32
      %dma_start3A_1614 = tpu.memref_slice %arg6[%dma_start3A_1603, %dma_start3A_1612, %dma_start3A_1613] : memref<2x640x64xf32, #tpu.memory_space<vmem>> -> memref<1x640x64xf32, #tpu.memory_space<vmem>>
      %dma_start3A_1615 = tpu.memref_squeeze %dma_start3A_1614 : memref<1x640x64xf32, #tpu.memory_space<vmem>> -> memref<640x64xf32, #tpu.memory_space<vmem>>
      tpu.enqueue_dma source(%dma_start3A_1615 : memref<640x64xf32, #tpu.memory_space<vmem>>) target(%dma_start3A_1611 : memref<640x64xf32, #tpu.memory_space<hbm>>) target_semaphore(%arg10 : memref<!tpu.dma_semaphore, #tpu.memory_space<semaphore_mem>>)
    }
    %scan3A_754 = arith.constant 40 : i32
    %dma_wait3A = arith.constant 0 : i32
    %dma_wait3A_755 = arith.constant 0 : i32
    %dma_wait3A_756 = arith.constant 0 : i32
    %dma_wait3A_757 = tpu.memref_slice %arg6[%dma_wait3A, %dma_wait3A_755, %dma_wait3A_756] : memref<2x640x64xf32, #tpu.memory_space<vmem>> -> memref<1x640x64xf32, #tpu.memory_space<vmem>>
    %dma_wait3A_758 = tpu.memref_squeeze %dma_wait3A_757 : memref<1x640x64xf32, #tpu.memory_space<vmem>> -> memref<640x64xf32, #tpu.memory_space<vmem>>
    %dma_wait3A_759 = arith.constant 0 : i32
    %dma_wait3A_760 = arith.constant 0 : i32
    %dma_wait3A_761 = tpu.memref_slice %arg4[%dma_wait3A_759, %dma_wait3A_760] : memref<1638400x64xf32, #tpu.memory_space<hbm>> -> memref<640x64xf32, #tpu.memory_space<hbm>>
    %dma_wait3A_762 = arith.constant 0 : i32
    %dma_wait3A_763 = arith.constant 0 : i32
    %dma_wait3A_764 = tpu.memref_slice %arg4[%dma_wait3A_762, %dma_wait3A_763] : memref<1638400x64xf32, #tpu.memory_space<hbm>> -> memref<640x64xf32, #tpu.memory_space<hbm>>
    %dma_wait3A_765 = arith.constant 0 : i32
    %dma_wait3A_766 = arith.constant 0 : i32
    %dma_wait3A_767 = tpu.memref_slice %arg6[%dma_wait3A, %dma_wait3A_765, %dma_wait3A_766] : memref<2x640x64xf32, #tpu.memory_space<vmem>> -> memref<1x640x64xf32, #tpu.memory_space<vmem>>
    %dma_wait3A_768 = tpu.memref_squeeze %dma_wait3A_767 : memref<1x640x64xf32, #tpu.memory_space<vmem>> -> memref<640x64xf32, #tpu.memory_space<vmem>>
    tpu.wait_dma2 semaphore(%arg9 : memref<!tpu.dma_semaphore, #tpu.memory_space<semaphore_mem>>) src(%dma_wait3A_768 : memref<640x64xf32, #tpu.memory_space<vmem>>) dst(%dma_wait3A_764 : memref<640x64xf32, #tpu.memory_space<hbm>>)
    %dma_wait3A_769 = arith.constant 1 : i32
    %dma_wait3A_770 = arith.constant 0 : i32
    %dma_wait3A_771 = arith.constant 0 : i32
    %dma_wait3A_772 = tpu.memref_slice %arg6[%dma_wait3A_769, %dma_wait3A_770, %dma_wait3A_771] : memref<2x640x64xf32, #tpu.memory_space<vmem>> -> memref<1x640x64xf32, #tpu.memory_space<vmem>>
    %dma_wait3A_773 = tpu.memref_squeeze %dma_wait3A_772 : memref<1x640x64xf32, #tpu.memory_space<vmem>> -> memref<640x64xf32, #tpu.memory_space<vmem>>
    %dma_wait3A_774 = arith.constant 0 : i32
    %dma_wait3A_775 = arith.constant 0 : i32
    %dma_wait3A_776 = tpu.memref_slice %arg4[%dma_wait3A_774, %dma_wait3A_775] : memref<1638400x64xf32, #tpu.memory_space<hbm>> -> memref<640x64xf32, #tpu.memory_space<hbm>>
    %dma_wait3A_777 = arith.constant 0 : i32
    %dma_wait3A_778 = arith.constant 0 : i32
    %dma_wait3A_779 = tpu.memref_slice %arg4[%dma_wait3A_777, %dma_wait3A_778] : memref<1638400x64xf32, #tpu.memory_space<hbm>> -> memref<640x64xf32, #tpu.memory_space<hbm>>
    %dma_wait3A_780 = arith.constant 0 : i32
    %dma_wait3A_781 = arith.constant 0 : i32
    %dma_wait3A_782 = tpu.memref_slice %arg6[%dma_wait3A_769, %dma_wait3A_780, %dma_wait3A_781] : memref<2x640x64xf32, #tpu.memory_space<vmem>> -> memref<1x640x64xf32, #tpu.memory_space<vmem>>
    %dma_wait3A_783 = tpu.memref_squeeze %dma_wait3A_782 : memref<1x640x64xf32, #tpu.memory_space<vmem>> -> memref<640x64xf32, #tpu.memory_space<vmem>>
    tpu.wait_dma2 semaphore(%arg10 : memref<!tpu.dma_semaphore, #tpu.memory_space<semaphore_mem>>) src(%dma_wait3A_783 : memref<640x64xf32, #tpu.memory_space<vmem>>) dst(%dma_wait3A_779 : memref<640x64xf32, #tpu.memory_space<hbm>>)
    return
  }
}

</mosaic_0001>

<sc_bundles>
// kernel: kernel.3.cloned.1.call-start
scs
__scs_entry_jumppad:
0x0: {  	(pc) =	sbr.rel $0x88, $3  }
0x1: {  	(tag) =	ssettag $0x0;
	lr =	simm.s32 $0x1  }
0x2: {  	[smem:$0x3F9F] =	sst lr;
	_ =	strace $0xD0000000  }
0x3: {  	_ = 	snop  }
0x4: {  	_ = 	snop  }
0x5: {  	_ = 	snop  }
0x6: {  	_ = 	snop  }
0x7: {  	_ = 	snop  }
__scs_overlays_trampoline_lowered:
0x8: {  	[smem:$0x3FAE] =	sst s0  }
0x9: {  	[smem:$0x3FAF] =	sst s1  }
0xa: {  	[smem:$0x3FB0] =	sst s2  }
0xb: {  	[smem:$0x3FB1] =	sst s3  }
0xc: {  	[smem:$0x3FB2] =	sst s4  }
0xd: {  	[smem:$0x3FB3] =	sst s5  }
0xe: {  	[smem:$0x3FB4] =	sst s6  }
0xf: {  	[smem:$0x3FB5] =	sst s7  }
0x10: {  	[smem:$0x3FB6] =	sst s8  }
0x11: {  	[smem:$0x3FB7] =	sst s9;
	s0 =	simm.s32 @!p0 $0x0  }
0x12: {  	s1 =	sld [smem:$0x3F9D];
	s0 =	simm.s32 @p0 $0x1  }
0x13: {  	[smem:$0x3FB8] =	sst s0;
	s0 =	simm.s32 @!p1 $0x0  }
0x14: {  	s2 =	sld [smem:$0x3F9C];
	s0 =	simm.s32 @p1 $0x1  }
0x15: {  	[smem:$0x3FB9] =	sst s0;
	s0 =	simm.s32 @!p2 $0x0  }
0x16: {  	s3 =	sld [smem:$0x3FDB];
	s0 =	simm.s32 @p2 $0x1  }
0x17: {  	s4 =	simm.s32 $0x1BF5;
	[smem:$0x3FBB] =	sst s0  }
0x18: {  	s0 =	sld [smem:$0x3F9E];
	_ =	swait.ge [sflag:s4], $0x0  }
0x19: {  	s7 =	sld [smem:$0x3F9F]  }
0x1a: {  	s8 =	sadd.s32 $0xFFFFE003, lr  }
0x1b: {  	s9 =	sadd.s32 $0xFFFFFEF7, lr;
	s5 =	simm.s32 $0xFFFFFFFF;
	p2 =	slt.u32 s8, $0xFFFFF086  }
0x1c: {  	p1 =	slt.u32 s9, $0xF7A;
	s5 =	simm.s32 @!p2 $0x0  }
0x1d: {  	s5 =	simm.s32 @p1 $0x1;
	p0 =	seq.s32 s7, s2  }
0x1e: {  	s7 =	smul.u32 @!p0 $0xF7A, s2;
	p2 =	seq.s32 @!p0 s5, $0x0  }
0x1f: {  	s9 =	smul.u32 $0xF7A, s1;
	s8 =	simm.s32 @!p0 $0x1BF5;
	p2 =	por !p2, p0  }
0x20: {  	[sflag:s8] =	ssyncset.s32 @!p0 $0xFFFFF086;
	s6 =	sadd.s32 @!p0 s3, s7;
	s7 =	simm.s32 @!p0 $0x108  }
0x21: {  	s3 =	sadd.s32 s3, s9;
	s6 =	sadd.s32 @!p0 $0x88, s6;
	s7 =	simm.s32 @p2 $0x1082  }
0x22: {  	[simem:s7], [sflag:s8] =	dma.local @!p0 [hbm:s6], $0xF7A  }
0x23: {  	s9 =	sor.u32 $0xD0000000, s2;
	s6 =	simm.s32 $0x108;
	_ =	swait.ge @!p0 [sflag:s8], $0x0  }
0x24: {  	s3 =	sadd.s32 $0x88, s3;
	s6 =	simm.s32 @!p1 $0x1082;
	[sflag:s4] =	ssyncset.s32 $0xFFFFF086  }
0x25: {  	[simem:s6], [sflag:s4] =	dma.local [hbm:s3], $0xF7A  }
0x26: {  	[smem:$0x3F9F] =	sst s1;
	(tag) =	ssettag s2;
	_ =	strace s9  }
0x27: {  	s1 =	sld [smem:$0x3FAF]  }
0x28: {  	s2 =	sld [smem:$0x3FB0]  }
0x29: {  	s4 =	sld [smem:$0x3FB2]  }
0x2a: {  	p0 =	seq.s32 s5, $0x0;
	s5 =	sld [smem:$0x3FB3]  }
0x2b: {  	s6 =	sld [smem:$0x3FB4]  }
0x2c: {  	s7 =	sld [smem:$0x3FB5]  }
0x2d: {  	s3 =	simm.s32 $0x108;
	s8 =	sld [smem:$0x3FB6]  }
0x2e: {  	s3 =	simm.s32 @!p0 $0x1082;
	s9 =	sld [smem:$0x3FB7]  }
0x2f: {  	lr =	sadd.s32 s0, s3;
	s0 =	sld [smem:$0x3FAE]  }
0x30: {  	s3 =	sld [smem:$0x3FB1]  }
0x31: {  	[smem:$0x3FBA] =	sst s10  }
0x32: {  	s10 =	sld [smem:$0x3FB8];
	_ =	sdelay $0x3  }
0x33: {  	p0 =	seq.s32 s10, $0x1;
	s10 =	sld [smem:$0x3FBA];
	_ =	sdelay $0x3  }
0x34: {  	[smem:$0x3FBA] =	sst s10  }
0x35: {  	s10 =	sld [smem:$0x3FB9];
	_ =	sdelay $0x3  }
0x36: {  	p1 =	seq.s32 s10, $0x1;
	s10 =	sld [smem:$0x3FBA];
	_ =	sdelay $0x3  }
0x37: {  	[smem:$0x3FBA] =	sst s10  }
0x38: {  	s10 =	sld [smem:$0x3FBB]  }
0x39: {  	_ = 	snop;
	(pc) =	sbr.ind lr, $3  }
0x3a: {  	_ = 	snop  }
0x3b: {  	_ = 	snop  }
0x3c: {  	p2 =	seq.s32 s10, $0x1;
	s10 =	sld [smem:$0x3FBA]  }
0x3d: {  	_ =	shalt  }
0x3e: {  	_ =	shalt  }
0x3f: {  	_ =	shalt  }
0x40: {  	_ =	shalt  }
0x41: {  	_ =	shalt  }
0x42: {  	_ =	shalt  }
0x43: {  	_ =	shalt  }
0x44: {  	_ =	shalt  }
0x45: {  	_ =	shalt  }
0x46: {  	_ =	shalt  }
0x47: {  	_ =	shalt  }
0x48: {  	_ =	shalt  }
0x49: {  	_ =	shalt  }
0x4a: {  	_ =	shalt  }
0x4b: {  	_ =	shalt  }
0x4c: {  	_ =	shalt  }
0x4d: {  	_ =	shalt  }
0x4e: {  	_ =	shalt  }
0x4f: {  	_ =	shalt  }
0x50: {  	_ =	shalt  }
0x51: {  	_ =	shalt  }
0x52: {  	_ =	shalt  }
0x53: {  	_ =	shalt  }
0x54: {  	_ =	shalt  }
0x55: {  	_ =	shalt  }
0x56: {  	_ =	shalt  }
0x57: {  	_ =	shalt  }
0x58: {  	_ =	shalt  }
0x59: {  	_ =	shalt  }
0x5a: {  	_ =	shalt  }
0x5b: {  	_ =	shalt  }
0x5c: {  	_ =	shalt  }
0x5d: {  	_ =	shalt  }
0x5e: {  	_ =	shalt  }
0x5f: {  	_ =	shalt  }
0x60: {  	_ =	shalt  }
0x61: {  	_ =	shalt  }
0x62: {  	_ =	shalt  }
0x63: {  	_ =	shalt  }
0x64: {  	_ =	shalt  }
0x65: {  	_ =	shalt  }
0x66: {  	_ =	shalt  }
0x67: {  	_ =	shalt  }
0x68: {  	_ =	shalt  }
0x69: {  	_ =	shalt  }
0x6a: {  	_ =	shalt  }
0x6b: {  	_ =	shalt  }
0x6c: {  	_ =	shalt  }
0x6d: {  	_ =	shalt  }
0x6e: {  	_ =	shalt  }
0x6f: {  	_ =	shalt  }
0x70: {  	_ =	shalt  }
0x71: {  	_ =	shalt  }
0x72: {  	_ =	shalt  }
0x73: {  	_ =	shalt  }
0x74: {  	_ =	shalt  }
0x75: {  	_ =	shalt  }
0x76: {  	_ =	shalt  }
0x77: {  	_ =	shalt  }
0x78: {  	_ =	shalt  }
0x79: {  	_ =	shalt  }
0x7a: {  	_ =	shalt  }
0x7b: {  	_ =	shalt  }
0x7c: {  	_ =	shalt  }
0x7d: {  	_ =	shalt  }
0x7e: {  	_ =	shalt  }
0x7f: {  	_ =	shalt  }
0x80: {  	_ =	shalt  }
0x81: {  	_ =	shalt  }
0x82: {  	_ =	shalt  }
0x83: {  	_ =	shalt  }
0x84: {  	_ =	shalt  }
0x85: {  	_ =	shalt  }
0x86: {  	_ =	shalt  }
0x87: {  	_ =	shalt  }
.Lfunc_end0:
.L_simem_size_0:
called_computation_lowered:
.L_overlay_start_0:
0x88: {  	s2 =	sld [smem:$0x3FD9]  }
0x89: {  	s3 =	sld [smem:$0x3FFE];
	_ =	sdelay $0x1  }
0x8a: {  	s1 =	srdreg.scid  }
0x8b: {  	s0 =	sand.u32 $0x1, s1  }
0x8c: {  	s16 =	sshll.u32 s0, $0xA;
	s2 =	sadd.s32 s3, s2  }
0x8d: {  	s2 =	sadd.s32 s2, s16  }
0x8e: {  	[smem:$0x3FC6] =	sst s2  }
0x8f: {  	_ = 	snop  }
0x90: {  	(tm) =	ssettm $0x1  }
0x91: {  	s17 =	sld [smem:$0x3FFB];
	_ =	sdelay $0x3  }
0x92: {  	_ =	strace s17  }
0x93: {  	s2 =	sld [smem:$0x3FFC];
	_ =	sdelay $0x3  }
0x94: {  	_ =	strace s2  }
0x95: {  	s2 =	sld [smem:$0x3FFD];
	_ =	sdelay $0x3  }
0x96: {  	_ =	strace s2  }
0x97: {  	_ =	strace $0x8FFFFFFF  }
0x98: {  	s18 =	sld [smem:$0x3FDB];
	_ =	sdelay $0x1  }
0x99: {  	s19 =	simm.s32 $_scs_section_size  }
0x9a: {  	s4 =	simm.s32 $_size__tile_overlayer_lowered;
	s5 =	simm.s32 $_tile_overlayer_lowered  }
0x9b: {  	s22 =	simm.s32 $0x1BFF;
	s21 =	sshll.u32 s5, $0x1;
	s2 =	sadd.s32 s19, s18  }
0x9c: {  	s6 =	simm.s32 $0x0;
	s20 =	sshll.u32 s4, $0x1;
	s4 =	sadd.s32 s21, s2  }
0x9d: {  	[timem:s6], [sflag:s22] =	dma.local [hbm:s4], s20  }
0x9e: {  	_ =	swait.ge [sflag:s22], s20  }
0x9f: {  	s3 =	ssub.s32 $0x0, s20;
	[sflag:s22] =	ssyncset.done $0x0  }
0xa0: {  	[sflag:s22] =	ssyncadd.s32 s3;
	_ =	sdelay $0x1  }
0xa1: {  	s23 =	simm.s32 $0x1B8B  }
0xa2: {  	_ =	swait.ge [sflag:s23], $0x1  }
0xa3: {  	[sflag:s23] =	ssyncset.done $0x0  }
0xa4: {  	s25 =	simm.s32 $0x1B8E;
	s24 =	sld [smem:$0x3FFE];
	[sflag:s23] =	ssyncadd.s32 $0xFFFFFFFF  }
0xa5: {  	s26 =	simm.s32 $execute0_lowered;
	[smem:$0x3FD2] =	sst s25  }
0xa6: {  	s4 =	sshll.u32 s26, $0x1;
	_ =	strace $0x80000046;
	[dreg:$0x1] =	wrdreg $0xFFFFFFFF  }
0xa7: {  	s28 =	simm.s32 $_size_execute0_lowered;
	s2 =	sadd.s32 s2, s4;
	[dreg:$0x0] =	wrdreg $0x0  }
0xa8: {  	s4 =	sshll.u32 s28, $0x1;
	[dreg:$0x2] =	wrdreg s2  }
0xa9: {  	[dreg:$0x3] =	wrdreg s4  }
0xaa: {  	[dreg:$0x4] =	wrdreg $0xC0  }
0xab: {  	_ =	task [dreg:s6], $0x5FFFF  }
0xac: {  	[dreg:$0x1] =	wrdreg $0xFFFFFFFF  }
0xad: {  	[dreg:$0x0] =	wrdreg $0x60  }
0xae: {  	[dreg:$0x2] =	wrdreg s24  }
0xaf: {  	[dreg:$0x3] =	wrdreg $0x9  }
0xb0: {  	_ =	task.clear_ibuf [dreg:s6], $0x4FFFF;
	_ =	strace $0x90000046  }
0xb1: {  	s29 =	simm.s32 $0x9;
	_ =	strace $0x80000048  }
0xb2: {  	_ =	swait.ge [sflag:s29], $0x1  }
0xb3: {  	[sflag:s29] =	ssyncadd.s32 $0xFFFFFFFF  }
0xb4: {  	_ =	strace $0x90000048  }
0xb5: {  	_ =	sfence  }
0xb6: {  	s30 =	sld [smem:$0x0];
	_ =	sdelay $0x2  }
0xb7: {  	s31 =	sshll.u32 s1, $0xD;
	s1 =	sshrl.u32 s1, $0x2  }
0xb8: {  	s3 =	sand.u32 $0x4000, s31;
	s1 =	sadd.s32 s1, s30  }
0xb9: {  	s0 =	sor.u32 s3, s0;
	s1 =	sshll.u32 s1, $0x11  }
0xba: {  	s0 =	sor.u32 s1, s0  }
0xbb: {  	s0 =	sadd.s32 $0x8F2B, s0  }
0xbc: {  	[sflag:s0] =	ssyncadd.remote.s32 $0x1  }
0xbd: {  	_ =	sfence.sel $0xFFFF  }
0xbe: {  	[dreg:$0x0] =	wrdreg $0xFFFFFFFF;
	(pc) =	sbr.abs _section_cstart, $3  }
0xbf: {  	[dreg:$0x1] =	wrdreg $0xFFFFFFFF  }
0xc0: {  	_ =	task.clear_ibuf [dreg:s6], $0x2FFFF;
	_ =	strace $0x9FFFFFFF  }
0xc1: {  	(tm) =	ssettm $0x7FFFFFFF  }
tec
execute0_lowered:
.L_overlay_start_1:
0x0: {  	(tag) =	ssettag $0x1  }
0x1: {  	s0 =	srdreg.scid  }
0x2: {  	s10 =	stileid.u32;
	s1 =	rddreg [dreg:$0x0]  }
0x3: {  	s2 =	simm.s32 $0x0;
	s11 =	simm.s32 $0x80;
	s12 =	simm.s32 $0x500  }
0x4: {  	s13 =	simm.s32 $0x2500;
	s14 =	simm.s32 $0x100;
	s15 =	simm.s32 $0x4500  }
0x5: {  	s16 =	simm.s32 $0x180;
	s17 =	simm.s32 $0x6500;
	s18 =	simm.s32 $0x200  }
0x6: {  	s19 =	simm.s32 $0x8500;
	s20 =	simm.s32 $0x280;
	s21 =	simm.s32 $0xA500  }
0x7: {  	s28 =	simm.s32 $0x10500;
	s29 =	simm.s32 $0x480;
	s30 =	simm.s32 $0x12500  }
0x8: {  	s31 =	simm.s32 $0x1;
	s0 =	sand.u32 $0x1, s0;
	s5 =	smul.u32 $0x19000, s10  }
0x9: {  	s3 =	sshll.u32 s10, $0x1;
	[smem:$0x7FF] =	sst s2;
	s24 =	smul.u32 $0xC8000, s10  }
0xa: {  	s7 =	sadd.s32 $0x400, s1;
	s10 =	simm.s32 $0x5;
	s8 =	smul.u32 $0xC800, s0  }
0xb: {  	s3 =	sor.u32 s0, s3;
	s6 =	ssub.s32 $0x2, s0;
	s0 =	smul.u32 $0x64000, s0  }
0xc: {  	_ =	strace $0x80000047;
	s4 =	smul.u32 $0xC800, s3;
	s9 =	sshrl.u32 s6, $0x1  }
0xd: {  	s3 =	sadd.s32 $0x32400, s1;
	s1 =	sadd.s32 $0x64CC00, s1;
	s6 =	ssub.s32 s6, s9  }
0xe: {  	s5 =	sadd.s32 s8, s5;
	s4 =	sshrl.u32 s4, $0x3;
	s22 =	smax.u32 s6, $0x1  }
0xf: {  	s23 =	sor.u32 $0x500, s5;
	s5 =	sor.u32 $0x280, s5;
	s4 =	sadd.s32 s7, s4  }
0x10: {  	[dreg:$0x3] =	wrdreg s22;
	s25 =	sshll.u32 s5, $0x3;
	s26 =	sshrl.u32 s5, $0x3  }
0x11: {  	s22 =	simm.s32 $0x300;
	[dreg:$0x2] =	wrdreg s4;
	s4 =	sshrl.u32 s23, $0x3  }
.Ltmp0:
0x12: {  	s8 =	sadd.s32 s26, s7;
	s23 =	simm.s32 $0xC500;
	(pc) =	sbr.rel .LBB2_1-.Ltmp0, $4  }
0x13: {  	s26 =	simm.s32 $0x400;
	s6 =	sadd.s32 s4, s7;
	s4 =	sadd.s32 s25, s1  }
0x14: {  	v0 =	vlaneseq.u32;
	s1 =	sadd.s32 s24, s1;
	s24 =	simm.s32 $0x380;
	s25 =	simm.s32 $0xE500  }
0x15: {  	v0 =	vand.u32 $0x7, v0;
	s7 =	simm.s32 $0x0;
	[dreg:$0x4] =	wrdreg s4;
	s0 =	sadd.s32 s0, s1  }
0x16: {  	v0 =	vmul.u32 $0x186A0, v0;
	s1 =	simm.s32 $0x2;
	[dreg:$0x5] =	wrdreg s0;
	s0 =	simm.s32 $0x3  }
.LBB2_5:
0x17: {  	_ =	swait.ge [sflag:s0], $0xA000  }
0x18: {  	[sflag:s0] =	ssyncset.done $0x0  }
0x19: {  	s5 =	simm.s32 $0x4;
	[sflag:s0] =	ssyncadd.s32 $0xFFFF6000  }
0x1a: {  	_ =	swait.ge [sflag:s5], $0xA000  }
0x1b: {  	s7 =	rddreg [dreg:$0x6]  }
0x1c: {  	s4 =	rddreg [dreg:$0x3];
	s7 =	sadd.s32 $0x1, s7  }
0x1d: {  	p0 =	sne.s32 s7, s4  }
.Ltmp1:
0x1e: {  	_ = 	snop;
	(pc) =	sbr.rel @!p0 .LBB2_6-.Ltmp1, $3  }
0x1f: {  	_ =	sdelay $0x1  }
0x20: {  	[sflag:s5] =	ssyncset.done $0x0  }
0x21: {  	[sflag:s5] =	ssyncadd.s32 $0xFFFF6000  }
.LBB2_1:
0x22: {  	[dreg:$0x6] =	wrdreg s7  }
0x23: {  	s4 =	rddreg [dreg:$0x2]  }
0x24: {  	[tilespmem:s2], [sflag:$0x5] =	stream.linear.gather [hbm4b:s4+s2], $0x280, $0x38;
	[tilespmem:$0x14500] =	vst v63  }
0x25: {  	_ =	swait.ge [sflag:s10], $0x280  }
0x26: {  	[sflag:s10] =	ssyncset.done $0x0  }
0x27: {  	[sflag:s10] =	ssyncadd.s32 $0xFFFFFD80  }
0x28: {  	v1 =	vld [tilespmem:$0x0]  }
0x29: {  	v2 =	vld [tilespmem:$0x10]  }
0x2a: {  	v3 =	vld [tilespmem:$0x20]  }
0x2b: {  	v4 =	vld [tilespmem:$0x30]  }
0x2c: {  	v5 =	vld [tilespmem:$0x40]  }
0x2d: {  	v6 =	vld [tilespmem:$0x50];
	v1 =	vadd.s32 v0, v1  }
0x2e: {  	[tilespmem:$0x0] =	vst v1;
	v1 =	vadd.s32 v0, v2;
	v2 =	vld [tilespmem:$0x60]  }
0x2f: {  	[tilespmem:$0x10] =	vst v1;
	v1 =	vadd.s32 v0, v3;
	v3 =	vld [tilespmem:$0x70]  }
0x30: {  	v44 =	vld [tilespmem:$0x80];
	[tilespmem:$0x20] =	vst v1;
	v1 =	vadd.s32 v0, v4  }
0x31: {  	v45 =	vld [tilespmem:$0x90];
	[tilespmem:$0x30] =	vst v1;
	v1 =	vadd.s32 v0, v5  }
0x32: {  	v46 =	vld [tilespmem:$0xA0];
	[tilespmem:$0x40] =	vst v1;
	v1 =	vadd.s32 v0, v6  }
0x33: {  	[tilespmem:$0x50] =	vst v1;
	v1 =	vadd.s32 v0, v2;
	v2 =	vld [tilespmem:$0xB0]  }
0x34: {  	[tilespmem:$0x60] =	vst v1;
	v1 =	vadd.s32 v0, v3;
	v3 =	vld [tilespmem:$0xC0]  }
0x35: {  	v47 =	vld [tilespmem:$0xD0];
	[tilespmem:$0x70] =	vst v1;
	v1 =	vadd.s32 v0, v44  }
0x36: {  	v48 =	vld [tilespmem:$0xE0];
	[tilespmem:$0x80] =	vst v1;
	v1 =	vadd.s32 v0, v45  }
0x37: {  	v49 =	vld [tilespmem:$0xF0];
	[tilespmem:$0x90] =	vst v1;
	v1 =	vadd.s32 v0, v46  }
0x38: {  	[tilespmem:$0xA0] =	vst v1;
	v1 =	vadd.s32 v0, v2;
	v2 =	vld [tilespmem:$0x100]  }
0x39: {  	[tilespmem:$0xB0] =	vst v1;
	v1 =	vadd.s32 v0, v3;
	v3 =	vld [tilespmem:$0x110]  }
0x3a: {  	v50 =	vld [tilespmem:$0x120];
	[tilespmem:$0xC0] =	vst v1;
	v1 =	vadd.s32 v0, v47  }
0x3b: {  	v51 =	vld [tilespmem:$0x130];
	[tilespmem:$0xD0] =	vst v1;
	v1 =	vadd.s32 v0, v48  }
0x3c: {  	v52 =	vld [tilespmem:$0x140];
	[tilespmem:$0xE0] =	vst v1;
	v1 =	vadd.s32 v0, v49  }
0x3d: {  	[tilespmem:$0xF0] =	vst v1;
	v1 =	vadd.s32 v0, v2;
	v2 =	vld [tilespmem:$0x150]  }
0x3e: {  	[tilespmem:$0x100] =	vst v1;
	v1 =	vadd.s32 v0, v3;
	v3 =	vld [tilespmem:$0x160]  }
0x3f: {  	v53 =	vld [tilespmem:$0x170];
	[tilespmem:$0x110] =	vst v1;
	v1 =	vadd.s32 v0, v50  }
0x40: {  	v54 =	vld [tilespmem:$0x180];
	[tilespmem:$0x120] =	vst v1;
	v1 =	vadd.s32 v0, v51  }
0x41: {  	v55 =	vld [tilespmem:$0x190];
	[tilespmem:$0x130] =	vst v1;
	v1 =	vadd.s32 v0, v52  }
0x42: {  	[tilespmem:$0x140] =	vst v1;
	v1 =	vadd.s32 v0, v2;
	v2 =	vld [tilespmem:$0x1A0]  }
0x43: {  	[tilespmem:$0x150] =	vst v1;
	v1 =	vadd.s32 v0, v3;
	v3 =	vld [tilespmem:$0x1B0]  }
0x44: {  	v56 =	vld [tilespmem:$0x1C0];
	[tilespmem:$0x160] =	vst v1;
	v1 =	vadd.s32 v0, v53  }
0x45: {  	v57 =	vld [tilespmem:$0x1D0];
	[tilespmem:$0x170] =	vst v1;
	v1 =	vadd.s32 v0, v54  }
0x46: {  	v58 =	vld [tilespmem:$0x1E0];
	[tilespmem:$0x180] =	vst v1;
	v1 =	vadd.s32 v0, v55  }
0x47: {  	[tilespmem:$0x190] =	vst v1;
	v1 =	vadd.s32 v0, v2;
	v2 =	vld [tilespmem:$0x1F0]  }
0x48: {  	[tilespmem:$0x1A0] =	vst v1;
	v1 =	vadd.s32 v0, v3;
	v3 =	vld [tilespmem:$0x200]  }
0x49: {  	v59 =	vld [tilespmem:$0x210];
	[tilespmem:$0x1B0] =	vst v1;
	v1 =	vadd.s32 v0, v56  }
0x4a: {  	v60 =	vld [tilespmem:$0x220];
	[tilespmem:$0x1C0] =	vst v1;
	v1 =	vadd.s32 v0, v57  }
0x4b: {  	v61 =	vld [tilespmem:$0x230];
	[tilespmem:$0x1D0] =	vst v1;
	v1 =	vadd.s32 v0, v58  }
0x4c: {  	[tilespmem:$0x1E0] =	vst v1;
	v1 =	vadd.s32 v0, v2;
	v2 =	vld [tilespmem:$0x240]  }
0x4d: {  	[tilespmem:$0x1F0] =	vst v1;
	v1 =	vadd.s32 v0, v3;
	v3 =	vld [tilespmem:$0x250]  }
0x4e: {  	v62 =	vld [tilespmem:$0x260];
	[tilespmem:$0x200] =	vst v1;
	v1 =	vadd.s32 v0, v59  }
0x4f: {  	v63 =	vld [tilespmem:$0x270];
	[tilespmem:$0x210] =	vst v1;
	v1 =	vadd.s32 v0, v60  }
0x50: {  	[tilespmem:$0x220] =	vst v1;
	v1 =	vadd.s32 v0, v61  }
0x51: {  	[tilespmem:$0x230] =	vst v1;
	v1 =	vadd.s32 v0, v2  }
0x52: {  	[tilespmem:$0x240] =	vst v1;
	v1 =	vadd.s32 v0, v3  }
0x53: {  	[tilespmem:$0x250] =	vst v1;
	v1 =	vadd.s32 v0, v62  }
0x54: {  	[tilespmem:$0x260] =	vst v1;
	v1 =	vadd.s32 v0, v63  }
0x55: {  	[tilespmem:$0x270] =	vst v1  }
0x56: {  	[tilespmem:s12], [sflag:$0x1] =	stream.indirect.gather [hbm4b:s3+s11], $0x40, s2, s11, $0xb8;
	[tilespmem:$0x14500] =	vst v63  }
0x57: {  	_ = 	snop  }
0x58: {  	[tilespmem:s13], [sflag:$0x1] =	stream.indirect.gather [hbm4b:s3+s11], $0x40, s11, s11, $0xb8;
	[tilespmem:$0x14500] =	vst v63  }
0x59: {  	_ = 	snop  }
0x5a: {  	[tilespmem:s15], [sflag:$0x1] =	stream.indirect.gather [hbm4b:s3+s11], $0x40, s14, s11, $0xb8;
	[tilespmem:$0x14500] =	vst v63  }
.Ltmp2:
0x5b: {  	_ = 	snop;
	(pc) =	sbr.rel .LBB2_2-.Ltmp2, $4  }
0x5c: {  	s9 =	rddreg [dreg:$0x5]  }
0x5d: {  	[tilespmem:s17], [sflag:$0x1] =	stream.indirect.gather [hbm4b:s3+s11], $0x40, s16, s11, $0xb8;
	[tilespmem:$0x14500] =	vst v63  }
0x5e: {  	s4 =	simm.s32 $0x0;
	s7 =	rddreg [dreg:$0x4]  }
0x5f: {  	[tilespmem:s19], [sflag:$0x1] =	stream.indirect.gather [hbm4b:s3+s11], $0x40, s18, s11, $0xb8;
	[tilespmem:$0x14500] =	vst v63  }
.LBB2_4:
0x60: {  	s4 =	sadd.s32 $0xA0, s4  }
0x61: {  	p0 =	sne.s32 s4, $0x1900  }
.Ltmp3:
0x62: {  	_ =	swait.ge [sflag:s1], $0xA000;
	(pc) =	sbr.rel @!p0 .LBB2_5-.Ltmp3, $4  }
0x63: {  	[sflag:s1] =	ssyncset.done $0x0  }
0x64: {  	[sflag:s1] =	ssyncadd.s32 $0xFFFF6000  }
0x65: {  	[hbm4b:s7+s2] =	stream.linear.scatter [tilespmem:s21], [sflag:$0x4], $0xA000, $0x38;
	[tilespmem:$0x14500] =	vst v63  }
0x66: {  	s9 =	sadd.s32 $0x2800, s9;
	s7 =	sadd.s32 $0x2800, s7  }
.LBB2_2:
0x67: {  	p0 =	seq.s32 s4, $0x0  }
0x68: {  	s5 =	simm.s32 @!p0 $0x4  }
0x69: {  	_ =	swait.ge @!p0 [sflag:s5], $0xA000  }
0x6a: {  	[sflag:s5] =	ssyncset.done @!p0 $0x0  }
0x6b: {  	[sflag:s5] =	ssyncadd.s32 @!p0 $0xFFFF6000;
	s5 =	sadd.s32 s4, s8  }
0x6c: {  	[tilespmem:s20], [sflag:$0x5] =	stream.linear.gather [hbm4b:s5+s2], $0x280, $0x38;
	[tilespmem:$0x14500] =	vst v63  }
0x6d: {  	_ =	swait.ge [sflag:s10], $0x280  }
0x6e: {  	[sflag:s10] =	ssyncset.done $0x0  }
0x6f: {  	[sflag:s10] =	ssyncadd.s32 $0xFFFFFD80  }
0x70: {  	v1 =	vld [tilespmem:$0x280]  }
0x71: {  	v2 =	vld [tilespmem:$0x290]  }
0x72: {  	v3 =	vld [tilespmem:$0x2A0]  }
0x73: {  	v4 =	vld [tilespmem:$0x2B0]  }
0x74: {  	v5 =	vld [tilespmem:$0x2C0]  }
0x75: {  	v6 =	vld [tilespmem:$0x2D0];
	v1 =	vadd.s32 v0, v1  }
0x76: {  	[tilespmem:$0x280] =	vst v1;
	v1 =	vadd.s32 v0, v2;
	v2 =	vld [tilespmem:$0x2E0]  }
0x77: {  	[tilespmem:$0x290] =	vst v1;
	v1 =	vadd.s32 v0, v3;
	v3 =	vld [tilespmem:$0x2F0]  }
0x78: {  	v44 =	vld [tilespmem:$0x300];
	[tilespmem:$0x2A0] =	vst v1;
	v1 =	vadd.s32 v0, v4  }
0x79: {  	v45 =	vld [tilespmem:$0x310];
	[tilespmem:$0x2B0] =	vst v1;
	v1 =	vadd.s32 v0, v5  }
0x7a: {  	v46 =	vld [tilespmem:$0x320];
	[tilespmem:$0x2C0] =	vst v1;
	v1 =	vadd.s32 v0, v6  }
0x7b: {  	[tilespmem:$0x2D0] =	vst v1;
	v1 =	vadd.s32 v0, v2;
	v2 =	vld [tilespmem:$0x330]  }
0x7c: {  	[tilespmem:$0x2E0] =	vst v1;
	v1 =	vadd.s32 v0, v3;
	v3 =	vld [tilespmem:$0x340]  }
0x7d: {  	v47 =	vld [tilespmem:$0x350];
	[tilespmem:$0x2F0] =	vst v1;
	v1 =	vadd.s32 v0, v44  }
0x7e: {  	v48 =	vld [tilespmem:$0x360];
	[tilespmem:$0x300] =	vst v1;
	v1 =	vadd.s32 v0, v45  }
0x7f: {  	v49 =	vld [tilespmem:$0x370];
	[tilespmem:$0x310] =	vst v1;
	v1 =	vadd.s32 v0, v46  }
0x80: {  	[tilespmem:$0x320] =	vst v1;
	v1 =	vadd.s32 v0, v2;
	v2 =	vld [tilespmem:$0x380]  }
0x81: {  	[tilespmem:$0x330] =	vst v1;
	v1 =	vadd.s32 v0, v3;
	v3 =	vld [tilespmem:$0x390]  }
0x82: {  	v50 =	vld [tilespmem:$0x3A0];
	[tilespmem:$0x340] =	vst v1;
	v1 =	vadd.s32 v0, v47  }
0x83: {  	v51 =	vld [tilespmem:$0x3B0];
	[tilespmem:$0x350] =	vst v1;
	v1 =	vadd.s32 v0, v48  }
0x84: {  	v52 =	vld [tilespmem:$0x3C0];
	[tilespmem:$0x360] =	vst v1;
	v1 =	vadd.s32 v0, v49  }
0x85: {  	[tilespmem:$0x370] =	vst v1;
	v1 =	vadd.s32 v0, v2;
	v2 =	vld [tilespmem:$0x3D0]  }
0x86: {  	[tilespmem:$0x380] =	vst v1;
	v1 =	vadd.s32 v0, v3;
	v3 =	vld [tilespmem:$0x3E0]  }
0x87: {  	v53 =	vld [tilespmem:$0x3F0];
	[tilespmem:$0x390] =	vst v1;
	v1 =	vadd.s32 v0, v50  }
0x88: {  	v54 =	vld [tilespmem:$0x400];
	[tilespmem:$0x3A0] =	vst v1;
	v1 =	vadd.s32 v0, v51  }
0x89: {  	v55 =	vld [tilespmem:$0x410];
	[tilespmem:$0x3B0] =	vst v1;
	v1 =	vadd.s32 v0, v52  }
0x8a: {  	[tilespmem:$0x3C0] =	vst v1;
	v1 =	vadd.s32 v0, v2;
	v2 =	vld [tilespmem:$0x420]  }
0x8b: {  	[tilespmem:$0x3D0] =	vst v1;
	v1 =	vadd.s32 v0, v3;
	v3 =	vld [tilespmem:$0x430]  }
0x8c: {  	v56 =	vld [tilespmem:$0x440];
	[tilespmem:$0x3E0] =	vst v1;
	v1 =	vadd.s32 v0, v53  }
0x8d: {  	v57 =	vld [tilespmem:$0x450];
	[tilespmem:$0x3F0] =	vst v1;
	v1 =	vadd.s32 v0, v54  }
0x8e: {  	v58 =	vld [tilespmem:$0x460];
	[tilespmem:$0x400] =	vst v1;
	v1 =	vadd.s32 v0, v55  }
0x8f: {  	[tilespmem:$0x410] =	vst v1;
	v1 =	vadd.s32 v0, v2;
	v2 =	vld [tilespmem:$0x470]  }
0x90: {  	[tilespmem:$0x420] =	vst v1;
	v1 =	vadd.s32 v0, v3;
	v3 =	vld [tilespmem:$0x480]  }
0x91: {  	v59 =	vld [tilespmem:$0x490];
	[tilespmem:$0x430] =	vst v1;
	v1 =	vadd.s32 v0, v56  }
0x92: {  	v60 =	vld [tilespmem:$0x4A0];
	[tilespmem:$0x440] =	vst v1;
	v1 =	vadd.s32 v0, v57  }
0x93: {  	v61 =	vld [tilespmem:$0x4B0];
	[tilespmem:$0x450] =	vst v1;
	v1 =	vadd.s32 v0, v58  }
0x94: {  	[tilespmem:$0x460] =	vst v1;
	v1 =	vadd.s32 v0, v2;
	v2 =	vld [tilespmem:$0x4C0]  }
0x95: {  	[tilespmem:$0x470] =	vst v1;
	v1 =	vadd.s32 v0, v3;
	v3 =	vld [tilespmem:$0x4D0]  }
0x96: {  	v62 =	vld [tilespmem:$0x4E0];
	[tilespmem:$0x480] =	vst v1;
	v1 =	vadd.s32 v0, v59  }
0x97: {  	v63 =	vld [tilespmem:$0x4F0];
	[tilespmem:$0x490] =	vst v1;
	v1 =	vadd.s32 v0, v60  }
0x98: {  	[tilespmem:$0x4A0] =	vst v1;
	v1 =	vadd.s32 v0, v61  }
0x99: {  	[tilespmem:$0x4B0] =	vst v1;
	v1 =	vadd.s32 v0, v2  }
0x9a: {  	[tilespmem:$0x4C0] =	vst v1;
	v1 =	vadd.s32 v0, v3  }
0x9b: {  	[tilespmem:$0x4D0] =	vst v1;
	v1 =	vadd.s32 v0, v62  }
0x9c: {  	[tilespmem:$0x4E0] =	vst v1;
	v1 =	vadd.s32 v0, v63  }
0x9d: {  	[tilespmem:$0x4F0] =	vst v1  }
0x9e: {  	[tilespmem:s21], [sflag:$0x2] =	stream.indirect.gather [hbm4b:s3+s11], $0x40, s20, s11, $0xb8;
	[tilespmem:$0x14500] =	vst v63  }
0x9f: {  	_ = 	snop  }
0xa0: {  	[tilespmem:s23], [sflag:$0x2] =	stream.indirect.gather [hbm4b:s3+s11], $0x40, s22, s11, $0xb8;
	[tilespmem:$0x14500] =	vst v63  }
0xa1: {  	_ = 	snop  }
0xa2: {  	[tilespmem:s25], [sflag:$0x2] =	stream.indirect.gather [hbm4b:s3+s11], $0x40, s24, s11, $0xb8;
	[tilespmem:$0x14500] =	vst v63  }
0xa3: {  	_ = 	snop  }
0xa4: {  	[tilespmem:s28], [sflag:$0x2] =	stream.indirect.gather [hbm4b:s3+s11], $0x40, s26, s11, $0xb8;
	[tilespmem:$0x14500] =	vst v63  }
0xa5: {  	p0 =	seq.s32 s4, $0x1860  }
0xa6: {  	[tilespmem:s30], [sflag:$0x2] =	stream.indirect.gather [hbm4b:s3+s11], $0x40, s29, s11, $0xb8;
	[tilespmem:$0x14500] =	vst v63  }
.Ltmp4:
0xa7: {  	_ = 	snop;
	(pc) =	sbr.rel @p0 .LBB2_4-.Ltmp4, $4  }
0xa8: {  	_ =	swait.ge [sflag:s31], $0xA000  }
0xa9: {  	[sflag:s31] =	ssyncset.done $0x0  }
0xaa: {  	[sflag:s31] =	ssyncadd.s32 $0xFFFF6000  }
0xab: {  	[hbm4b:s9+s2] =	stream.linear.scatter [tilespmem:s12], [sflag:$0x3], $0xA000, $0x38;
	[tilespmem:$0x14500] =	vst v63  }
0xac: {  	_ =	swait.ge [sflag:s0], $0xA000  }
0xad: {  	[sflag:s0] =	ssyncset.done $0x0  }
0xae: {  	s5 =	sadd.s32 s4, s6;
	[sflag:s0] =	ssyncadd.s32 $0xFFFF6000  }
0xaf: {  	[tilespmem:s2], [sflag:$0x5] =	stream.linear.gather [hbm4b:s5+s2], $0x280, $0x38;
	[tilespmem:$0x14500] =	vst v63  }
0xb0: {  	_ =	swait.ge [sflag:s10], $0x280  }
0xb1: {  	[sflag:s10] =	ssyncset.done $0x0  }
0xb2: {  	[sflag:s10] =	ssyncadd.s32 $0xFFFFFD80  }
0xb3: {  	v1 =	vld [tilespmem:$0x0]  }
0xb4: {  	v2 =	vld [tilespmem:$0x10]  }
0xb5: {  	v3 =	vld [tilespmem:$0x20]  }
0xb6: {  	v4 =	vld [tilespmem:$0x30]  }
0xb7: {  	v5 =	vld [tilespmem:$0x40]  }
0xb8: {  	v6 =	vld [tilespmem:$0x50];
	v1 =	vadd.s32 v0, v1  }
0xb9: {  	[tilespmem:$0x0] =	vst v1;
	v1 =	vadd.s32 v0, v2;
	v2 =	vld [tilespmem:$0x60]  }
0xba: {  	[tilespmem:$0x10] =	vst v1;
	v1 =	vadd.s32 v0, v3;
	v3 =	vld [tilespmem:$0x70]  }
0xbb: {  	v44 =	vld [tilespmem:$0x80];
	[tilespmem:$0x20] =	vst v1;
	v1 =	vadd.s32 v0, v4  }
0xbc: {  	v45 =	vld [tilespmem:$0x90];
	[tilespmem:$0x30] =	vst v1;
	v1 =	vadd.s32 v0, v5  }
0xbd: {  	v46 =	vld [tilespmem:$0xA0];
	[tilespmem:$0x40] =	vst v1;
	v1 =	vadd.s32 v0, v6  }
0xbe: {  	[tilespmem:$0x50] =	vst v1;
	v1 =	vadd.s32 v0, v2;
	v2 =	vld [tilespmem:$0xB0]  }
0xbf: {  	[tilespmem:$0x60] =	vst v1;
	v1 =	vadd.s32 v0, v3;
	v3 =	vld [tilespmem:$0xC0]  }
0xc0: {  	v47 =	vld [tilespmem:$0xD0];
	[tilespmem:$0x70] =	vst v1;
	v1 =	vadd.s32 v0, v44  }
0xc1: {  	v48 =	vld [tilespmem:$0xE0];
	[tilespmem:$0x80] =	vst v1;
	v1 =	vadd.s32 v0, v45  }
0xc2: {  	v49 =	vld [tilespmem:$0xF0];
	[tilespmem:$0x90] =	vst v1;
	v1 =	vadd.s32 v0, v46  }
0xc3: {  	[tilespmem:$0xA0] =	vst v1;
	v1 =	vadd.s32 v0, v2;
	v2 =	vld [tilespmem:$0x100]  }
0xc4: {  	[tilespmem:$0xB0] =	vst v1;
	v1 =	vadd.s32 v0, v3;
	v3 =	vld [tilespmem:$0x110]  }
0xc5: {  	v50 =	vld [tilespmem:$0x120];
	[tilespmem:$0xC0] =	vst v1;
	v1 =	vadd.s32 v0, v47  }
0xc6: {  	v51 =	vld [tilespmem:$0x130];
	[tilespmem:$0xD0] =	vst v1;
	v1 =	vadd.s32 v0, v48  }
0xc7: {  	v52 =	vld [tilespmem:$0x140];
	[tilespmem:$0xE0] =	vst v1;
	v1 =	vadd.s32 v0, v49  }
0xc8: {  	[tilespmem:$0xF0] =	vst v1;
	v1 =	vadd.s32 v0, v2;
	v2 =	vld [tilespmem:$0x150]  }
0xc9: {  	[tilespmem:$0x100] =	vst v1;
	v1 =	vadd.s32 v0, v3;
	v3 =	vld [tilespmem:$0x160]  }
0xca: {  	v53 =	vld [tilespmem:$0x170];
	[tilespmem:$0x110] =	vst v1;
	v1 =	vadd.s32 v0, v50  }
0xcb: {  	v54 =	vld [tilespmem:$0x180];
	[tilespmem:$0x120] =	vst v1;
	v1 =	vadd.s32 v0, v51  }
0xcc: {  	v55 =	vld [tilespmem:$0x190];
	[tilespmem:$0x130] =	vst v1;
	v1 =	vadd.s32 v0, v52  }
0xcd: {  	[tilespmem:$0x140] =	vst v1;
	v1 =	vadd.s32 v0, v2;
	v2 =	vld [tilespmem:$0x1A0]  }
0xce: {  	[tilespmem:$0x150] =	vst v1;
	v1 =	vadd.s32 v0, v3;
	v3 =	vld [tilespmem:$0x1B0]  }
0xcf: {  	v56 =	vld [tilespmem:$0x1C0];
	[tilespmem:$0x160] =	vst v1;
	v1 =	vadd.s32 v0, v53  }
0xd0: {  	v57 =	vld [tilespmem:$0x1D0];
	[tilespmem:$0x170] =	vst v1;
	v1 =	vadd.s32 v0, v54  }
0xd1: {  	v58 =	vld [tilespmem:$0x1E0];
	[tilespmem:$0x180] =	vst v1;
	v1 =	vadd.s32 v0, v55  }
0xd2: {  	[tilespmem:$0x190] =	vst v1;
	v1 =	vadd.s32 v0, v2;
	v2 =	vld [tilespmem:$0x1F0]  }
0xd3: {  	[tilespmem:$0x1A0] =	vst v1;
	v1 =	vadd.s32 v0, v3;
	v3 =	vld [tilespmem:$0x200]  }
0xd4: {  	v59 =	vld [tilespmem:$0x210];
	[tilespmem:$0x1B0] =	vst v1;
	v1 =	vadd.s32 v0, v56  }
0xd5: {  	v60 =	vld [tilespmem:$0x220];
	[tilespmem:$0x1C0] =	vst v1;
	v1 =	vadd.s32 v0, v57  }
0xd6: {  	v61 =	vld [tilespmem:$0x230];
	[tilespmem:$0x1D0] =	vst v1;
	v1 =	vadd.s32 v0, v58  }
0xd7: {  	[tilespmem:$0x1E0] =	vst v1;
	v1 =	vadd.s32 v0, v2;
	v2 =	vld [tilespmem:$0x240]  }
0xd8: {  	[tilespmem:$0x1F0] =	vst v1;
	v1 =	vadd.s32 v0, v3;
	v3 =	vld [tilespmem:$0x250]  }
0xd9: {  	v62 =	vld [tilespmem:$0x260];
	[tilespmem:$0x200] =	vst v1;
	v1 =	vadd.s32 v0, v59  }
0xda: {  	v63 =	vld [tilespmem:$0x270];
	[tilespmem:$0x210] =	vst v1;
	v1 =	vadd.s32 v0, v60  }
0xdb: {  	[tilespmem:$0x220] =	vst v1;
	v1 =	vadd.s32 v0, v61  }
0xdc: {  	[tilespmem:$0x230] =	vst v1;
	v1 =	vadd.s32 v0, v2  }
0xdd: {  	[tilespmem:$0x240] =	vst v1;
	v1 =	vadd.s32 v0, v3  }
0xde: {  	[tilespmem:$0x250] =	vst v1;
	v1 =	vadd.s32 v0, v62  }
0xdf: {  	[tilespmem:$0x260] =	vst v1;
	v1 =	vadd.s32 v0, v63  }
0xe0: {  	[tilespmem:$0x270] =	vst v1  }
0xe1: {  	[tilespmem:s12], [sflag:$0x1] =	stream.indirect.gather [hbm4b:s3+s11], $0x40, s2, s11, $0xb8;
	[tilespmem:$0x14500] =	vst v63  }
0xe2: {  	_ = 	snop  }
0xe3: {  	[tilespmem:s13], [sflag:$0x1] =	stream.indirect.gather [hbm4b:s3+s11], $0x40, s11, s11, $0xb8;
	[tilespmem:$0x14500] =	vst v63  }
0xe4: {  	_ = 	snop  }
0xe5: {  	[tilespmem:s15], [sflag:$0x1] =	stream.indirect.gather [hbm4b:s3+s11], $0x40, s14, s11, $0xb8;
	[tilespmem:$0x14500] =	vst v63  }
.Ltmp5:
0xe6: {  	_ = 	snop;
	(pc) =	sbr.rel .LBB2_4-.Ltmp5, $4  }
0xe7: {  	_ = 	snop  }
0xe8: {  	[tilespmem:s17], [sflag:$0x1] =	stream.indirect.gather [hbm4b:s3+s11], $0x40, s16, s11, $0xb8;
	[tilespmem:$0x14500] =	vst v63  }
0xe9: {  	_ = 	snop  }
0xea: {  	[tilespmem:s19], [sflag:$0x1] =	stream.indirect.gather [hbm4b:s3+s11], $0x40, s18, s11, $0xb8;
	[tilespmem:$0x14500] =	vst v63  }
.LBB2_6:
0xeb: {  	_ =	sfence.sel $0x180000  }
0xec: {  	[bflag:$0x0] =	sbarrier.arrive $0xFFFF  }
0xed: {  	_ =	strace $0x90000047  }
0xee: {  	s0 =	stileid.u32;
	[bflag:$0x2] =	sbarrier.arrive $0xFFFF  }
0xef: {  	p0 =	sne.s32 s0, $0x0;
	s0 =	rddreg [dreg:$0x1]  }
0xf0: {  	s0 =	sadd.s32 @!p0 $0x100000, s0  }
0xf1: {  	[sflag:s0] =	ssyncadd.tile.s32 @!p0 $0x1;
	_ =	shalt  }
.Lfunc_end2:
_tile_overlayer_lowered:
.L_overlay_start_2:
0xf2: {  	(tag) =	ssettag $0x2  }
0xf3: {  	s0 =	rddreg [dreg:$0x0];
	s2 =	stileid.u32  }
0xf4: {  	s1 =	rddreg [dreg:$0x1];
	p0 =	sne.s32 s2, $0x0  }
0xf5: {  	s3 =	rddreg [dreg:$0x2];
	[bflag:$0x3] =	sbarrier.arrive $0xFFFF;
	s2 =	simm.s32 @!p0 $0x1C05  }
0xf6: {  	[timem:s3], [sflag:s2] =	dma.local @!p0 [hbm:s0], s1  }
0xf7: {  	s0 =	simm.s32 @!p0 $0x5  }
0xf8: {  	_ =	swait.ge @!p0 [sflag:s0], s1  }
0xf9: {  	s1 =	ssub.s32 @!p0 $0x0, s1;
	[sflag:s0] =	ssyncset.done @!p0 $0x0  }
0xfa: {  	[sflag:s0] =	ssyncadd.s32 @!p0 s1  }
0xfb: {  	[bflag:$0x3] =	sbarrier.arrive $0xFFFF  }
0xfc: {  	_ =	shalt  }

</sc_bundles>
